<compile_context>
chip_gen: v7x
topology: tpu7x:2x2x1
jax: 0.10.2.dev20260603
libtpu: 0.0.44.dev20260713+nightly
codegen_flags: <defaults>
</compile_context>

<pallas_src>
import jax
import jax.numpy as jnp
from jax import lax
from jax.experimental import pallas as pl
from jax.experimental.pallas import tpu as pltpu
from jax.experimental.pallas import tpu_sc as plsc

B, F, IMG = 4, 384, 128 * 128
L, K = 64 * 64, 9
BF = B * F
NC, NS, LANES = 2, 16, 16
NW = NC * NS
ROWS = BF // NW
NPAIRS = ROWS // 2
NLB = L // LANES
SENT = IMG
RBUF = IMG + 128
MCH = (K * L) // 3
PACK = plsc.PackFormat.INTERLEAVED


def _pool_body(img, idxr, maskr, out,
               enc_v, r00, r01, r10, r11, o00, o01, o10, o11,
               isem0, isem1, osem0, osem1):
    wid = lax.axis_index("s") * NC + lax.axis_index("c")
    base = wid * ROWS

    rbufs = (r00, r01, r10, r11)
    sent = jnp.full((LANES,), SENT, jnp.int32)

    def _build(xbuf, mbuf, fbase):
        @plsc.parallel_loop(0, MCH // 32, unroll=2)
        def _b(i, fbase=fbase, xbuf=xbuf, mbuf=mbuf):
            off = i * 32
            ia = plsc.bitcast(xbuf[0, pl.ds(off, LANES)], jnp.int32)
            ib = plsc.bitcast(xbuf[0, pl.ds(off + LANES, LANES)], jnp.int32)
            ma = mbuf[0, pl.ds(off, LANES)]
            mb = mbuf[0, pl.ds(off + LANES, LANES)]
            ea = jnp.where(ma > 0.0, ia, sent)
            eb = jnp.where(mb > 0.0, ib, sent)
            packed = plsc.pack(ea, eb, format=PACK)
            enc_v[pl.ds((fbase + off) // 2, LANES)] = plsc.bitcast(
                packed, jnp.int32)

    pltpu.async_copy(img.at[pl.ds(base + 0, 1), :],
                     r10.at[:, pl.ds(0, IMG)], isem1)
    pltpu.async_copy(img.at[pl.ds(base + 1, 1), :],
                     r11.at[:, pl.ds(0, IMG)], isem1)
    for c in range(3):
        pltpu.async_copy(idxr.at[pl.ds(c * MCH, MCH)],
                         r00.at[0, pl.ds(0, MCH)], isem0)
        pltpu.async_copy(maskr.at[pl.ds(c * MCH, MCH)],
                         r01.at[0, pl.ds(0, MCH)], isem0)
        pltpu.make_async_copy(idxr.at[pl.ds(c * MCH, MCH)],
                              r00.at[0, pl.ds(0, MCH)], isem0).wait()
        pltpu.make_async_copy(maskr.at[pl.ds(c * MCH, MCH)],
                              r01.at[0, pl.ds(0, MCH)], isem0).wait()
        _build(r00, r01, c * MCH)

    zeros = jnp.zeros((LANES,), jnp.float32)
    for rb in rbufs:
        rb[0, pl.ds(IMG, LANES)] = zeros

    pltpu.async_copy(img.at[pl.ds(base + 2, 1), :],
                     r00.at[:, pl.ds(0, IMG)], isem0)
    pltpu.async_copy(img.at[pl.ds(base + 3, 1), :],
                     r01.at[:, pl.ds(0, IMG)], isem0)

    sets = ((r10, r11, o10, o11, isem1, osem1),
            (r00, r01, o00, o01, isem0, osem0))

    @pl.loop(0, NPAIRS, step=2)
    def _pair2(p0):
        for b, (ra, rb, oa, ob, isem, osem) in enumerate(sets):
            p = p0 + b
            rowa = base + 2 * p
            pltpu.make_async_copy(img.at[pl.ds(rowa, 1), :],
                                  ra.at[:, pl.ds(0, IMG)], isem).wait()
            pltpu.make_async_copy(img.at[pl.ds(rowa + 1, 1), :],
                                  rb.at[:, pl.ds(0, IMG)], isem).wait()

            @pl.when(p0 >= 2)
            def _drain():
                pltpu.make_async_copy(oa, out.at[pl.ds(rowa, 1), :],
                                      osem).wait()
                pltpu.make_async_copy(ob, out.at[pl.ds(rowa, 1), :],
                                      osem).wait()

            ra1, rb1 = ra.at[0], rb.at[0]

            @plsc.parallel_loop(0, NLB, step=2, unroll=1)
            def _lb(lb):
                off = lb * LANES
                sl0 = pl.ds(off, LANES)
                sl1 = pl.ds(off + LANES, LANES)
                a0 = a1 = b0 = b1 = None
                for k in range(K):
                    pk32 = enc_v[pl.ds(k * (L // 2) + off // 2, LANES)]
                    e0, e1 = plsc.unpack(plsc.bitcast(pk32, jnp.int16),
                                         format=PACK,
                                         preferred_element_type=jnp.int32)
                    ga0 = plsc.load_gather(ra1, [e0])
                    ga1 = plsc.load_gather(ra1, [e1])
                    gb0 = plsc.load_gather(rb1, [e0])
                    gb1 = plsc.load_gather(rb1, [e1])
                    a0 = ga0 if a0 is None else a0 + ga0
                    a1 = ga1 if a1 is None else a1 + ga1
                    b0 = gb0 if b0 is None else b0 + gb0
                    b1 = gb1 if b1 is None else b1 + gb1
                oa[0, sl0] = a0 * (1.0 / K)
                oa[0, sl1] = a1 * (1.0 / K)
                ob[0, sl0] = b0 * (1.0 / K)
                ob[0, sl1] = b1 * (1.0 / K)

            pltpu.async_copy(oa, out.at[pl.ds(rowa, 1), :], osem)
            pltpu.async_copy(ob, out.at[pl.ds(rowa + 1, 1), :], osem)

            @pl.when(p0 < NPAIRS - 2)
            def _prefetch():
                na = rowa + 4
                pltpu.async_copy(img.at[pl.ds(na, 1), :],
                                 ra.at[:, pl.ds(0, IMG)], isem)
                pltpu.async_copy(img.at[pl.ds(na + 1, 1), :],
                                 rb.at[:, pl.ds(0, IMG)], isem)

    for (_, _, oa, ob, _, osem) in sets:
        pltpu.make_async_copy(oa, out.at[pl.ds(base, 1), :], osem).wait()
        pltpu.make_async_copy(ob, out.at[pl.ds(base, 1), :], osem).wait()


@jax.jit
def _pool(img2d, idx1d, mask1d):
    fn = pl.kernel(
        _pool_body,
        out_type=jax.ShapeDtypeStruct((BF, L), jnp.float32),
        mesh=plsc.VectorSubcoreMesh(core_axis_name="c", subcore_axis_name="s"),
        compiler_params=pltpu.CompilerParams(needs_layout_passes=False),
        scratch_types=[
            pltpu.VMEM((K * L // 2,), jnp.int32),
            pltpu.VMEM((1, RBUF), jnp.float32),
            pltpu.VMEM((1, RBUF), jnp.float32),
            pltpu.VMEM((1, RBUF), jnp.float32),
            pltpu.VMEM((1, RBUF), jnp.float32),
            pltpu.VMEM((1, L), jnp.float32),
            pltpu.VMEM((1, L), jnp.float32),
            pltpu.VMEM((1, L), jnp.float32),
            pltpu.VMEM((1, L), jnp.float32),
            pltpu.SemaphoreType.DMA,
            pltpu.SemaphoreType.DMA,
            pltpu.SemaphoreType.DMA,
            pltpu.SemaphoreType.DMA,
        ],
    )
    return fn(img2d, idx1d, mask1d)


def kernel(input_images, indices, mask):
    out2d = _pool(input_images.reshape(BF, IMG),
                  lax.bitcast_convert_type(indices, jnp.float32)
                     .reshape(K * L),
                  mask.reshape(K * L))
    return out2d.reshape(B, F, L)

# --- scband reference (transcript-rebuilt; emitter-appended) ---
"""Pipeline reference for scband-indexed-average-pool2d-13219909337239 (READ-ONLY COPY).

The authoritative reference and input builder live on the scoring server;
editing this copy changes nothing except your own understanding.
"""

import jax, jax.numpy as jnp
import numpy as np

B, F, IMG = 4, 384, 128 * 128      # batch, features, flattened image size
L, K = 64 * 64, 9                  # pooled image size, kernel size


def setup_inputs(seed: int = 0) -> dict:
    key = jax.random.key(seed)
    k1, k2 = jax.random.split(key, 2)
    input_images = jax.random.normal(k1, (B, F, IMG), dtype=jnp.float32)
    # raw indices as the torch module receives them: (L, kernel_size) with -1 = missing neighbor
    raw = jax.random.randint(k2, (L, K), -1, IMG)
    # utils.prepare_mask: clamp -1 -> 0, mask out missing neighbors, transpose to (K, L)
    # so that the mean over axis 2 reduces the kernel dimension (zero-padded average pool)
    indices = jnp.transpose(jnp.clip(raw, 0, IMG - 1)).astype(jnp.int32)   # (K, L)
    mask = jnp.transpose((raw >= 0).astype(jnp.float32))                   # (K, L)
    return {"input_images": input_images, "indices": indices, "mask": mask}


def reference(input_images, indices, mask):
    # col: (B, F, K, L) gathered neighbor pixels, masked for zero-padding
    col = input_images[..., indices] * mask
    # mean over the kernel dimension (axis 2), matching torch.mean(col, 2)
    out = jnp.mean(col, axis=2)    # (B, F, L)
    return out

if __name__ == "__main__":
    import jax
    _d = setup_inputs()
    print(jax.jit(kernel)(*tuple(_d.values())))

</pallas_src>

<mosaic_0001>
#map = affine_map<(d0, d1) -> (0, 0)>
#map1 = affine_map<(d0, d1) -> (0)>
module attributes {stable_mosaic.version = 14 : i64} {
  func.func @_pool_body(%arg0: i32, %arg1: i32, %arg2: memref<1536x16384xf32, #tpu.memory_space<hbm>>, %arg3: memref<36864xf32, #tpu.memory_space<hbm>>, %arg4: memref<36864xf32, #tpu.memory_space<hbm>>, %arg5: memref<1536x4096xf32, #tpu.memory_space<hbm>>, %arg6: memref<18432xi32, #tpu.memory_space<vmem>>, %arg7: memref<1x16512xf32, #tpu.memory_space<vmem>>, %arg8: memref<1x16512xf32, #tpu.memory_space<vmem>>, %arg9: memref<1x16512xf32, #tpu.memory_space<vmem>>, %arg10: memref<1x16512xf32, #tpu.memory_space<vmem>>, %arg11: memref<1x4096xf32, #tpu.memory_space<vmem>>, %arg12: memref<1x4096xf32, #tpu.memory_space<vmem>>, %arg13: memref<1x4096xf32, #tpu.memory_space<vmem>>, %arg14: memref<1x4096xf32, #tpu.memory_space<vmem>>, %arg15: memref<!tpu.dma_semaphore, #tpu.memory_space<semaphore_mem>>, %arg16: memref<!tpu.dma_semaphore, #tpu.memory_space<semaphore_mem>>, %arg17: memref<!tpu.dma_semaphore, #tpu.memory_space<semaphore_mem>>, %arg18: memref<!tpu.dma_semaphore, #tpu.memory_space<semaphore_mem>>) attributes {dimension_semantics = [#tpu.dimension_semantics<core_parallel>, #tpu.dimension_semantics<subcore_parallel>], iteration_bounds = array<i64: 2, 16>, scalar_prefetch = 0 : i64, scratch_operands = 13 : i64, tpu.core_type = #tpu.core_type<sc_vector_subcore>, window_params = [{transform_indices = #map}, {transform_indices = #map1}, {transform_indices = #map1}, {transform_indices = #map}]} {
    %mul3A = arith.constant 2 : i32
    %mul3A_0 = arith.muli %arg1, %mul3A : i32
    %add3A = arith.addi %mul3A_0, %arg0 : i32
    %mul3A_1 = arith.constant 48 : i32
    %mul3A_2 = arith.muli %add3A, %mul3A_1 : i32
    %broadcast_in_dim3A = arith.constant 16384 : i32
    %broadcast_in_dim3A_3 = vector.broadcast %broadcast_in_dim3A : i32 to vector<16xi32>
    %add3A_4 = arith.constant 0 : i32
    %add3A_5 = arith.addi %mul3A_2, %add3A_4 : i32
    %dma_start3A = arith.constant 0 : i32
    %dma_start3A_6 = arith.constant 0 : i32
    %dma_start3A_7 = tpu.memref_slice %arg9[%dma_start3A, %dma_start3A_6] : memref<1x16512xf32, #tpu.memory_space<vmem>> -> memref<1x16384xf32, #tpu.memory_space<vmem>>
    %dma_start3A_8 = arith.constant 0 : i32
    %dma_start3A_9 = tpu.memref_slice %arg2[%add3A_5, %dma_start3A_8] : memref<1536x16384xf32, #tpu.memory_space<hbm>> -> memref<1x16384xf32, #tpu.memory_space<hbm>>
    %dma_start3A_10 = arith.constant 0 : i32
    %dma_start3A_11 = arith.constant 0 : i32
    %dma_start3A_12 = tpu.memref_slice %arg9[%dma_start3A_10, %dma_start3A_11] : memref<1x16512xf32, #tpu.memory_space<vmem>> -> memref<1x16384xf32, #tpu.memory_space<vmem>>
    %dma_start3A_13 = arith.constant 0 : i32
    %dma_start3A_14 = tpu.memref_slice %arg2[%add3A_5, %dma_start3A_13] : memref<1536x16384xf32, #tpu.memory_space<hbm>> -> memref<1x16384xf32, #tpu.memory_space<hbm>>
    tpu.enqueue_dma source(%dma_start3A_14 : memref<1x16384xf32, #tpu.memory_space<hbm>>) target(%dma_start3A_12 : memref<1x16384xf32, #tpu.memory_space<vmem>>) target_semaphore(%arg16 : memref<!tpu.dma_semaphore, #tpu.memory_space<semaphore_mem>>)
    %add3A_15 = arith.constant 1 : i32
    %add3A_16 = arith.addi %mul3A_2, %add3A_15 : i32
    %dma_start3A_17 = arith.constant 0 : i32
    %dma_start3A_18 = arith.constant 0 : i32
    %dma_start3A_19 = tpu.memref_slice %arg10[%dma_start3A_17, %dma_start3A_18] : memref<1x16512xf32, #tpu.memory_space<vmem>> -> memref<1x16384xf32, #tpu.memory_space<vmem>>
    %dma_start3A_20 = arith.constant 0 : i32
    %dma_start3A_21 = tpu.memref_slice %arg2[%add3A_16, %dma_start3A_20] : memref<1536x16384xf32, #tpu.memory_space<hbm>> -> memref<1x16384xf32, #tpu.memory_space<hbm>>
    %dma_start3A_22 = arith.constant 0 : i32
    %dma_start3A_23 = arith.constant 0 : i32
    %dma_start3A_24 = tpu.memref_slice %arg10[%dma_start3A_22, %dma_start3A_23] : memref<1x16512xf32, #tpu.memory_space<vmem>> -> memref<1x16384xf32, #tpu.memory_space<vmem>>
    %dma_start3A_25 = arith.constant 0 : i32
    %dma_start3A_26 = tpu.memref_slice %arg2[%add3A_16, %dma_start3A_25] : memref<1536x16384xf32, #tpu.memory_space<hbm>> -> memref<1x16384xf32, #tpu.memory_space<hbm>>
    tpu.enqueue_dma source(%dma_start3A_26 : memref<1x16384xf32, #tpu.memory_space<hbm>>) target(%dma_start3A_24 : memref<1x16384xf32, #tpu.memory_space<vmem>>) target_semaphore(%arg16 : memref<!tpu.dma_semaphore, #tpu.memory_space<semaphore_mem>>)
    %dma_start3A_27 = arith.constant 0 : i32
    %dma_start3A_28 = arith.constant 0 : i32
    %dma_start3A_29 = tpu.memref_slice %arg7[%dma_start3A_27, %dma_start3A_28] : memref<1x16512xf32, #tpu.memory_space<vmem>> -> memref<1x12288xf32, #tpu.memory_space<vmem>>
    %dma_start3A_30 = tpu.memref_squeeze %dma_start3A_29 : memref<1x12288xf32, #tpu.memory_space<vmem>> -> memref<12288xf32, #tpu.memory_space<vmem>>
    %dma_start3A_31 = arith.constant 0 : i32
    %dma_start3A_32 = tpu.memref_slice %arg3[%dma_start3A_31] : memref<36864xf32, #tpu.memory_space<hbm>> -> memref<12288xf32, #tpu.memory_space<hbm>>
    %dma_start3A_33 = arith.constant 0 : i32
    %dma_start3A_34 = tpu.memref_slice %arg7[%dma_start3A_27, %dma_start3A_33] : memref<1x16512xf32, #tpu.memory_space<vmem>> -> memref<1x12288xf32, #tpu.memory_space<vmem>>
    %dma_start3A_35 = tpu.memref_squeeze %dma_start3A_34 : memref<1x12288xf32, #tpu.memory_space<vmem>> -> memref<12288xf32, #tpu.memory_space<vmem>>
    %dma_start3A_36 = arith.constant 0 : i32
    %dma_start3A_37 = tpu.memref_slice %arg3[%dma_start3A_36] : memref<36864xf32, #tpu.memory_space<hbm>> -> memref<12288xf32, #tpu.memory_space<hbm>>
    tpu.enqueue_dma source(%dma_start3A_37 : memref<12288xf32, #tpu.memory_space<hbm>>) target(%dma_start3A_35 : memref<12288xf32, #tpu.memory_space<vmem>>) target_semaphore(%arg15 : memref<!tpu.dma_semaphore, #tpu.memory_space<semaphore_mem>>)
    %dma_start3A_38 = arith.constant 0 : i32
    %dma_start3A_39 = arith.constant 0 : i32
    %dma_start3A_40 = tpu.memref_slice %arg8[%dma_start3A_38, %dma_start3A_39] : memref<1x16512xf32, #tpu.memory_space<vmem>> -> memref<1x12288xf32, #tpu.memory_space<vmem>>
    %dma_start3A_41 = tpu.memref_squeeze %dma_start3A_40 : memref<1x12288xf32, #tpu.memory_space<vmem>> -> memref<12288xf32, #tpu.memory_space<vmem>>
    %dma_start3A_42 = arith.constant 0 : i32
    %dma_start3A_43 = tpu.memref_slice %arg4[%dma_start3A_42] : memref<36864xf32, #tpu.memory_space<hbm>> -> memref<12288xf32, #tpu.memory_space<hbm>>
    %dma_start3A_44 = arith.constant 0 : i32
    %dma_start3A_45 = tpu.memref_slice %arg8[%dma_start3A_38, %dma_start3A_44] : memref<1x16512xf32, #tpu.memory_space<vmem>> -> memref<1x12288xf32, #tpu.memory_space<vmem>>
    %dma_start3A_46 = tpu.memref_squeeze %dma_start3A_45 : memref<1x12288xf32, #tpu.memory_space<vmem>> -> memref<12288xf32, #tpu.memory_space<vmem>>
    %dma_start3A_47 = arith.constant 0 : i32
    %dma_start3A_48 = tpu.memref_slice %arg4[%dma_start3A_47] : memref<36864xf32, #tpu.memory_space<hbm>> -> memref<12288xf32, #tpu.memory_space<hbm>>
    tpu.enqueue_dma source(%dma_start3A_48 : memref<12288xf32, #tpu.memory_space<hbm>>) target(%dma_start3A_46 : memref<12288xf32, #tpu.memory_space<vmem>>) target_semaphore(%arg15 : memref<!tpu.dma_semaphore, #tpu.memory_space<semaphore_mem>>)
    %dma_wait3A = arith.constant 0 : i32
    %dma_wait3A_49 = arith.constant 0 : i32
    %dma_wait3A_50 = tpu.memref_slice %arg7[%dma_wait3A, %dma_wait3A_49] : memref<1x16512xf32, #tpu.memory_space<vmem>> -> memref<1x12288xf32, #tpu.memory_space<vmem>>
    %dma_wait3A_51 = tpu.memref_squeeze %dma_wait3A_50 : memref<1x12288xf32, #tpu.memory_space<vmem>> -> memref<12288xf32, #tpu.memory_space<vmem>>
    %dma_wait3A_52 = arith.constant 0 : i32
    %dma_wait3A_53 = tpu.memref_slice %arg3[%dma_wait3A_52] : memref<36864xf32, #tpu.memory_space<hbm>> -> memref<12288xf32, #tpu.memory_space<hbm>>
    %dma_wait3A_54 = arith.constant 0 : i32
    %dma_wait3A_55 = tpu.memref_slice %arg7[%dma_wait3A, %dma_wait3A_54] : memref<1x16512xf32, #tpu.memory_space<vmem>> -> memref<1x12288xf32, #tpu.memory_space<vmem>>
    %dma_wait3A_56 = tpu.memref_squeeze %dma_wait3A_55 : memref<1x12288xf32, #tpu.memory_space<vmem>> -> memref<12288xf32, #tpu.memory_space<vmem>>
    %dma_wait3A_57 = arith.constant 0 : i32
    %dma_wait3A_58 = tpu.memref_slice %arg3[%dma_wait3A_57] : memref<36864xf32, #tpu.memory_space<hbm>> -> memref<12288xf32, #tpu.memory_space<hbm>>
    tpu.wait_dma2 semaphore(%arg15 : memref<!tpu.dma_semaphore, #tpu.memory_space<semaphore_mem>>) src(%dma_wait3A_58 : memref<12288xf32, #tpu.memory_space<hbm>>) dst(%dma_wait3A_56 : memref<12288xf32, #tpu.memory_space<vmem>>)
    %dma_wait3A_59 = arith.constant 0 : i32
    %dma_wait3A_60 = arith.constant 0 : i32
    %dma_wait3A_61 = tpu.memref_slice %arg8[%dma_wait3A_59, %dma_wait3A_60] : memref<1x16512xf32, #tpu.memory_space<vmem>> -> memref<1x12288xf32, #tpu.memory_space<vmem>>
    %dma_wait3A_62 = tpu.memref_squeeze %dma_wait3A_61 : memref<1x12288xf32, #tpu.memory_space<vmem>> -> memref<12288xf32, #tpu.memory_space<vmem>>
    %dma_wait3A_63 = arith.constant 0 : i32
    %dma_wait3A_64 = tpu.memref_slice %arg4[%dma_wait3A_63] : memref<36864xf32, #tpu.memory_space<hbm>> -> memref<12288xf32, #tpu.memory_space<hbm>>
    %dma_wait3A_65 = arith.constant 0 : i32
    %dma_wait3A_66 = tpu.memref_slice %arg8[%dma_wait3A_59, %dma_wait3A_65] : memref<1x16512xf32, #tpu.memory_space<vmem>> -> memref<1x12288xf32, #tpu.memory_space<vmem>>
    %dma_wait3A_67 = tpu.memref_squeeze %dma_wait3A_66 : memref<1x12288xf32, #tpu.memory_space<vmem>> -> memref<12288xf32, #tpu.memory_space<vmem>>
    %dma_wait3A_68 = arith.constant 0 : i32
    %dma_wait3A_69 = tpu.memref_slice %arg4[%dma_wait3A_68] : memref<36864xf32, #tpu.memory_space<hbm>> -> memref<12288xf32, #tpu.memory_space<hbm>>
    tpu.wait_dma2 semaphore(%arg15 : memref<!tpu.dma_semaphore, #tpu.memory_space<semaphore_mem>>) src(%dma_wait3A_69 : memref<12288xf32, #tpu.memory_space<hbm>>) dst(%dma_wait3A_67 : memref<12288xf32, #tpu.memory_space<vmem>>)
    %parallel_loop3A = arith.constant 0 : i32
    %parallel_loop3A_70 = arith.constant 384 : i32
    %parallel_loop3A_71 = arith.constant 1 : i32
    scf.for %parallel_loop3A_227 = %parallel_loop3A to %parallel_loop3A_70 step %parallel_loop3A_71  : i32 {
      %parallel_loop3A_228 = arith.constant 32 : i32
      %parallel_loop3A_229 = arith.muli %parallel_loop3A_227, %parallel_loop3A_228 : i32
      %parallel_loop3A_230 = arith.constant 0 : i32
      %parallel_loop3A_231 = arith.index_cast %parallel_loop3A_230 : i32 to index
      %parallel_loop3A_232 = arith.index_cast %parallel_loop3A_229 : i32 to index
      %parallel_loop3A_233 = tpu.vector_load %arg7[%parallel_loop3A_231, %parallel_loop3A_232] {strides = array<i32>} : memref<1x16512xf32, #tpu.memory_space<vmem>>, vector<16xf32>,
      %parallel_loop3A_234 = vector.bitcast %parallel_loop3A_233 : vector<16xf32> to vector<16xi32>
      %parallel_loop3A_235 = arith.constant 16 : i32
      %parallel_loop3A_236 = arith.addi %parallel_loop3A_229, %parallel_loop3A_235 : i32
      %parallel_loop3A_237 = arith.constant 0 : i32
      %parallel_loop3A_238 = arith.index_cast %parallel_loop3A_237 : i32 to index
      %parallel_loop3A_239 = arith.index_cast %parallel_loop3A_236 : i32 to index
      %parallel_loop3A_240 = tpu.vector_load %arg7[%parallel_loop3A_238, %parallel_loop3A_239] {strides = array<i32>} : memref<1x16512xf32, #tpu.memory_space<vmem>>, vector<16xf32>,
      %parallel_loop3A_241 = vector.bitcast %parallel_loop3A_240 : vector<16xf32> to vector<16xi32>
      %parallel_loop3A_242 = arith.constant 0 : i32
      %parallel_loop3A_243 = arith.index_cast %parallel_loop3A_242 : i32 to index
      %parallel_loop3A_244 = arith.index_cast %parallel_loop3A_229 : i32 to index
      %parallel_loop3A_245 = tpu.vector_load %arg8[%parallel_loop3A_243, %parallel_loop3A_244] {strides = array<i32>} : memref<1x16512xf32, #tpu.memory_space<vmem>>, vector<16xf32>,
      %parallel_loop3A_246 = arith.constant 16 : i32
      %parallel_loop3A_247 = arith.addi %parallel_loop3A_229, %parallel_loop3A_246 : i32
      %parallel_loop3A_248 = arith.constant 0 : i32
      %parallel_loop3A_249 = arith.index_cast %parallel_loop3A_248 : i32 to index
      %parallel_loop3A_250 = arith.index_cast %parallel_loop3A_247 : i32 to index
      %parallel_loop3A_251 = tpu.vector_load %arg8[%parallel_loop3A_249, %parallel_loop3A_250] {strides = array<i32>} : memref<1x16512xf32, #tpu.memory_space<vmem>>, vector<16xf32>,
      %parallel_loop3A_252 = arith.constant 0.000000e+00 : f32
      %parallel_loop3A_253 = vector.broadcast %parallel_loop3A_252 : f32 to vector<16xf32>
      %parallel_loop3A_254 = arith.cmpf ogt, %parallel_loop3A_245, %parallel_loop3A_253 : vector<16xf32>
      %parallel_loop3A_255 = arith.select %parallel_loop3A_254, %parallel_loop3A_234, %broadcast_in_dim3A_3 : vector<16xi1>, vector<16xi32>
      %parallel_loop3A_256 = arith.constant 0.000000e+00 : f32
      %parallel_loop3A_257 = vector.broadcast %parallel_loop3A_256 : f32 to vector<16xf32>
      %parallel_loop3A_258 = arith.cmpf ogt, %parallel_loop3A_251, %parallel_loop3A_257 : vector<16xf32>
      %parallel_loop3A_259 = arith.select %parallel_loop3A_258, %parallel_loop3A_241, %broadcast_in_dim3A_3 : vector<16xi1>, vector<16xi32>
      %parallel_loop3A_260 = tpu.pack_subelements %parallel_loop3A_255, %parallel_loop3A_259 {pack_format = #tpu.pack_format<interleaved>, positions = array<i32: 0, 1>} : vector<16xi32>, vector<16xi32> -> vector<32xi16>
      %parallel_loop3A_261 = vector.bitcast %parallel_loop3A_260 : vector<32xi16> to vector<16xi32>
      %parallel_loop3A_262 = arith.constant 0 : i32
      %parallel_loop3A_263 = arith.addi %parallel_loop3A_262, %parallel_loop3A_229 : i32
      %parallel_loop3A_264 = arith.constant 2 : i32
      %parallel_loop3A_265 = arith.divsi %parallel_loop3A_263, %parallel_loop3A_264 : i32
      %parallel_loop3A_266 = arith.constant 0 : i32
      %parallel_loop3A_267 = arith.cmpi sgt, %parallel_loop3A_263, %parallel_loop3A_266 : i32
      %parallel_loop3A_268 = arith.extui %parallel_loop3A_267 : i1 to i32
      %parallel_loop3A_269 = arith.constant 0 : i32
      %parallel_loop3A_270 = arith.cmpi slt, %parallel_loop3A_263, %parallel_loop3A_269 : i32
      %parallel_loop3A_271 = arith.extui %parallel_loop3A_270 : i1 to i32
      %parallel_loop3A_272 = arith.subi %parallel_loop3A_268, %parallel_loop3A_271 : i32
      %parallel_loop3A_273 = arith.constant 0 : i32
      %parallel_loop3A_274 = arith.cmpi sgt, %parallel_loop3A_264, %parallel_loop3A_273 : i32
      %parallel_loop3A_275 = arith.extui %parallel_loop3A_274 : i1 to i32
      %parallel_loop3A_276 = arith.constant 0 : i32
      %parallel_loop3A_277 = arith.cmpi slt, %parallel_loop3A_264, %parallel_loop3A_276 : i32
      %parallel_loop3A_278 = arith.extui %parallel_loop3A_277 : i1 to i32
      %parallel_loop3A_279 = arith.subi %parallel_loop3A_275, %parallel_loop3A_278 : i32
      %parallel_loop3A_280 = arith.cmpi ne, %parallel_loop3A_272, %parallel_loop3A_279 : i32
      %parallel_loop3A_281 = arith.remsi %parallel_loop3A_263, %parallel_loop3A_264 : i32
      %parallel_loop3A_282 = arith.constant 0 : i32
      %parallel_loop3A_283 = arith.cmpi ne, %parallel_loop3A_281, %parallel_loop3A_282 : i32
      %parallel_loop3A_284 = arith.andi %parallel_loop3A_280, %parallel_loop3A_283 : i1
      %parallel_loop3A_285 = arith.constant 1 : i32
      %parallel_loop3A_286 = arith.subi %parallel_loop3A_265, %parallel_loop3A_285 : i32
      %parallel_loop3A_287 = arith.select %parallel_loop3A_284, %parallel_loop3A_286, %parallel_loop3A_265 : i32
      %parallel_loop3A_288 = arith.index_cast %parallel_loop3A_287 : i32 to index
      %parallel_loop3A_289 = tpu.vector_load %arg6[%parallel_loop3A_288] {strides = array<i32>} : memref<18432xi32, #tpu.memory_space<vmem>>, vector<16xi32>,
      tpu.vector_store %arg6[%parallel_loop3A_288], %parallel_loop3A_261 {strides = array<i32>} : memref<18432xi32, #tpu.memory_space<vmem>>, vector<16xi32>,
    } {sc.loop_unroll_factor = 2 : i64, sc.parallel_access}
    %dma_start3A_72 = arith.constant 0 : i32
    %dma_start3A_73 = arith.constant 0 : i32
    %dma_start3A_74 = tpu.memref_slice %arg7[%dma_start3A_72, %dma_start3A_73] : memref<1x16512xf32, #tpu.memory_space<vmem>> -> memref<1x12288xf32, #tpu.memory_space<vmem>>
    %dma_start3A_75 = tpu.memref_squeeze %dma_start3A_74 : memref<1x12288xf32, #tpu.memory_space<vmem>> -> memref<12288xf32, #tpu.memory_space<vmem>>
    %dma_start3A_76 = arith.constant 12288 : i32
    %dma_start3A_77 = tpu.memref_slice %arg3[%dma_start3A_76] : memref<36864xf32, #tpu.memory_space<hbm>> -> memref<12288xf32, #tpu.memory_space<hbm>>
    %dma_start3A_78 = arith.constant 0 : i32
    %dma_start3A_79 = tpu.memref_slice %arg7[%dma_start3A_72, %dma_start3A_78] : memref<1x16512xf32, #tpu.memory_space<vmem>> -> memref<1x12288xf32, #tpu.memory_space<vmem>>
    %dma_start3A_80 = tpu.memref_squeeze %dma_start3A_79 : memref<1x12288xf32, #tpu.memory_space<vmem>> -> memref<12288xf32, #tpu.memory_space<vmem>>
    %dma_start3A_81 = arith.constant 12288 : i32
    %dma_start3A_82 = tpu.memref_slice %arg3[%dma_start3A_81] : memref<36864xf32, #tpu.memory_space<hbm>> -> memref<12288xf32, #tpu.memory_space<hbm>>
    tpu.enqueue_dma source(%dma_start3A_82 : memref<12288xf32, #tpu.memory_space<hbm>>) target(%dma_start3A_80 : memref<12288xf32, #tpu.memory_space<vmem>>) target_semaphore(%arg15 : memref<!tpu.dma_semaphore, #tpu.memory_space<semaphore_mem>>)
    %dma_start3A_83 = arith.constant 0 : i32
    %dma_start3A_84 = arith.constant 0 : i32
    %dma_start3A_85 = tpu.memref_slice %arg8[%dma_start3A_83, %dma_start3A_84] : memref<1x16512xf32, #tpu.memory_space<vmem>> -> memref<1x12288xf32, #tpu.memory_space<vmem>>
    %dma_start3A_86 = tpu.memref_squeeze %dma_start3A_85 : memref<1x12288xf32, #tpu.memory_space<vmem>> -> memref<12288xf32, #tpu.memory_space<vmem>>
    %dma_start3A_87 = arith.constant 12288 : i32
    %dma_start3A_88 = tpu.memref_slice %arg4[%dma_start3A_87] : memref<36864xf32, #tpu.memory_space<hbm>> -> memref<12288xf32, #tpu.memory_space<hbm>>
    %dma_start3A_89 = arith.constant 0 : i32
    %dma_start3A_90 = tpu.memref_slice %arg8[%dma_start3A_83, %dma_start3A_89] : memref<1x16512xf32, #tpu.memory_space<vmem>> -> memref<1x12288xf32, #tpu.memory_space<vmem>>
    %dma_start3A_91 = tpu.memref_squeeze %dma_start3A_90 : memref<1x12288xf32, #tpu.memory_space<vmem>> -> memref<12288xf32, #tpu.memory_space<vmem>>
    %dma_start3A_92 = arith.constant 12288 : i32
    %dma_start3A_93 = tpu.memref_slice %arg4[%dma_start3A_92] : memref<36864xf32, #tpu.memory_space<hbm>> -> memref<12288xf32, #tpu.memory_space<hbm>>
    tpu.enqueue_dma source(%dma_start3A_93 : memref<12288xf32, #tpu.memory_space<hbm>>) target(%dma_start3A_91 : memref<12288xf32, #tpu.memory_space<vmem>>) target_semaphore(%arg15 : memref<!tpu.dma_semaphore, #tpu.memory_space<semaphore_mem>>)
    %dma_wait3A_94 = arith.constant 0 : i32
    %dma_wait3A_95 = arith.constant 0 : i32
    %dma_wait3A_96 = tpu.memref_slice %arg7[%dma_wait3A_94, %dma_wait3A_95] : memref<1x16512xf32, #tpu.memory_space<vmem>> -> memref<1x12288xf32, #tpu.memory_space<vmem>>
    %dma_wait3A_97 = tpu.memref_squeeze %dma_wait3A_96 : memref<1x12288xf32, #tpu.memory_space<vmem>> -> memref<12288xf32, #tpu.memory_space<vmem>>
    %dma_wait3A_98 = arith.constant 12288 : i32
    %dma_wait3A_99 = tpu.memref_slice %arg3[%dma_wait3A_98] : memref<36864xf32, #tpu.memory_space<hbm>> -> memref<12288xf32, #tpu.memory_space<hbm>>
    %dma_wait3A_100 = arith.constant 0 : i32
    %dma_wait3A_101 = tpu.memref_slice %arg7[%dma_wait3A_94, %dma_wait3A_100] : memref<1x16512xf32, #tpu.memory_space<vmem>> -> memref<1x12288xf32, #tpu.memory_space<vmem>>
    %dma_wait3A_102 = tpu.memref_squeeze %dma_wait3A_101 : memref<1x12288xf32, #tpu.memory_space<vmem>> -> memref<12288xf32, #tpu.memory_space<vmem>>
    %dma_wait3A_103 = arith.constant 12288 : i32
    %dma_wait3A_104 = tpu.memref_slice %arg3[%dma_wait3A_103] : memref<36864xf32, #tpu.memory_space<hbm>> -> memref<12288xf32, #tpu.memory_space<hbm>>
    tpu.wait_dma2 semaphore(%arg15 : memref<!tpu.dma_semaphore, #tpu.memory_space<semaphore_mem>>) src(%dma_wait3A_104 : memref<12288xf32, #tpu.memory_space<hbm>>) dst(%dma_wait3A_102 : memref<12288xf32, #tpu.memory_space<vmem>>)
    %dma_wait3A_105 = arith.constant 0 : i32
    %dma_wait3A_106 = arith.constant 0 : i32
    %dma_wait3A_107 = tpu.memref_slice %arg8[%dma_wait3A_105, %dma_wait3A_106] : memref<1x16512xf32, #tpu.memory_space<vmem>> -> memref<1x12288xf32, #tpu.memory_space<vmem>>
    %dma_wait3A_108 = tpu.memref_squeeze %dma_wait3A_107 : memref<1x12288xf32, #tpu.memory_space<vmem>> -> memref<12288xf32, #tpu.memory_space<vmem>>
    %dma_wait3A_109 = arith.constant 12288 : i32
    %dma_wait3A_110 = tpu.memref_slice %arg4[%dma_wait3A_109] : memref<36864xf32, #tpu.memory_space<hbm>> -> memref<12288xf32, #tpu.memory_space<hbm>>
    %dma_wait3A_111 = arith.constant 0 : i32
    %dma_wait3A_112 = tpu.memref_slice %arg8[%dma_wait3A_105, %dma_wait3A_111] : memref<1x16512xf32, #tpu.memory_space<vmem>> -> memref<1x12288xf32, #tpu.memory_space<vmem>>
    %dma_wait3A_113 = tpu.memref_squeeze %dma_wait3A_112 : memref<1x12288xf32, #tpu.memory_space<vmem>> -> memref<12288xf32, #tpu.memory_space<vmem>>
    %dma_wait3A_114 = arith.constant 12288 : i32
    %dma_wait3A_115 = tpu.memref_slice %arg4[%dma_wait3A_114] : memref<36864xf32, #tpu.memory_space<hbm>> -> memref<12288xf32, #tpu.memory_space<hbm>>
    tpu.wait_dma2 semaphore(%arg15 : memref<!tpu.dma_semaphore, #tpu.memory_space<semaphore_mem>>) src(%dma_wait3A_115 : memref<12288xf32, #tpu.memory_space<hbm>>) dst(%dma_wait3A_113 : memref<12288xf32, #tpu.memory_space<vmem>>)
    %parallel_loop3A_116 = arith.constant 0 : i32
    %parallel_loop3A_117 = arith.constant 384 : i32
    %parallel_loop3A_118 = arith.constant 1 : i32
    scf.for %parallel_loop3A_227 = %parallel_loop3A_116 to %parallel_loop3A_117 step %parallel_loop3A_118  : i32 {
      %parallel_loop3A_228 = arith.constant 32 : i32
      %parallel_loop3A_229 = arith.muli %parallel_loop3A_227, %parallel_loop3A_228 : i32
      %parallel_loop3A_230 = arith.constant 0 : i32
      %parallel_loop3A_231 = arith.index_cast %parallel_loop3A_230 : i32 to index
      %parallel_loop3A_232 = arith.index_cast %parallel_loop3A_229 : i32 to index
      %parallel_loop3A_233 = tpu.vector_load %arg7[%parallel_loop3A_231, %parallel_loop3A_232] {strides = array<i32>} : memref<1x16512xf32, #tpu.memory_space<vmem>>, vector<16xf32>,
      %parallel_loop3A_234 = vector.bitcast %parallel_loop3A_233 : vector<16xf32> to vector<16xi32>
      %parallel_loop3A_235 = arith.constant 16 : i32
      %parallel_loop3A_236 = arith.addi %parallel_loop3A_229, %parallel_loop3A_235 : i32
      %parallel_loop3A_237 = arith.constant 0 : i32
      %parallel_loop3A_238 = arith.index_cast %parallel_loop3A_237 : i32 to index
      %parallel_loop3A_239 = arith.index_cast %parallel_loop3A_236 : i32 to index
      %parallel_loop3A_240 = tpu.vector_load %arg7[%parallel_loop3A_238, %parallel_loop3A_239] {strides = array<i32>} : memref<1x16512xf32, #tpu.memory_space<vmem>>, vector<16xf32>,
      %parallel_loop3A_241 = vector.bitcast %parallel_loop3A_240 : vector<16xf32> to vector<16xi32>
      %parallel_loop3A_242 = arith.constant 0 : i32
      %parallel_loop3A_243 = arith.index_cast %parallel_loop3A_242 : i32 to index
      %parallel_loop3A_244 = arith.index_cast %parallel_loop3A_229 : i32 to index
      %parallel_loop3A_245 = tpu.vector_load %arg8[%parallel_loop3A_243, %parallel_loop3A_244] {strides = array<i32>} : memref<1x16512xf32, #tpu.memory_space<vmem>>, vector<16xf32>,
      %parallel_loop3A_246 = arith.constant 16 : i32
      %parallel_loop3A_247 = arith.addi %parallel_loop3A_229, %parallel_loop3A_246 : i32
      %parallel_loop3A_248 = arith.constant 0 : i32
      %parallel_loop3A_249 = arith.index_cast %parallel_loop3A_248 : i32 to index
      %parallel_loop3A_250 = arith.index_cast %parallel_loop3A_247 : i32 to index
      %parallel_loop3A_251 = tpu.vector_load %arg8[%parallel_loop3A_249, %parallel_loop3A_250] {strides = array<i32>} : memref<1x16512xf32, #tpu.memory_space<vmem>>, vector<16xf32>,
      %parallel_loop3A_252 = arith.constant 0.000000e+00 : f32
      %parallel_loop3A_253 = vector.broadcast %parallel_loop3A_252 : f32 to vector<16xf32>
      %parallel_loop3A_254 = arith.cmpf ogt, %parallel_loop3A_245, %parallel_loop3A_253 : vector<16xf32>
      %parallel_loop3A_255 = arith.select %parallel_loop3A_254, %parallel_loop3A_234, %broadcast_in_dim3A_3 : vector<16xi1>, vector<16xi32>
      %parallel_loop3A_256 = arith.constant 0.000000e+00 : f32
      %parallel_loop3A_257 = vector.broadcast %parallel_loop3A_256 : f32 to vector<16xf32>
      %parallel_loop3A_258 = arith.cmpf ogt, %parallel_loop3A_251, %parallel_loop3A_257 : vector<16xf32>
      %parallel_loop3A_259 = arith.select %parallel_loop3A_258, %parallel_loop3A_241, %broadcast_in_dim3A_3 : vector<16xi1>, vector<16xi32>
      %parallel_loop3A_260 = tpu.pack_subelements %parallel_loop3A_255, %parallel_loop3A_259 {pack_format = #tpu.pack_format<interleaved>, positions = array<i32: 0, 1>} : vector<16xi32>, vector<16xi32> -> vector<32xi16>
      %parallel_loop3A_261 = vector.bitcast %parallel_loop3A_260 : vector<32xi16> to vector<16xi32>
      %parallel_loop3A_262 = arith.constant 12288 : i32
      %parallel_loop3A_263 = arith.addi %parallel_loop3A_262, %parallel_loop3A_229 : i32
      %parallel_loop3A_264 = arith.constant 2 : i32
      %parallel_loop3A_265 = arith.divsi %parallel_loop3A_263, %parallel_loop3A_264 : i32
      %parallel_loop3A_266 = arith.constant 0 : i32
      %parallel_loop3A_267 = arith.cmpi sgt, %parallel_loop3A_263, %parallel_loop3A_266 : i32
      %parallel_loop3A_268 = arith.extui %parallel_loop3A_267 : i1 to i32
      %parallel_loop3A_269 = arith.constant 0 : i32
      %parallel_loop3A_270 = arith.cmpi slt, %parallel_loop3A_263, %parallel_loop3A_269 : i32
      %parallel_loop3A_271 = arith.extui %parallel_loop3A_270 : i1 to i32
      %parallel_loop3A_272 = arith.subi %parallel_loop3A_268, %parallel_loop3A_271 : i32
      %parallel_loop3A_273 = arith.constant 0 : i32
      %parallel_loop3A_274 = arith.cmpi sgt, %parallel_loop3A_264, %parallel_loop3A_273 : i32
      %parallel_loop3A_275 = arith.extui %parallel_loop3A_274 : i1 to i32
      %parallel_loop3A_276 = arith.constant 0 : i32
      %parallel_loop3A_277 = arith.cmpi slt, %parallel_loop3A_264, %parallel_loop3A_276 : i32
      %parallel_loop3A_278 = arith.extui %parallel_loop3A_277 : i1 to i32
      %parallel_loop3A_279 = arith.subi %parallel_loop3A_275, %parallel_loop3A_278 : i32
      %parallel_loop3A_280 = arith.cmpi ne, %parallel_loop3A_272, %parallel_loop3A_279 : i32
      %parallel_loop3A_281 = arith.remsi %parallel_loop3A_263, %parallel_loop3A_264 : i32
      %parallel_loop3A_282 = arith.constant 0 : i32
      %parallel_loop3A_283 = arith.cmpi ne, %parallel_loop3A_281, %parallel_loop3A_282 : i32
      %parallel_loop3A_284 = arith.andi %parallel_loop3A_280, %parallel_loop3A_283 : i1
      %parallel_loop3A_285 = arith.constant 1 : i32
      %parallel_loop3A_286 = arith.subi %parallel_loop3A_265, %parallel_loop3A_285 : i32
      %parallel_loop3A_287 = arith.select %parallel_loop3A_284, %parallel_loop3A_286, %parallel_loop3A_265 : i32
      %parallel_loop3A_288 = arith.index_cast %parallel_loop3A_287 : i32 to index
      %parallel_loop3A_289 = tpu.vector_load %arg6[%parallel_loop3A_288] {strides = array<i32>} : memref<18432xi32, #tpu.memory_space<vmem>>, vector<16xi32>,
      tpu.vector_store %arg6[%parallel_loop3A_288], %parallel_loop3A_261 {strides = array<i32>} : memref<18432xi32, #tpu.memory_space<vmem>>, vector<16xi32>,
    } {sc.loop_unroll_factor = 2 : i64, sc.parallel_access}
    %dma_start3A_119 = arith.constant 0 : i32
    %dma_start3A_120 = arith.constant 0 : i32
    %dma_start3A_121 = tpu.memref_slice %arg7[%dma_start3A_119, %dma_start3A_120] : memref<1x16512xf32, #tpu.memory_space<vmem>> -> memref<1x12288xf32, #tpu.memory_space<vmem>>
    %dma_start3A_122 = tpu.memref_squeeze %dma_start3A_121 : memref<1x12288xf32, #tpu.memory_space<vmem>> -> memref<12288xf32, #tpu.memory_space<vmem>>
    %dma_start3A_123 = arith.constant 24576 : i32
    %dma_start3A_124 = tpu.memref_slice %arg3[%dma_start3A_123] : memref<36864xf32, #tpu.memory_space<hbm>> -> memref<12288xf32, #tpu.memory_space<hbm>>
    %dma_start3A_125 = arith.constant 0 : i32
    %dma_start3A_126 = tpu.memref_slice %arg7[%dma_start3A_119, %dma_start3A_125] : memref<1x16512xf32, #tpu.memory_space<vmem>> -> memref<1x12288xf32, #tpu.memory_space<vmem>>
    %dma_start3A_127 = tpu.memref_squeeze %dma_start3A_126 : memref<1x12288xf32, #tpu.memory_space<vmem>> -> memref<12288xf32, #tpu.memory_space<vmem>>
    %dma_start3A_128 = arith.constant 24576 : i32
    %dma_start3A_129 = tpu.memref_slice %arg3[%dma_start3A_128] : memref<36864xf32, #tpu.memory_space<hbm>> -> memref<12288xf32, #tpu.memory_space<hbm>>
    tpu.enqueue_dma source(%dma_start3A_129 : memref<12288xf32, #tpu.memory_space<hbm>>) target(%dma_start3A_127 : memref<12288xf32, #tpu.memory_space<vmem>>) target_semaphore(%arg15 : memref<!tpu.dma_semaphore, #tpu.memory_space<semaphore_mem>>)
    %dma_start3A_130 = arith.constant 0 : i32
    %dma_start3A_131 = arith.constant 0 : i32
    %dma_start3A_132 = tpu.memref_slice %arg8[%dma_start3A_130, %dma_start3A_131] : memref<1x16512xf32, #tpu.memory_space<vmem>> -> memref<1x12288xf32, #tpu.memory_space<vmem>>
    %dma_start3A_133 = tpu.memref_squeeze %dma_start3A_132 : memref<1x12288xf32, #tpu.memory_space<vmem>> -> memref<12288xf32, #tpu.memory_space<vmem>>
    %dma_start3A_134 = arith.constant 24576 : i32
    %dma_start3A_135 = tpu.memref_slice %arg4[%dma_start3A_134] : memref<36864xf32, #tpu.memory_space<hbm>> -> memref<12288xf32, #tpu.memory_space<hbm>>
    %dma_start3A_136 = arith.constant 0 : i32
    %dma_start3A_137 = tpu.memref_slice %arg8[%dma_start3A_130, %dma_start3A_136] : memref<1x16512xf32, #tpu.memory_space<vmem>> -> memref<1x12288xf32, #tpu.memory_space<vmem>>
    %dma_start3A_138 = tpu.memref_squeeze %dma_start3A_137 : memref<1x12288xf32, #tpu.memory_space<vmem>> -> memref<12288xf32, #tpu.memory_space<vmem>>
    %dma_start3A_139 = arith.constant 24576 : i32
    %dma_start3A_140 = tpu.memref_slice %arg4[%dma_start3A_139] : memref<36864xf32, #tpu.memory_space<hbm>> -> memref<12288xf32, #tpu.memory_space<hbm>>
    tpu.enqueue_dma source(%dma_start3A_140 : memref<12288xf32, #tpu.memory_space<hbm>>) target(%dma_start3A_138 : memref<12288xf32, #tpu.memory_space<vmem>>) target_semaphore(%arg15 : memref<!tpu.dma_semaphore, #tpu.memory_space<semaphore_mem>>)
    %dma_wait3A_141 = arith.constant 0 : i32
    %dma_wait3A_142 = arith.constant 0 : i32
    %dma_wait3A_143 = tpu.memref_slice %arg7[%dma_wait3A_141, %dma_wait3A_142] : memref<1x16512xf32, #tpu.memory_space<vmem>> -> memref<1x12288xf32, #tpu.memory_space<vmem>>
    %dma_wait3A_144 = tpu.memref_squeeze %dma_wait3A_143 : memref<1x12288xf32, #tpu.memory_space<vmem>> -> memref<12288xf32, #tpu.memory_space<vmem>>
    %dma_wait3A_145 = arith.constant 24576 : i32
    %dma_wait3A_146 = tpu.memref_slice %arg3[%dma_wait3A_145] : memref<36864xf32, #tpu.memory_space<hbm>> -> memref<12288xf32, #tpu.memory_space<hbm>>
    %dma_wait3A_147 = arith.constant 0 : i32
    %dma_wait3A_148 = tpu.memref_slice %arg7[%dma_wait3A_141, %dma_wait3A_147] : memref<1x16512xf32, #tpu.memory_space<vmem>> -> memref<1x12288xf32, #tpu.memory_space<vmem>>
    %dma_wait3A_149 = tpu.memref_squeeze %dma_wait3A_148 : memref<1x12288xf32, #tpu.memory_space<vmem>> -> memref<12288xf32, #tpu.memory_space<vmem>>
    %dma_wait3A_150 = arith.constant 24576 : i32
    %dma_wait3A_151 = tpu.memref_slice %arg3[%dma_wait3A_150] : memref<36864xf32, #tpu.memory_space<hbm>> -> memref<12288xf32, #tpu.memory_space<hbm>>
    tpu.wait_dma2 semaphore(%arg15 : memref<!tpu.dma_semaphore, #tpu.memory_space<semaphore_mem>>) src(%dma_wait3A_151 : memref<12288xf32, #tpu.memory_space<hbm>>) dst(%dma_wait3A_149 : memref<12288xf32, #tpu.memory_space<vmem>>)
    %dma_wait3A_152 = arith.constant 0 : i32
    %dma_wait3A_153 = arith.constant 0 : i32
    %dma_wait3A_154 = tpu.memref_slice %arg8[%dma_wait3A_152, %dma_wait3A_153] : memref<1x16512xf32, #tpu.memory_space<vmem>> -> memref<1x12288xf32, #tpu.memory_space<vmem>>
    %dma_wait3A_155 = tpu.memref_squeeze %dma_wait3A_154 : memref<1x12288xf32, #tpu.memory_space<vmem>> -> memref<12288xf32, #tpu.memory_space<vmem>>
    %dma_wait3A_156 = arith.constant 24576 : i32
    %dma_wait3A_157 = tpu.memref_slice %arg4[%dma_wait3A_156] : memref<36864xf32, #tpu.memory_space<hbm>> -> memref<12288xf32, #tpu.memory_space<hbm>>
    %dma_wait3A_158 = arith.constant 0 : i32
    %dma_wait3A_159 = tpu.memref_slice %arg8[%dma_wait3A_152, %dma_wait3A_158] : memref<1x16512xf32, #tpu.memory_space<vmem>> -> memref<1x12288xf32, #tpu.memory_space<vmem>>
    %dma_wait3A_160 = tpu.memref_squeeze %dma_wait3A_159 : memref<1x12288xf32, #tpu.memory_space<vmem>> -> memref<12288xf32, #tpu.memory_space<vmem>>
    %dma_wait3A_161 = arith.constant 24576 : i32
    %dma_wait3A_162 = tpu.memref_slice %arg4[%dma_wait3A_161] : memref<36864xf32, #tpu.memory_space<hbm>> -> memref<12288xf32, #tpu.memory_space<hbm>>
    tpu.wait_dma2 semaphore(%arg15 : memref<!tpu.dma_semaphore, #tpu.memory_space<semaphore_mem>>) src(%dma_wait3A_162 : memref<12288xf32, #tpu.memory_space<hbm>>) dst(%dma_wait3A_160 : memref<12288xf32, #tpu.memory_space<vmem>>)
    %parallel_loop3A_163 = arith.constant 0 : i32
    %parallel_loop3A_164 = arith.constant 384 : i32
    %parallel_loop3A_165 = arith.constant 1 : i32
    scf.for %parallel_loop3A_227 = %parallel_loop3A_163 to %parallel_loop3A_164 step %parallel_loop3A_165  : i32 {
      %parallel_loop3A_228 = arith.constant 32 : i32
      %parallel_loop3A_229 = arith.muli %parallel_loop3A_227, %parallel_loop3A_228 : i32
      %parallel_loop3A_230 = arith.constant 0 : i32
      %parallel_loop3A_231 = arith.index_cast %parallel_loop3A_230 : i32 to index
      %parallel_loop3A_232 = arith.index_cast %parallel_loop3A_229 : i32 to index
      %parallel_loop3A_233 = tpu.vector_load %arg7[%parallel_loop3A_231, %parallel_loop3A_232] {strides = array<i32>} : memref<1x16512xf32, #tpu.memory_space<vmem>>, vector<16xf32>,
      %parallel_loop3A_234 = vector.bitcast %parallel_loop3A_233 : vector<16xf32> to vector<16xi32>
      %parallel_loop3A_235 = arith.constant 16 : i32
      %parallel_loop3A_236 = arith.addi %parallel_loop3A_229, %parallel_loop3A_235 : i32
      %parallel_loop3A_237 = arith.constant 0 : i32
      %parallel_loop3A_238 = arith.index_cast %parallel_loop3A_237 : i32 to index
      %parallel_loop3A_239 = arith.index_cast %parallel_loop3A_236 : i32 to index
      %parallel_loop3A_240 = tpu.vector_load %arg7[%parallel_loop3A_238, %parallel_loop3A_239] {strides = array<i32>} : memref<1x16512xf32, #tpu.memory_space<vmem>>, vector<16xf32>,
      %parallel_loop3A_241 = vector.bitcast %parallel_loop3A_240 : vector<16xf32> to vector<16xi32>
      %parallel_loop3A_242 = arith.constant 0 : i32
      %parallel_loop3A_243 = arith.index_cast %parallel_loop3A_242 : i32 to index
      %parallel_loop3A_244 = arith.index_cast %parallel_loop3A_229 : i32 to index
      %parallel_loop3A_245 = tpu.vector_load %arg8[%parallel_loop3A_243, %parallel_loop3A_244] {strides = array<i32>} : memref<1x16512xf32, #tpu.memory_space<vmem>>, vector<16xf32>,
      %parallel_loop3A_246 = arith.constant 16 : i32
      %parallel_loop3A_247 = arith.addi %parallel_loop3A_229, %parallel_loop3A_246 : i32
      %parallel_loop3A_248 = arith.constant 0 : i32
      %parallel_loop3A_249 = arith.index_cast %parallel_loop3A_248 : i32 to index
      %parallel_loop3A_250 = arith.index_cast %parallel_loop3A_247 : i32 to index
      %parallel_loop3A_251 = tpu.vector_load %arg8[%parallel_loop3A_249, %parallel_loop3A_250] {strides = array<i32>} : memref<1x16512xf32, #tpu.memory_space<vmem>>, vector<16xf32>,
      %parallel_loop3A_252 = arith.constant 0.000000e+00 : f32
      %parallel_loop3A_253 = vector.broadcast %parallel_loop3A_252 : f32 to vector<16xf32>
      %parallel_loop3A_254 = arith.cmpf ogt, %parallel_loop3A_245, %parallel_loop3A_253 : vector<16xf32>
      %parallel_loop3A_255 = arith.select %parallel_loop3A_254, %parallel_loop3A_234, %broadcast_in_dim3A_3 : vector<16xi1>, vector<16xi32>
      %parallel_loop3A_256 = arith.constant 0.000000e+00 : f32
      %parallel_loop3A_257 = vector.broadcast %parallel_loop3A_256 : f32 to vector<16xf32>
      %parallel_loop3A_258 = arith.cmpf ogt, %parallel_loop3A_251, %parallel_loop3A_257 : vector<16xf32>
      %parallel_loop3A_259 = arith.select %parallel_loop3A_258, %parallel_loop3A_241, %broadcast_in_dim3A_3 : vector<16xi1>, vector<16xi32>
      %parallel_loop3A_260 = tpu.pack_subelements %parallel_loop3A_255, %parallel_loop3A_259 {pack_format = #tpu.pack_format<interleaved>, positions = array<i32: 0, 1>} : vector<16xi32>, vector<16xi32> -> vector<32xi16>
      %parallel_loop3A_261 = vector.bitcast %parallel_loop3A_260 : vector<32xi16> to vector<16xi32>
      %parallel_loop3A_262 = arith.constant 24576 : i32
      %parallel_loop3A_263 = arith.addi %parallel_loop3A_262, %parallel_loop3A_229 : i32
      %parallel_loop3A_264 = arith.constant 2 : i32
      %parallel_loop3A_265 = arith.divsi %parallel_loop3A_263, %parallel_loop3A_264 : i32
      %parallel_loop3A_266 = arith.constant 0 : i32
      %parallel_loop3A_267 = arith.cmpi sgt, %parallel_loop3A_263, %parallel_loop3A_266 : i32
      %parallel_loop3A_268 = arith.extui %parallel_loop3A_267 : i1 to i32
      %parallel_loop3A_269 = arith.constant 0 : i32
      %parallel_loop3A_270 = arith.cmpi slt, %parallel_loop3A_263, %parallel_loop3A_269 : i32
      %parallel_loop3A_271 = arith.extui %parallel_loop3A_270 : i1 to i32
      %parallel_loop3A_272 = arith.subi %parallel_loop3A_268, %parallel_loop3A_271 : i32
      %parallel_loop3A_273 = arith.constant 0 : i32
      %parallel_loop3A_274 = arith.cmpi sgt, %parallel_loop3A_264, %parallel_loop3A_273 : i32
      %parallel_loop3A_275 = arith.extui %parallel_loop3A_274 : i1 to i32
      %parallel_loop3A_276 = arith.constant 0 : i32
      %parallel_loop3A_277 = arith.cmpi slt, %parallel_loop3A_264, %parallel_loop3A_276 : i32
      %parallel_loop3A_278 = arith.extui %parallel_loop3A_277 : i1 to i32
      %parallel_loop3A_279 = arith.subi %parallel_loop3A_275, %parallel_loop3A_278 : i32
      %parallel_loop3A_280 = arith.cmpi ne, %parallel_loop3A_272, %parallel_loop3A_279 : i32
      %parallel_loop3A_281 = arith.remsi %parallel_loop3A_263, %parallel_loop3A_264 : i32
      %parallel_loop3A_282 = arith.constant 0 : i32
      %parallel_loop3A_283 = arith.cmpi ne, %parallel_loop3A_281, %parallel_loop3A_282 : i32
      %parallel_loop3A_284 = arith.andi %parallel_loop3A_280, %parallel_loop3A_283 : i1
      %parallel_loop3A_285 = arith.constant 1 : i32
      %parallel_loop3A_286 = arith.subi %parallel_loop3A_265, %parallel_loop3A_285 : i32
      %parallel_loop3A_287 = arith.select %parallel_loop3A_284, %parallel_loop3A_286, %parallel_loop3A_265 : i32
      %parallel_loop3A_288 = arith.index_cast %parallel_loop3A_287 : i32 to index
      %parallel_loop3A_289 = tpu.vector_load %arg6[%parallel_loop3A_288] {strides = array<i32>} : memref<18432xi32, #tpu.memory_space<vmem>>, vector<16xi32>,
      tpu.vector_store %arg6[%parallel_loop3A_288], %parallel_loop3A_261 {strides = array<i32>} : memref<18432xi32, #tpu.memory_space<vmem>>, vector<16xi32>,
    } {sc.loop_unroll_factor = 2 : i64, sc.parallel_access}
    %broadcast_in_dim3A_166 = arith.constant 0.000000e+00 : f32
    %broadcast_in_dim3A_167 = vector.broadcast %broadcast_in_dim3A_166 : f32 to vector<16xf32>
    %swap3A = arith.constant 0 : i32
    %swap3A_168 = arith.index_cast %swap3A : i32 to index
    %swap3A_169 = arith.constant 16384 : index
    %swap3A_170 = tpu.vector_load %arg7[%swap3A_168, %swap3A_169] {strides = array<i32>} : memref<1x16512xf32, #tpu.memory_space<vmem>>, vector<16xf32>,
    tpu.vector_store %arg7[%swap3A_168, %swap3A_169], %broadcast_in_dim3A_167 {strides = array<i32>} : memref<1x16512xf32, #tpu.memory_space<vmem>>, vector<16xf32>,
    %swap3A_171 = arith.constant 0 : i32
    %swap3A_172 = arith.index_cast %swap3A_171 : i32 to index
    %swap3A_173 = arith.constant 16384 : index
    %swap3A_174 = tpu.vector_load %arg8[%swap3A_172, %swap3A_173] {strides = array<i32>} : memref<1x16512xf32, #tpu.memory_space<vmem>>, vector<16xf32>,
    tpu.vector_store %arg8[%swap3A_172, %swap3A_173], %broadcast_in_dim3A_167 {strides = array<i32>} : memref<1x16512xf32, #tpu.memory_space<vmem>>, vector<16xf32>,
    %swap3A_175 = arith.constant 0 : i32
    %swap3A_176 = arith.index_cast %swap3A_175 : i32 to index
    %swap3A_177 = arith.constant 16384 : index
    %swap3A_178 = tpu.vector_load %arg9[%swap3A_176, %swap3A_177] {strides = array<i32>} : memref<1x16512xf32, #tpu.memory_space<vmem>>, vector<16xf32>,
    tpu.vector_store %arg9[%swap3A_176, %swap3A_177], %broadcast_in_dim3A_167 {strides = array<i32>} : memref<1x16512xf32, #tpu.memory_space<vmem>>, vector<16xf32>,
    %swap3A_179 = arith.constant 0 : i32
    %swap3A_180 = arith.index_cast %swap3A_179 : i32 to index
    %swap3A_181 = arith.constant 16384 : index
    %swap3A_182 = tpu.vector_load %arg10[%swap3A_180, %swap3A_181] {strides = array<i32>} : memref<1x16512xf32, #tpu.memory_space<vmem>>, vector<16xf32>,
    tpu.vector_store %arg10[%swap3A_180, %swap3A_181], %broadcast_in_dim3A_167 {strides = array<i32>} : memref<1x16512xf32, #tpu.memory_space<vmem>>, vector<16xf32>,
    %add3A_183 = arith.constant 2 : i32
    %add3A_184 = arith.addi %mul3A_2, %add3A_183 : i32
    %dma_start3A_185 = arith.constant 0 : i32
    %dma_start3A_186 = arith.constant 0 : i32
    %dma_start3A_187 = tpu.memref_slice %arg7[%dma_start3A_185, %dma_start3A_186] : memref<1x16512xf32, #tpu.memory_space<vmem>> -> memref<1x16384xf32, #tpu.memory_space<vmem>>
    %dma_start3A_188 = arith.constant 0 : i32
    %dma_start3A_189 = tpu.memref_slice %arg2[%add3A_184, %dma_start3A_188] : memref<1536x16384xf32, #tpu.memory_space<hbm>> -> memref<1x16384xf32, #tpu.memory_space<hbm>>
    %dma_start3A_190 = arith.constant 0 : i32
    %dma_start3A_191 = arith.constant 0 : i32
    %dma_start3A_192 = tpu.memref_slice %arg7[%dma_start3A_190, %dma_start3A_191] : memref<1x16512xf32, #tpu.memory_space<vmem>> -> memref<1x16384xf32, #tpu.memory_space<vmem>>
    %dma_start3A_193 = arith.constant 0 : i32
    %dma_start3A_194 = tpu.memref_slice %arg2[%add3A_184, %dma_start3A_193] : memref<1536x16384xf32, #tpu.memory_space<hbm>> -> memref<1x16384xf32, #tpu.memory_space<hbm>>
    tpu.enqueue_dma source(%dma_start3A_194 : memref<1x16384xf32, #tpu.memory_space<hbm>>) target(%dma_start3A_192 : memref<1x16384xf32, #tpu.memory_space<vmem>>) target_semaphore(%arg15 : memref<!tpu.dma_semaphore, #tpu.memory_space<semaphore_mem>>)
    %add3A_195 = arith.constant 3 : i32
    %add3A_196 = arith.addi %mul3A_2, %add3A_195 : i32
    %dma_start3A_197 = arith.constant 0 : i32
    %dma_start3A_198 = arith.constant 0 : i32
    %dma_start3A_199 = tpu.memref_slice %arg8[%dma_start3A_197, %dma_start3A_198] : memref<1x16512xf32, #tpu.memory_space<vmem>> -> memref<1x16384xf32, #tpu.memory_space<vmem>>
    %dma_start3A_200 = arith.constant 0 : i32
    %dma_start3A_201 = tpu.memref_slice %arg2[%add3A_196, %dma_start3A_200] : memref<1536x16384xf32, #tpu.memory_space<hbm>> -> memref<1x16384xf32, #tpu.memory_space<hbm>>
    %dma_start3A_202 = arith.constant 0 : i32
    %dma_start3A_203 = arith.constant 0 : i32
    %dma_start3A_204 = tpu.memref_slice %arg8[%dma_start3A_202, %dma_start3A_203] : memref<1x16512xf32, #tpu.memory_space<vmem>> -> memref<1x16384xf32, #tpu.memory_space<vmem>>
    %dma_start3A_205 = arith.constant 0 : i32
    %dma_start3A_206 = tpu.memref_slice %arg2[%add3A_196, %dma_start3A_205] : memref<1536x16384xf32, #tpu.memory_space<hbm>> -> memref<1x16384xf32, #tpu.memory_space<hbm>>
    tpu.enqueue_dma source(%dma_start3A_206 : memref<1x16384xf32, #tpu.memory_space<hbm>>) target(%dma_start3A_204 : memref<1x16384xf32, #tpu.memory_space<vmem>>) target_semaphore(%arg15 : memref<!tpu.dma_semaphore, #tpu.memory_space<semaphore_mem>>)
    %scan3A = arith.constant 0 : i32
    %scan3A_207 = arith.constant 12 : i32
    %scan3A_208 = arith.addi %scan3A, %scan3A_207 : i32
    %scan3A_209 = arith.constant 1 : i32
    scf.for %scan3A_227 = %scan3A to %scan3A_208 step %scan3A_209  : i32 {
      %mul3A_228 = arith.constant 2 : i32
      %mul3A_229 = arith.muli %scan3A_227, %mul3A_228 : i32
      %add3A_230 = arith.constant 0 : i32
      %add3A_231 = arith.addi %add3A_230, %mul3A_229 : i32
      %add3A_232 = arith.constant 0 : i32
      %add3A_233 = arith.addi %add3A_231, %add3A_232 : i32
      %mul3A_234 = arith.constant 2 : i32
      %mul3A_235 = arith.muli %mul3A_234, %add3A_233 : i32
      %add3A_236 = arith.addi %mul3A_2, %mul3A_235 : i32
      %dma_wait3A_237 = arith.constant 0 : i32
      %dma_wait3A_238 = arith.constant 0 : i32
      %dma_wait3A_239 = tpu.memref_slice %arg9[%dma_wait3A_237, %dma_wait3A_238] : memref<1x16512xf32, #tpu.memory_space<vmem>> -> memref<1x16384xf32, #tpu.memory_space<vmem>>
      %dma_wait3A_240 = arith.constant 0 : i32
      %dma_wait3A_241 = tpu.memref_slice %arg2[%add3A_236, %dma_wait3A_240] : memref<1536x16384xf32, #tpu.memory_space<hbm>> -> memref<1x16384xf32, #tpu.memory_space<hbm>>
      %dma_wait3A_242 = arith.constant 0 : i32
      %dma_wait3A_243 = arith.constant 0 : i32
      %dma_wait3A_244 = tpu.memref_slice %arg9[%dma_wait3A_242, %dma_wait3A_243] : memref<1x16512xf32, #tpu.memory_space<vmem>> -> memref<1x16384xf32, #tpu.memory_space<vmem>>
      %dma_wait3A_245 = arith.constant 0 : i32
      %dma_wait3A_246 = tpu.memref_slice %arg2[%add3A_236, %dma_wait3A_245] : memref<1536x16384xf32, #tpu.memory_space<hbm>> -> memref<1x16384xf32, #tpu.memory_space<hbm>>
      tpu.wait_dma2 semaphore(%arg16 : memref<!tpu.dma_semaphore, #tpu.memory_space<semaphore_mem>>) src(%dma_wait3A_246 : memref<1x16384xf32, #tpu.memory_space<hbm>>) dst(%dma_wait3A_244 : memref<1x16384xf32, #tpu.memory_space<vmem>>)
      %add3A_247 = arith.constant 1 : i32
      %add3A_248 = arith.addi %add3A_236, %add3A_247 : i32
      %dma_wait3A_249 = arith.constant 0 : i32
      %dma_wait3A_250 = arith.constant 0 : i32
      %dma_wait3A_251 = tpu.memref_slice %arg10[%dma_wait3A_249, %dma_wait3A_250] : memref<1x16512xf32, #tpu.memory_space<vmem>> -> memref<1x16384xf32, #tpu.memory_space<vmem>>
      %dma_wait3A_252 = arith.constant 0 : i32
      %dma_wait3A_253 = tpu.memref_slice %arg2[%add3A_248, %dma_wait3A_252] : memref<1536x16384xf32, #tpu.memory_space<hbm>> -> memref<1x16384xf32, #tpu.memory_space<hbm>>
      %dma_wait3A_254 = arith.constant 0 : i32
      %dma_wait3A_255 = arith.constant 0 : i32
      %dma_wait3A_256 = tpu.memref_slice %arg10[%dma_wait3A_254, %dma_wait3A_255] : memref<1x16512xf32, #tpu.memory_space<vmem>> -> memref<1x16384xf32, #tpu.memory_space<vmem>>
      %dma_wait3A_257 = arith.constant 0 : i32
      %dma_wait3A_258 = tpu.memref_slice %arg2[%add3A_248, %dma_wait3A_257] : memref<1536x16384xf32, #tpu.memory_space<hbm>> -> memref<1x16384xf32, #tpu.memory_space<hbm>>
      tpu.wait_dma2 semaphore(%arg16 : memref<!tpu.dma_semaphore, #tpu.memory_space<semaphore_mem>>) src(%dma_wait3A_258 : memref<1x16384xf32, #tpu.memory_space<hbm>>) dst(%dma_wait3A_256 : memref<1x16384xf32, #tpu.memory_space<vmem>>)
      %ge3A = arith.constant 2 : i32
      %ge3A_259 = arith.cmpi sge, %add3A_231, %ge3A : i32
      %convert_element_type3A = arith.extui %ge3A_259 : i1 to i32
      %cond3A = arith.constant 0 : i32
      %cond3A_260 = arith.cmpi ne, %convert_element_type3A, %cond3A : i32
      scf.if %cond3A_260 {
        %dma_wait3A_332 = arith.constant 0 : i32
        %dma_wait3A_333 = tpu.memref_slice %arg5[%add3A_236, %dma_wait3A_332] : memref<1536x4096xf32, #tpu.memory_space<hbm>> -> memref<1x4096xf32, #tpu.memory_space<hbm>>
        %dma_wait3A_334 = arith.constant 0 : i32
        %dma_wait3A_335 = tpu.memref_slice %arg5[%add3A_236, %dma_wait3A_334] : memref<1536x4096xf32, #tpu.memory_space<hbm>> -> memref<1x4096xf32, #tpu.memory_space<hbm>>
        tpu.wait_dma2 semaphore(%arg18 : memref<!tpu.dma_semaphore, #tpu.memory_space<semaphore_mem>>) src(%arg13 : memref<1x4096xf32, #tpu.memory_space<vmem>>) dst(%dma_wait3A_335 : memref<1x4096xf32, #tpu.memory_space<hbm>>)
        %dma_wait3A_336 = arith.constant 0 : i32
        %dma_wait3A_337 = tpu.memref_slice %arg5[%add3A_236, %dma_wait3A_336] : memref<1536x4096xf32, #tpu.memory_space<hbm>> -> memref<1x4096xf32, #tpu.memory_space<hbm>>
        %dma_wait3A_338 = arith.constant 0 : i32
        %dma_wait3A_339 = tpu.memref_slice %arg5[%add3A_236, %dma_wait3A_338] : memref<1536x4096xf32, #tpu.memory_space<hbm>> -> memref<1x4096xf32, #tpu.memory_space<hbm>>
        tpu.wait_dma2 semaphore(%arg18 : memref<!tpu.dma_semaphore, #tpu.memory_space<semaphore_mem>>) src(%arg14 : memref<1x4096xf32, #tpu.memory_space<vmem>>) dst(%dma_wait3A_339 : memref<1x4096xf32, #tpu.memory_space<hbm>>)
      } else {
      }
      %parallel_loop3A_261 = arith.constant 0 : i32
      %parallel_loop3A_262 = arith.constant 256 : i32
      %parallel_loop3A_263 = arith.constant 2 : i32
      %parallel_loop3A_264 = arith.constant 0 : i32
      %parallel_loop3A_265 = arith.constant 0 : i32
      scf.for %parallel_loop3A_332 = %parallel_loop3A_261 to %parallel_loop3A_262 step %parallel_loop3A_263  : i32 {
        %parallel_loop3A_333 = arith.constant 16 : i32
        %parallel_loop3A_334 = arith.muli %parallel_loop3A_332, %parallel_loop3A_333 : i32
        %parallel_loop3A_335 = arith.constant 16 : i32
        %parallel_loop3A_336 = arith.addi %parallel_loop3A_334, %parallel_loop3A_335 : i32
        %parallel_loop3A_337 = arith.constant 2 : i32
        %parallel_loop3A_338 = arith.divsi %parallel_loop3A_334, %parallel_loop3A_337 : i32
        %parallel_loop3A_339 = arith.constant 0 : i32
        %parallel_loop3A_340 = arith.cmpi sgt, %parallel_loop3A_334, %parallel_loop3A_339 : i32
        %parallel_loop3A_341 = arith.extui %parallel_loop3A_340 : i1 to i32
        %parallel_loop3A_342 = arith.constant 0 : i32
        %parallel_loop3A_343 = arith.cmpi slt, %parallel_loop3A_334, %parallel_loop3A_342 : i32
        %parallel_loop3A_344 = arith.extui %parallel_loop3A_343 : i1 to i32
        %parallel_loop3A_345 = arith.subi %parallel_loop3A_341, %parallel_loop3A_344 : i32
        %parallel_loop3A_346 = arith.constant 0 : i32
        %parallel_loop3A_347 = arith.cmpi sgt, %parallel_loop3A_337, %parallel_loop3A_346 : i32
        %parallel_loop3A_348 = arith.extui %parallel_loop3A_347 : i1 to i32
        %parallel_loop3A_349 = arith.constant 0 : i32
        %parallel_loop3A_350 = arith.cmpi slt, %parallel_loop3A_337, %parallel_loop3A_349 : i32
        %parallel_loop3A_351 = arith.extui %parallel_loop3A_350 : i1 to i32
        %parallel_loop3A_352 = arith.subi %parallel_loop3A_348, %parallel_loop3A_351 : i32
        %parallel_loop3A_353 = arith.cmpi ne, %parallel_loop3A_345, %parallel_loop3A_352 : i32
        %parallel_loop3A_354 = arith.remsi %parallel_loop3A_334, %parallel_loop3A_337 : i32
        %parallel_loop3A_355 = arith.constant 0 : i32
        %parallel_loop3A_356 = arith.cmpi ne, %parallel_loop3A_354, %parallel_loop3A_355 : i32
        %parallel_loop3A_357 = arith.andi %parallel_loop3A_353, %parallel_loop3A_356 : i1
        %parallel_loop3A_358 = arith.constant 1 : i32
        %parallel_loop3A_359 = arith.subi %parallel_loop3A_338, %parallel_loop3A_358 : i32
        %parallel_loop3A_360 = arith.select %parallel_loop3A_357, %parallel_loop3A_359, %parallel_loop3A_338 : i32
        %parallel_loop3A_361 = arith.constant 0 : i32
        %parallel_loop3A_362 = arith.addi %parallel_loop3A_361, %parallel_loop3A_360 : i32
        %parallel_loop3A_363 = arith.index_cast %parallel_loop3A_362 : i32 to index
        %parallel_loop3A_364 = tpu.vector_load %arg6[%parallel_loop3A_363] {strides = array<i32>} : memref<18432xi32, #tpu.memory_space<vmem>>, vector<16xi32>,
        %parallel_loop3A_365 = vector.bitcast %parallel_loop3A_364 : vector<16xi32> to vector<32xi16>
        %parallel_loop3A_366 = tpu.unpack_subelements %parallel_loop3A_365, 0 {pack_format = #tpu.pack_format<interleaved>} : vector<32xi16> -> vector<16xi32>
        %parallel_loop3A_367 = tpu.unpack_subelements %parallel_loop3A_365, 1 {pack_format = #tpu.pack_format<interleaved>} : vector<32xi16> -> vector<16xi32>
        %parallel_loop3A_368 = arith.constant 0 : i32
        %parallel_loop3A_369 = tpu.memref_slice %arg9[%parallel_loop3A_264, %parallel_loop3A_368] : memref<1x16512xf32, #tpu.memory_space<vmem>> -> memref<1x16512xf32, #tpu.memory_space<vmem>>
        %parallel_loop3A_370 = tpu.memref_squeeze %parallel_loop3A_369 : memref<1x16512xf32, #tpu.memory_space<vmem>> -> memref<16512xf32, #tpu.memory_space<vmem>>
        %parallel_loop3A_371 = tpu.vector_load_idx %parallel_loop3A_370[%parallel_loop3A_366] : memref<16512xf32, #tpu.memory_space<vmem>>[vector<16xi32>], vector<16xf32>,
        %parallel_loop3A_372 = arith.constant 0 : i32
        %parallel_loop3A_373 = tpu.memref_slice %arg9[%parallel_loop3A_264, %parallel_loop3A_372] : memref<1x16512xf32, #tpu.memory_space<vmem>> -> memref<1x16512xf32, #tpu.memory_space<vmem>>
        %parallel_loop3A_374 = tpu.memref_squeeze %parallel_loop3A_373 : memref<1x16512xf32, #tpu.memory_space<vmem>> -> memref<16512xf32, #tpu.memory_space<vmem>>
        %parallel_loop3A_375 = tpu.vector_load_idx %parallel_loop3A_374[%parallel_loop3A_367] : memref<16512xf32, #tpu.memory_space<vmem>>[vector<16xi32>], vector<16xf32>,
        %parallel_loop3A_376 = arith.constant 0 : i32
        %parallel_loop3A_377 = tpu.memref_slice %arg10[%parallel_loop3A_265, %parallel_loop3A_376] : memref<1x16512xf32, #tpu.memory_space<vmem>> -> memref<1x16512xf32, #tpu.memory_space<vmem>>
        %parallel_loop3A_378 = tpu.memref_squeeze %parallel_loop3A_377 : memref<1x16512xf32, #tpu.memory_space<vmem>> -> memref<16512xf32, #tpu.memory_space<vmem>>
        %parallel_loop3A_379 = tpu.vector_load_idx %parallel_loop3A_378[%parallel_loop3A_366] : memref<16512xf32, #tpu.memory_space<vmem>>[vector<16xi32>], vector<16xf32>,
        %parallel_loop3A_380 = arith.constant 0 : i32
        %parallel_loop3A_381 = tpu.memref_slice %arg10[%parallel_loop3A_265, %parallel_loop3A_380] : memref<1x16512xf32, #tpu.memory_space<vmem>> -> memref<1x16512xf32, #tpu.memory_space<vmem>>
        %parallel_loop3A_382 = tpu.memref_squeeze %parallel_loop3A_381 : memref<1x16512xf32, #tpu.memory_space<vmem>> -> memref<16512xf32, #tpu.memory_space<vmem>>
        %parallel_loop3A_383 = tpu.vector_load_idx %parallel_loop3A_382[%parallel_loop3A_367] : memref<16512xf32, #tpu.memory_space<vmem>>[vector<16xi32>], vector<16xf32>,
        %parallel_loop3A_384 = arith.constant 2 : i32
        %parallel_loop3A_385 = arith.divsi %parallel_loop3A_334, %parallel_loop3A_384 : i32
        %parallel_loop3A_386 = arith.constant 0 : i32
        %parallel_loop3A_387 = arith.cmpi sgt, %parallel_loop3A_334, %parallel_loop3A_386 : i32
        %parallel_loop3A_388 = arith.extui %parallel_loop3A_387 : i1 to i32
        %parallel_loop3A_389 = arith.constant 0 : i32
        %parallel_loop3A_390 = arith.cmpi slt, %parallel_loop3A_334, %parallel_loop3A_389 : i32
        %parallel_loop3A_391 = arith.extui %parallel_loop3A_390 : i1 to i32
        %parallel_loop3A_392 = arith.subi %parallel_loop3A_388, %parallel_loop3A_391 : i32
        %parallel_loop3A_393 = arith.constant 0 : i32
        %parallel_loop3A_394 = arith.cmpi sgt, %parallel_loop3A_384, %parallel_loop3A_393 : i32
        %parallel_loop3A_395 = arith.extui %parallel_loop3A_394 : i1 to i32
        %parallel_loop3A_396 = arith.constant 0 : i32
        %parallel_loop3A_397 = arith.cmpi slt, %parallel_loop3A_384, %parallel_loop3A_396 : i32
        %parallel_loop3A_398 = arith.extui %parallel_loop3A_397 : i1 to i32
        %parallel_loop3A_399 = arith.subi %parallel_loop3A_395, %parallel_loop3A_398 : i32
        %parallel_loop3A_400 = arith.cmpi ne, %parallel_loop3A_392, %parallel_loop3A_399 : i32
        %parallel_loop3A_401 = arith.remsi %parallel_loop3A_334, %parallel_loop3A_384 : i32
        %parallel_loop3A_402 = arith.constant 0 : i32
        %parallel_loop3A_403 = arith.cmpi ne, %parallel_loop3A_401, %parallel_loop3A_402 : i32
        %parallel_loop3A_404 = arith.andi %parallel_loop3A_400, %parallel_loop3A_403 : i1
        %parallel_loop3A_405 = arith.constant 1 : i32
        %parallel_loop3A_406 = arith.subi %parallel_loop3A_385, %parallel_loop3A_405 : i32
        %parallel_loop3A_407 = arith.select %parallel_loop3A_404, %parallel_loop3A_406, %parallel_loop3A_385 : i32
        %parallel_loop3A_408 = arith.constant 2048 : i32
        %parallel_loop3A_409 = arith.addi %parallel_loop3A_408, %parallel_loop3A_407 : i32
        %parallel_loop3A_410 = arith.index_cast %parallel_loop3A_409 : i32 to index
        %parallel_loop3A_411 = tpu.vector_load %arg6[%parallel_loop3A_410] {strides = array<i32>} : memref<18432xi32, #tpu.memory_space<vmem>>, vector<16xi32>,
        %parallel_loop3A_412 = vector.bitcast %parallel_loop3A_411 : vector<16xi32> to vector<32xi16>
        %parallel_loop3A_413 = tpu.unpack_subelements %parallel_loop3A_412, 0 {pack_format = #tpu.pack_format<interleaved>} : vector<32xi16> -> vector<16xi32>
        %parallel_loop3A_414 = tpu.unpack_subelements %parallel_loop3A_412, 1 {pack_format = #tpu.pack_format<interleaved>} : vector<32xi16> -> vector<16xi32>
        %parallel_loop3A_415 = arith.constant 0 : i32
        %parallel_loop3A_416 = tpu.memref_slice %arg9[%parallel_loop3A_264, %parallel_loop3A_415] : memref<1x16512xf32, #tpu.memory_space<vmem>> -> memref<1x16512xf32, #tpu.memory_space<vmem>>
        %parallel_loop3A_417 = tpu.memref_squeeze %parallel_loop3A_416 : memref<1x16512xf32, #tpu.memory_space<vmem>> -> memref<16512xf32, #tpu.memory_space<vmem>>
        %parallel_loop3A_418 = tpu.vector_load_idx %parallel_loop3A_417[%parallel_loop3A_413] : memref<16512xf32, #tpu.memory_space<vmem>>[vector<16xi32>], vector<16xf32>,
        %parallel_loop3A_419 = arith.constant 0 : i32
        %parallel_loop3A_420 = tpu.memref_slice %arg9[%parallel_loop3A_264, %parallel_loop3A_419] : memref<1x16512xf32, #tpu.memory_space<vmem>> -> memref<1x16512xf32, #tpu.memory_space<vmem>>
        %parallel_loop3A_421 = tpu.memref_squeeze %parallel_loop3A_420 : memref<1x16512xf32, #tpu.memory_space<vmem>> -> memref<16512xf32, #tpu.memory_space<vmem>>
        %parallel_loop3A_422 = tpu.vector_load_idx %parallel_loop3A_421[%parallel_loop3A_414] : memref<16512xf32, #tpu.memory_space<vmem>>[vector<16xi32>], vector<16xf32>,
        %parallel_loop3A_423 = arith.constant 0 : i32
        %parallel_loop3A_424 = tpu.memref_slice %arg10[%parallel_loop3A_265, %parallel_loop3A_423] : memref<1x16512xf32, #tpu.memory_space<vmem>> -> memref<1x16512xf32, #tpu.memory_space<vmem>>
        %parallel_loop3A_425 = tpu.memref_squeeze %parallel_loop3A_424 : memref<1x16512xf32, #tpu.memory_space<vmem>> -> memref<16512xf32, #tpu.memory_space<vmem>>
        %parallel_loop3A_426 = tpu.vector_load_idx %parallel_loop3A_425[%parallel_loop3A_413] : memref<16512xf32, #tpu.memory_space<vmem>>[vector<16xi32>], vector<16xf32>,
        %parallel_loop3A_427 = arith.constant 0 : i32
        %parallel_loop3A_428 = tpu.memref_slice %arg10[%parallel_loop3A_265, %parallel_loop3A_427] : memref<1x16512xf32, #tpu.memory_space<vmem>> -> memref<1x16512xf32, #tpu.memory_space<vmem>>
        %parallel_loop3A_429 = tpu.memref_squeeze %parallel_loop3A_428 : memref<1x16512xf32, #tpu.memory_space<vmem>> -> memref<16512xf32, #tpu.memory_space<vmem>>
        %parallel_loop3A_430 = tpu.vector_load_idx %parallel_loop3A_429[%parallel_loop3A_414] : memref<16512xf32, #tpu.memory_space<vmem>>[vector<16xi32>], vector<16xf32>,
        %parallel_loop3A_431 = arith.addf %parallel_loop3A_371, %parallel_loop3A_418 : vector<16xf32>
        %parallel_loop3A_432 = arith.addf %parallel_loop3A_375, %parallel_loop3A_422 : vector<16xf32>
        %parallel_loop3A_433 = arith.addf %parallel_loop3A_379, %parallel_loop3A_426 : vector<16xf32>
        %parallel_loop3A_434 = arith.addf %parallel_loop3A_383, %parallel_loop3A_430 : vector<16xf32>
        %parallel_loop3A_435 = arith.constant 2 : i32
        %parallel_loop3A_436 = arith.divsi %parallel_loop3A_334, %parallel_loop3A_435 : i32
        %parallel_loop3A_437 = arith.constant 0 : i32
        %parallel_loop3A_438 = arith.cmpi sgt, %parallel_loop3A_334, %parallel_loop3A_437 : i32
        %parallel_loop3A_439 = arith.extui %parallel_loop3A_438 : i1 to i32
        %parallel_loop3A_440 = arith.constant 0 : i32
        %parallel_loop3A_441 = arith.cmpi slt, %parallel_loop3A_334, %parallel_loop3A_440 : i32
        %parallel_loop3A_442 = arith.extui %parallel_loop3A_441 : i1 to i32
        %parallel_loop3A_443 = arith.subi %parallel_loop3A_439, %parallel_loop3A_442 : i32
        %parallel_loop3A_444 = arith.constant 0 : i32
        %parallel_loop3A_445 = arith.cmpi sgt, %parallel_loop3A_435, %parallel_loop3A_444 : i32
        %parallel_loop3A_446 = arith.extui %parallel_loop3A_445 : i1 to i32
        %parallel_loop3A_447 = arith.constant 0 : i32
        %parallel_loop3A_448 = arith.cmpi slt, %parallel_loop3A_435, %parallel_loop3A_447 : i32
        %parallel_loop3A_449 = arith.extui %parallel_loop3A_448 : i1 to i32
        %parallel_loop3A_450 = arith.subi %parallel_loop3A_446, %parallel_loop3A_449 : i32
        %parallel_loop3A_451 = arith.cmpi ne, %parallel_loop3A_443, %parallel_loop3A_450 : i32
        %parallel_loop3A_452 = arith.remsi %parallel_loop3A_334, %parallel_loop3A_435 : i32
        %parallel_loop3A_453 = arith.constant 0 : i32
        %parallel_loop3A_454 = arith.cmpi ne, %parallel_loop3A_452, %parallel_loop3A_453 : i32
        %parallel_loop3A_455 = arith.andi %parallel_loop3A_451, %parallel_loop3A_454 : i1
        %parallel_loop3A_456 = arith.constant 1 : i32
        %parallel_loop3A_457 = arith.subi %parallel_loop3A_436, %parallel_loop3A_456 : i32
        %parallel_loop3A_458 = arith.select %parallel_loop3A_455, %parallel_loop3A_457, %parallel_loop3A_436 : i32
        %parallel_loop3A_459 = arith.constant 4096 : i32
        %parallel_loop3A_460 = arith.addi %parallel_loop3A_459, %parallel_loop3A_458 : i32
        %parallel_loop3A_461 = arith.index_cast %parallel_loop3A_460 : i32 to index
        %parallel_loop3A_462 = tpu.vector_load %arg6[%parallel_loop3A_461] {strides = array<i32>} : memref<18432xi32, #tpu.memory_space<vmem>>, vector<16xi32>,
        %parallel_loop3A_463 = vector.bitcast %parallel_loop3A_462 : vector<16xi32> to vector<32xi16>
        %parallel_loop3A_464 = tpu.unpack_subelements %parallel_loop3A_463, 0 {pack_format = #tpu.pack_format<interleaved>} : vector<32xi16> -> vector<16xi32>
        %parallel_loop3A_465 = tpu.unpack_subelements %parallel_loop3A_463, 1 {pack_format = #tpu.pack_format<interleaved>} : vector<32xi16> -> vector<16xi32>
        %parallel_loop3A_466 = arith.constant 0 : i32
        %parallel_loop3A_467 = tpu.memref_slice %arg9[%parallel_loop3A_264, %parallel_loop3A_466] : memref<1x16512xf32, #tpu.memory_space<vmem>> -> memref<1x16512xf32, #tpu.memory_space<vmem>>
        %parallel_loop3A_468 = tpu.memref_squeeze %parallel_loop3A_467 : memref<1x16512xf32, #tpu.memory_space<vmem>> -> memref<16512xf32, #tpu.memory_space<vmem>>
        %parallel_loop3A_469 = tpu.vector_load_idx %parallel_loop3A_468[%parallel_loop3A_464] : memref<16512xf32, #tpu.memory_space<vmem>>[vector<16xi32>], vector<16xf32>,
        %parallel_loop3A_470 = arith.constant 0 : i32
        %parallel_loop3A_471 = tpu.memref_slice %arg9[%parallel_loop3A_264, %parallel_loop3A_470] : memref<1x16512xf32, #tpu.memory_space<vmem>> -> memref<1x16512xf32, #tpu.memory_space<vmem>>
        %parallel_loop3A_472 = tpu.memref_squeeze %parallel_loop3A_471 : memref<1x16512xf32, #tpu.memory_space<vmem>> -> memref<16512xf32, #tpu.memory_space<vmem>>
        %parallel_loop3A_473 = tpu.vector_load_idx %parallel_loop3A_472[%parallel_loop3A_465] : memref<16512xf32, #tpu.memory_space<vmem>>[vector<16xi32>], vector<16xf32>,
        %parallel_loop3A_474 = arith.constant 0 : i32
        %parallel_loop3A_475 = tpu.memref_slice %arg10[%parallel_loop3A_265, %parallel_loop3A_474] : memref<1x16512xf32, #tpu.memory_space<vmem>> -> memref<1x16512xf32, #tpu.memory_space<vmem>>
        %parallel_loop3A_476 = tpu.memref_squeeze %parallel_loop3A_475 : memref<1x16512xf32, #tpu.memory_space<vmem>> -> memref<16512xf32, #tpu.memory_space<vmem>>
        %parallel_loop3A_477 = tpu.vector_load_idx %parallel_loop3A_476[%parallel_loop3A_464] : memref<16512xf32, #tpu.memory_space<vmem>>[vector<16xi32>], vector<16xf32>,
        %parallel_loop3A_478 = arith.constant 0 : i32
        %parallel_loop3A_479 = tpu.memref_slice %arg10[%parallel_loop3A_265, %parallel_loop3A_478] : memref<1x16512xf32, #tpu.memory_space<vmem>> -> memref<1x16512xf32, #tpu.memory_space<vmem>>
        %parallel_loop3A_480 = tpu.memref_squeeze %parallel_loop3A_479 : memref<1x16512xf32, #tpu.memory_space<vmem>> -> memref<16512xf32, #tpu.memory_space<vmem>>
        %parallel_loop3A_481 = tpu.vector_load_idx %parallel_loop3A_480[%parallel_loop3A_465] : memref<16512xf32, #tpu.memory_space<vmem>>[vector<16xi32>], vector<16xf32>,
        %parallel_loop3A_482 = arith.addf %parallel_loop3A_431, %parallel_loop3A_469 : vector<16xf32>
        %parallel_loop3A_483 = arith.addf %parallel_loop3A_432, %parallel_loop3A_473 : vector<16xf32>
        %parallel_loop3A_484 = arith.addf %parallel_loop3A_433, %parallel_loop3A_477 : vector<16xf32>
        %parallel_loop3A_485 = arith.addf %parallel_loop3A_434, %parallel_loop3A_481 : vector<16xf32>
        %parallel_loop3A_486 = arith.constant 2 : i32
        %parallel_loop3A_487 = arith.divsi %parallel_loop3A_334, %parallel_loop3A_486 : i32
        %parallel_loop3A_488 = arith.constant 0 : i32
        %parallel_loop3A_489 = arith.cmpi sgt, %parallel_loop3A_334, %parallel_loop3A_488 : i32
        %parallel_loop3A_490 = arith.extui %parallel_loop3A_489 : i1 to i32
        %parallel_loop3A_491 = arith.constant 0 : i32
        %parallel_loop3A_492 = arith.cmpi slt, %parallel_loop3A_334, %parallel_loop3A_491 : i32
        %parallel_loop3A_493 = arith.extui %parallel_loop3A_492 : i1 to i32
        %parallel_loop3A_494 = arith.subi %parallel_loop3A_490, %parallel_loop3A_493 : i32
        %parallel_loop3A_495 = arith.constant 0 : i32
        %parallel_loop3A_496 = arith.cmpi sgt, %parallel_loop3A_486, %parallel_loop3A_495 : i32
        %parallel_loop3A_497 = arith.extui %parallel_loop3A_496 : i1 to i32
        %parallel_loop3A_498 = arith.constant 0 : i32
        %parallel_loop3A_499 = arith.cmpi slt, %parallel_loop3A_486, %parallel_loop3A_498 : i32
        %parallel_loop3A_500 = arith.extui %parallel_loop3A_499 : i1 to i32
        %parallel_loop3A_501 = arith.subi %parallel_loop3A_497, %parallel_loop3A_500 : i32
        %parallel_loop3A_502 = arith.cmpi ne, %parallel_loop3A_494, %parallel_loop3A_501 : i32
        %parallel_loop3A_503 = arith.remsi %parallel_loop3A_334, %parallel_loop3A_486 : i32
        %parallel_loop3A_504 = arith.constant 0 : i32
        %parallel_loop3A_505 = arith.cmpi ne, %parallel_loop3A_503, %parallel_loop3A_504 : i32
        %parallel_loop3A_506 = arith.andi %parallel_loop3A_502, %parallel_loop3A_505 : i1
        %parallel_loop3A_507 = arith.constant 1 : i32
        %parallel_loop3A_508 = arith.subi %parallel_loop3A_487, %parallel_loop3A_507 : i32
        %parallel_loop3A_509 = arith.select %parallel_loop3A_506, %parallel_loop3A_508, %parallel_loop3A_487 : i32
        %parallel_loop3A_510 = arith.constant 6144 : i32
        %parallel_loop3A_511 = arith.addi %parallel_loop3A_510, %parallel_loop3A_509 : i32
        %parallel_loop3A_512 = arith.index_cast %parallel_loop3A_511 : i32 to index
        %parallel_loop3A_513 = tpu.vector_load %arg6[%parallel_loop3A_512] {strides = array<i32>} : memref<18432xi32, #tpu.memory_space<vmem>>, vector<16xi32>,
        %parallel_loop3A_514 = vector.bitcast %parallel_loop3A_513 : vector<16xi32> to vector<32xi16>
        %parallel_loop3A_515 = tpu.unpack_subelements %parallel_loop3A_514, 0 {pack_format = #tpu.pack_format<interleaved>} : vector<32xi16> -> vector<16xi32>
        %parallel_loop3A_516 = tpu.unpack_subelements %parallel_loop3A_514, 1 {pack_format = #tpu.pack_format<interleaved>} : vector<32xi16> -> vector<16xi32>
        %parallel_loop3A_517 = arith.constant 0 : i32
        %parallel_loop3A_518 = tpu.memref_slice %arg9[%parallel_loop3A_264, %parallel_loop3A_517] : memref<1x16512xf32, #tpu.memory_space<vmem>> -> memref<1x16512xf32, #tpu.memory_space<vmem>>
        %parallel_loop3A_519 = tpu.memref_squeeze %parallel_loop3A_518 : memref<1x16512xf32, #tpu.memory_space<vmem>> -> memref<16512xf32, #tpu.memory_space<vmem>>
        %parallel_loop3A_520 = tpu.vector_load_idx %parallel_loop3A_519[%parallel_loop3A_515] : memref<16512xf32, #tpu.memory_space<vmem>>[vector<16xi32>], vector<16xf32>,
        %parallel_loop3A_521 = arith.constant 0 : i32
        %parallel_loop3A_522 = tpu.memref_slice %arg9[%parallel_loop3A_264, %parallel_loop3A_521] : memref<1x16512xf32, #tpu.memory_space<vmem>> -> memref<1x16512xf32, #tpu.memory_space<vmem>>
        %parallel_loop3A_523 = tpu.memref_squeeze %parallel_loop3A_522 : memref<1x16512xf32, #tpu.memory_space<vmem>> -> memref<16512xf32, #tpu.memory_space<vmem>>
        %parallel_loop3A_524 = tpu.vector_load_idx %parallel_loop3A_523[%parallel_loop3A_516] : memref<16512xf32, #tpu.memory_space<vmem>>[vector<16xi32>], vector<16xf32>,
        %parallel_loop3A_525 = arith.constant 0 : i32
        %parallel_loop3A_526 = tpu.memref_slice %arg10[%parallel_loop3A_265, %parallel_loop3A_525] : memref<1x16512xf32, #tpu.memory_space<vmem>> -> memref<1x16512xf32, #tpu.memory_space<vmem>>
        %parallel_loop3A_527 = tpu.memref_squeeze %parallel_loop3A_526 : memref<1x16512xf32, #tpu.memory_space<vmem>> -> memref<16512xf32, #tpu.memory_space<vmem>>
        %parallel_loop3A_528 = tpu.vector_load_idx %parallel_loop3A_527[%parallel_loop3A_515] : memref<16512xf32, #tpu.memory_space<vmem>>[vector<16xi32>], vector<16xf32>,
        %parallel_loop3A_529 = arith.constant 0 : i32
        %parallel_loop3A_530 = tpu.memref_slice %arg10[%parallel_loop3A_265, %parallel_loop3A_529] : memref<1x16512xf32, #tpu.memory_space<vmem>> -> memref<1x16512xf32, #tpu.memory_space<vmem>>
        %parallel_loop3A_531 = tpu.memref_squeeze %parallel_loop3A_530 : memref<1x16512xf32, #tpu.memory_space<vmem>> -> memref<16512xf32, #tpu.memory_space<vmem>>
        %parallel_loop3A_532 = tpu.vector_load_idx %parallel_loop3A_531[%parallel_loop3A_516] : memref<16512xf32, #tpu.memory_space<vmem>>[vector<16xi32>], vector<16xf32>,
        %parallel_loop3A_533 = arith.addf %parallel_loop3A_482, %parallel_loop3A_520 : vector<16xf32>
        %parallel_loop3A_534 = arith.addf %parallel_loop3A_483, %parallel_loop3A_524 : vector<16xf32>
        %parallel_loop3A_535 = arith.addf %parallel_loop3A_484, %parallel_loop3A_528 : vector<16xf32>
        %parallel_loop3A_536 = arith.addf %parallel_loop3A_485, %parallel_loop3A_532 : vector<16xf32>
        %parallel_loop3A_537 = arith.constant 2 : i32
        %parallel_loop3A_538 = arith.divsi %parallel_loop3A_334, %parallel_loop3A_537 : i32
        %parallel_loop3A_539 = arith.constant 0 : i32
        %parallel_loop3A_540 = arith.cmpi sgt, %parallel_loop3A_334, %parallel_loop3A_539 : i32
        %parallel_loop3A_541 = arith.extui %parallel_loop3A_540 : i1 to i32
        %parallel_loop3A_542 = arith.constant 0 : i32
        %parallel_loop3A_543 = arith.cmpi slt, %parallel_loop3A_334, %parallel_loop3A_542 : i32
        %parallel_loop3A_544 = arith.extui %parallel_loop3A_543 : i1 to i32
        %parallel_loop3A_545 = arith.subi %parallel_loop3A_541, %parallel_loop3A_544 : i32
        %parallel_loop3A_546 = arith.constant 0 : i32
        %parallel_loop3A_547 = arith.cmpi sgt, %parallel_loop3A_537, %parallel_loop3A_546 : i32
        %parallel_loop3A_548 = arith.extui %parallel_loop3A_547 : i1 to i32
        %parallel_loop3A_549 = arith.constant 0 : i32
        %parallel_loop3A_550 = arith.cmpi slt, %parallel_loop3A_537, %parallel_loop3A_549 : i32
        %parallel_loop3A_551 = arith.extui %parallel_loop3A_550 : i1 to i32
        %parallel_loop3A_552 = arith.subi %parallel_loop3A_548, %parallel_loop3A_551 : i32
        %parallel_loop3A_553 = arith.cmpi ne, %parallel_loop3A_545, %parallel_loop3A_552 : i32
        %parallel_loop3A_554 = arith.remsi %parallel_loop3A_334, %parallel_loop3A_537 : i32
        %parallel_loop3A_555 = arith.constant 0 : i32
        %parallel_loop3A_556 = arith.cmpi ne, %parallel_loop3A_554, %parallel_loop3A_555 : i32
        %parallel_loop3A_557 = arith.andi %parallel_loop3A_553, %parallel_loop3A_556 : i1
        %parallel_loop3A_558 = arith.constant 1 : i32
        %parallel_loop3A_559 = arith.subi %parallel_loop3A_538, %parallel_loop3A_558 : i32
        %parallel_loop3A_560 = arith.select %parallel_loop3A_557, %parallel_loop3A_559, %parallel_loop3A_538 : i32
        %parallel_loop3A_561 = arith.constant 8192 : i32
        %parallel_loop3A_562 = arith.addi %parallel_loop3A_561, %parallel_loop3A_560 : i32
        %parallel_loop3A_563 = arith.index_cast %parallel_loop3A_562 : i32 to index
        %parallel_loop3A_564 = tpu.vector_load %arg6[%parallel_loop3A_563] {strides = array<i32>} : memref<18432xi32, #tpu.memory_space<vmem>>, vector<16xi32>,
        %parallel_loop3A_565 = vector.bitcast %parallel_loop3A_564 : vector<16xi32> to vector<32xi16>
        %parallel_loop3A_566 = tpu.unpack_subelements %parallel_loop3A_565, 0 {pack_format = #tpu.pack_format<interleaved>} : vector<32xi16> -> vector<16xi32>
        %parallel_loop3A_567 = tpu.unpack_subelements %parallel_loop3A_565, 1 {pack_format = #tpu.pack_format<interleaved>} : vector<32xi16> -> vector<16xi32>
        %parallel_loop3A_568 = arith.constant 0 : i32
        %parallel_loop3A_569 = tpu.memref_slice %arg9[%parallel_loop3A_264, %parallel_loop3A_568] : memref<1x16512xf32, #tpu.memory_space<vmem>> -> memref<1x16512xf32, #tpu.memory_space<vmem>>
        %parallel_loop3A_570 = tpu.memref_squeeze %parallel_loop3A_569 : memref<1x16512xf32, #tpu.memory_space<vmem>> -> memref<16512xf32, #tpu.memory_space<vmem>>
        %parallel_loop3A_571 = tpu.vector_load_idx %parallel_loop3A_570[%parallel_loop3A_566] : memref<16512xf32, #tpu.memory_space<vmem>>[vector<16xi32>], vector<16xf32>,
        %parallel_loop3A_572 = arith.constant 0 : i32
        %parallel_loop3A_573 = tpu.memref_slice %arg9[%parallel_loop3A_264, %parallel_loop3A_572] : memref<1x16512xf32, #tpu.memory_space<vmem>> -> memref<1x16512xf32, #tpu.memory_space<vmem>>
        %parallel_loop3A_574 = tpu.memref_squeeze %parallel_loop3A_573 : memref<1x16512xf32, #tpu.memory_space<vmem>> -> memref<16512xf32, #tpu.memory_space<vmem>>
        %parallel_loop3A_575 = tpu.vector_load_idx %parallel_loop3A_574[%parallel_loop3A_567] : memref<16512xf32, #tpu.memory_space<vmem>>[vector<16xi32>], vector<16xf32>,
        %parallel_loop3A_576 = arith.constant 0 : i32
        %parallel_loop3A_577 = tpu.memref_slice %arg10[%parallel_loop3A_265, %parallel_loop3A_576] : memref<1x16512xf32, #tpu.memory_space<vmem>> -> memref<1x16512xf32, #tpu.memory_space<vmem>>
        %parallel_loop3A_578 = tpu.memref_squeeze %parallel_loop3A_577 : memref<1x16512xf32, #tpu.memory_space<vmem>> -> memref<16512xf32, #tpu.memory_space<vmem>>
        %parallel_loop3A_579 = tpu.vector_load_idx %parallel_loop3A_578[%parallel_loop3A_566] : memref<16512xf32, #tpu.memory_space<vmem>>[vector<16xi32>], vector<16xf32>,
        %parallel_loop3A_580 = arith.constant 0 : i32
        %parallel_loop3A_581 = tpu.memref_slice %arg10[%parallel_loop3A_265, %parallel_loop3A_580] : memref<1x16512xf32, #tpu.memory_space<vmem>> -> memref<1x16512xf32, #tpu.memory_space<vmem>>
        %parallel_loop3A_582 = tpu.memref_squeeze %parallel_loop3A_581 : memref<1x16512xf32, #tpu.memory_space<vmem>> -> memref<16512xf32, #tpu.memory_space<vmem>>
        %parallel_loop3A_583 = tpu.vector_load_idx %parallel_loop3A_582[%parallel_loop3A_567] : memref<16512xf32, #tpu.memory_space<vmem>>[vector<16xi32>], vector<16xf32>,
        %parallel_loop3A_584 = arith.addf %parallel_loop3A_533, %parallel_loop3A_571 : vector<16xf32>
        %parallel_loop3A_585 = arith.addf %parallel_loop3A_534, %parallel_loop3A_575 : vector<16xf32>
        %parallel_loop3A_586 = arith.addf %parallel_loop3A_535, %parallel_loop3A_579 : vector<16xf32>
        %parallel_loop3A_587 = arith.addf %parallel_loop3A_536, %parallel_loop3A_583 : vector<16xf32>
        %parallel_loop3A_588 = arith.constant 2 : i32
        %parallel_loop3A_589 = arith.divsi %parallel_loop3A_334, %parallel_loop3A_588 : i32
        %parallel_loop3A_590 = arith.constant 0 : i32
        %parallel_loop3A_591 = arith.cmpi sgt, %parallel_loop3A_334, %parallel_loop3A_590 : i32
        %parallel_loop3A_592 = arith.extui %parallel_loop3A_591 : i1 to i32
        %parallel_loop3A_593 = arith.constant 0 : i32
        %parallel_loop3A_594 = arith.cmpi slt, %parallel_loop3A_334, %parallel_loop3A_593 : i32
        %parallel_loop3A_595 = arith.extui %parallel_loop3A_594 : i1 to i32
        %parallel_loop3A_596 = arith.subi %parallel_loop3A_592, %parallel_loop3A_595 : i32
        %parallel_loop3A_597 = arith.constant 0 : i32
        %parallel_loop3A_598 = arith.cmpi sgt, %parallel_loop3A_588, %parallel_loop3A_597 : i32
        %parallel_loop3A_599 = arith.extui %parallel_loop3A_598 : i1 to i32
        %parallel_loop3A_600 = arith.constant 0 : i32
        %parallel_loop3A_601 = arith.cmpi slt, %parallel_loop3A_588, %parallel_loop3A_600 : i32
        %parallel_loop3A_602 = arith.extui %parallel_loop3A_601 : i1 to i32
        %parallel_loop3A_603 = arith.subi %parallel_loop3A_599, %parallel_loop3A_602 : i32
        %parallel_loop3A_604 = arith.cmpi ne, %parallel_loop3A_596, %parallel_loop3A_603 : i32
        %parallel_loop3A_605 = arith.remsi %parallel_loop3A_334, %parallel_loop3A_588 : i32
        %parallel_loop3A_606 = arith.constant 0 : i32
        %parallel_loop3A_607 = arith.cmpi ne, %parallel_loop3A_605, %parallel_loop3A_606 : i32
        %parallel_loop3A_608 = arith.andi %parallel_loop3A_604, %parallel_loop3A_607 : i1
        %parallel_loop3A_609 = arith.constant 1 : i32
        %parallel_loop3A_610 = arith.subi %parallel_loop3A_589, %parallel_loop3A_609 : i32
        %parallel_loop3A_611 = arith.select %parallel_loop3A_608, %parallel_loop3A_610, %parallel_loop3A_589 : i32
        %parallel_loop3A_612 = arith.constant 10240 : i32
        %parallel_loop3A_613 = arith.addi %parallel_loop3A_612, %parallel_loop3A_611 : i32
        %parallel_loop3A_614 = arith.index_cast %parallel_loop3A_613 : i32 to index
        %parallel_loop3A_615 = tpu.vector_load %arg6[%parallel_loop3A_614] {strides = array<i32>} : memref<18432xi32, #tpu.memory_space<vmem>>, vector<16xi32>,
        %parallel_loop3A_616 = vector.bitcast %parallel_loop3A_615 : vector<16xi32> to vector<32xi16>
        %parallel_loop3A_617 = tpu.unpack_subelements %parallel_loop3A_616, 0 {pack_format = #tpu.pack_format<interleaved>} : vector<32xi16> -> vector<16xi32>
        %parallel_loop3A_618 = tpu.unpack_subelements %parallel_loop3A_616, 1 {pack_format = #tpu.pack_format<interleaved>} : vector<32xi16> -> vector<16xi32>
        %parallel_loop3A_619 = arith.constant 0 : i32
        %parallel_loop3A_620 = tpu.memref_slice %arg9[%parallel_loop3A_264, %parallel_loop3A_619] : memref<1x16512xf32, #tpu.memory_space<vmem>> -> memref<1x16512xf32, #tpu.memory_space<vmem>>
        %parallel_loop3A_621 = tpu.memref_squeeze %parallel_loop3A_620 : memref<1x16512xf32, #tpu.memory_space<vmem>> -> memref<16512xf32, #tpu.memory_space<vmem>>
        %parallel_loop3A_622 = tpu.vector_load_idx %parallel_loop3A_621[%parallel_loop3A_617] : memref<16512xf32, #tpu.memory_space<vmem>>[vector<16xi32>], vector<16xf32>,
        %parallel_loop3A_623 = arith.constant 0 : i32
        %parallel_loop3A_624 = tpu.memref_slice %arg9[%parallel_loop3A_264, %parallel_loop3A_623] : memref<1x16512xf32, #tpu.memory_space<vmem>> -> memref<1x16512xf32, #tpu.memory_space<vmem>>
        %parallel_loop3A_625 = tpu.memref_squeeze %parallel_loop3A_624 : memref<1x16512xf32, #tpu.memory_space<vmem>> -> memref<16512xf32, #tpu.memory_space<vmem>>
        %parallel_loop3A_626 = tpu.vector_load_idx %parallel_loop3A_625[%parallel_loop3A_618] : memref<16512xf32, #tpu.memory_space<vmem>>[vector<16xi32>], vector<16xf32>,
        %parallel_loop3A_627 = arith.constant 0 : i32
        %parallel_loop3A_628 = tpu.memref_slice %arg10[%parallel_loop3A_265, %parallel_loop3A_627] : memref<1x16512xf32, #tpu.memory_space<vmem>> -> memref<1x16512xf32, #tpu.memory_space<vmem>>
        %parallel_loop3A_629 = tpu.memref_squeeze %parallel_loop3A_628 : memref<1x16512xf32, #tpu.memory_space<vmem>> -> memref<16512xf32, #tpu.memory_space<vmem>>
        %parallel_loop3A_630 = tpu.vector_load_idx %parallel_loop3A_629[%parallel_loop3A_617] : memref<16512xf32, #tpu.memory_space<vmem>>[vector<16xi32>], vector<16xf32>,
        %parallel_loop3A_631 = arith.constant 0 : i32
        %parallel_loop3A_632 = tpu.memref_slice %arg10[%parallel_loop3A_265, %parallel_loop3A_631] : memref<1x16512xf32, #tpu.memory_space<vmem>> -> memref<1x16512xf32, #tpu.memory_space<vmem>>
        %parallel_loop3A_633 = tpu.memref_squeeze %parallel_loop3A_632 : memref<1x16512xf32, #tpu.memory_space<vmem>> -> memref<16512xf32, #tpu.memory_space<vmem>>
        %parallel_loop3A_634 = tpu.vector_load_idx %parallel_loop3A_633[%parallel_loop3A_618] : memref<16512xf32, #tpu.memory_space<vmem>>[vector<16xi32>], vector<16xf32>,
        %parallel_loop3A_635 = arith.addf %parallel_loop3A_584, %parallel_loop3A_622 : vector<16xf32>
        %parallel_loop3A_636 = arith.addf %parallel_loop3A_585, %parallel_loop3A_626 : vector<16xf32>
        %parallel_loop3A_637 = arith.addf %parallel_loop3A_586, %parallel_loop3A_630 : vector<16xf32>
        %parallel_loop3A_638 = arith.addf %parallel_loop3A_587, %parallel_loop3A_634 : vector<16xf32>
        %parallel_loop3A_639 = arith.constant 2 : i32
        %parallel_loop3A_640 = arith.divsi %parallel_loop3A_334, %parallel_loop3A_639 : i32
        %parallel_loop3A_641 = arith.constant 0 : i32
        %parallel_loop3A_642 = arith.cmpi sgt, %parallel_loop3A_334, %parallel_loop3A_641 : i32
        %parallel_loop3A_643 = arith.extui %parallel_loop3A_642 : i1 to i32
        %parallel_loop3A_644 = arith.constant 0 : i32
        %parallel_loop3A_645 = arith.cmpi slt, %parallel_loop3A_334, %parallel_loop3A_644 : i32
        %parallel_loop3A_646 = arith.extui %parallel_loop3A_645 : i1 to i32
        %parallel_loop3A_647 = arith.subi %parallel_loop3A_643, %parallel_loop3A_646 : i32
        %parallel_loop3A_648 = arith.constant 0 : i32
        %parallel_loop3A_649 = arith.cmpi sgt, %parallel_loop3A_639, %parallel_loop3A_648 : i32
        %parallel_loop3A_650 = arith.extui %parallel_loop3A_649 : i1 to i32
        %parallel_loop3A_651 = arith.constant 0 : i32
        %parallel_loop3A_652 = arith.cmpi slt, %parallel_loop3A_639, %parallel_loop3A_651 : i32
        %parallel_loop3A_653 = arith.extui %parallel_loop3A_652 : i1 to i32
        %parallel_loop3A_654 = arith.subi %parallel_loop3A_650, %parallel_loop3A_653 : i32
        %parallel_loop3A_655 = arith.cmpi ne, %parallel_loop3A_647, %parallel_loop3A_654 : i32
        %parallel_loop3A_656 = arith.remsi %parallel_loop3A_334, %parallel_loop3A_639 : i32
        %parallel_loop3A_657 = arith.constant 0 : i32
        %parallel_loop3A_658 = arith.cmpi ne, %parallel_loop3A_656, %parallel_loop3A_657 : i32
        %parallel_loop3A_659 = arith.andi %parallel_loop3A_655, %parallel_loop3A_658 : i1
        %parallel_loop3A_660 = arith.constant 1 : i32
        %parallel_loop3A_661 = arith.subi %parallel_loop3A_640, %parallel_loop3A_660 : i32
        %parallel_loop3A_662 = arith.select %parallel_loop3A_659, %parallel_loop3A_661, %parallel_loop3A_640 : i32
        %parallel_loop3A_663 = arith.constant 12288 : i32
        %parallel_loop3A_664 = arith.addi %parallel_loop3A_663, %parallel_loop3A_662 : i32
        %parallel_loop3A_665 = arith.index_cast %parallel_loop3A_664 : i32 to index
        %parallel_loop3A_666 = tpu.vector_load %arg6[%parallel_loop3A_665] {strides = array<i32>} : memref<18432xi32, #tpu.memory_space<vmem>>, vector<16xi32>,
        %parallel_loop3A_667 = vector.bitcast %parallel_loop3A_666 : vector<16xi32> to vector<32xi16>
        %parallel_loop3A_668 = tpu.unpack_subelements %parallel_loop3A_667, 0 {pack_format = #tpu.pack_format<interleaved>} : vector<32xi16> -> vector<16xi32>
        %parallel_loop3A_669 = tpu.unpack_subelements %parallel_loop3A_667, 1 {pack_format = #tpu.pack_format<interleaved>} : vector<32xi16> -> vector<16xi32>
        %parallel_loop3A_670 = arith.constant 0 : i32
        %parallel_loop3A_671 = tpu.memref_slice %arg9[%parallel_loop3A_264, %parallel_loop3A_670] : memref<1x16512xf32, #tpu.memory_space<vmem>> -> memref<1x16512xf32, #tpu.memory_space<vmem>>
        %parallel_loop3A_672 = tpu.memref_squeeze %parallel_loop3A_671 : memref<1x16512xf32, #tpu.memory_space<vmem>> -> memref<16512xf32, #tpu.memory_space<vmem>>
        %parallel_loop3A_673 = tpu.vector_load_idx %parallel_loop3A_672[%parallel_loop3A_668] : memref<16512xf32, #tpu.memory_space<vmem>>[vector<16xi32>], vector<16xf32>,
        %parallel_loop3A_674 = arith.constant 0 : i32
        %parallel_loop3A_675 = tpu.memref_slice %arg9[%parallel_loop3A_264, %parallel_loop3A_674] : memref<1x16512xf32, #tpu.memory_space<vmem>> -> memref<1x16512xf32, #tpu.memory_space<vmem>>
        %parallel_loop3A_676 = tpu.memref_squeeze %parallel_loop3A_675 : memref<1x16512xf32, #tpu.memory_space<vmem>> -> memref<16512xf32, #tpu.memory_space<vmem>>
        %parallel_loop3A_677 = tpu.vector_load_idx %parallel_loop3A_676[%parallel_loop3A_669] : memref<16512xf32, #tpu.memory_space<vmem>>[vector<16xi32>], vector<16xf32>,
        %parallel_loop3A_678 = arith.constant 0 : i32
        %parallel_loop3A_679 = tpu.memref_slice %arg10[%parallel_loop3A_265, %parallel_loop3A_678] : memref<1x16512xf32, #tpu.memory_space<vmem>> -> memref<1x16512xf32, #tpu.memory_space<vmem>>
        %parallel_loop3A_680 = tpu.memref_squeeze %parallel_loop3A_679 : memref<1x16512xf32, #tpu.memory_space<vmem>> -> memref<16512xf32, #tpu.memory_space<vmem>>
        %parallel_loop3A_681 = tpu.vector_load_idx %parallel_loop3A_680[%parallel_loop3A_668] : memref<16512xf32, #tpu.memory_space<vmem>>[vector<16xi32>], vector<16xf32>,
        %parallel_loop3A_682 = arith.constant 0 : i32
        %parallel_loop3A_683 = tpu.memref_slice %arg10[%parallel_loop3A_265, %parallel_loop3A_682] : memref<1x16512xf32, #tpu.memory_space<vmem>> -> memref<1x16512xf32, #tpu.memory_space<vmem>>
        %parallel_loop3A_684 = tpu.memref_squeeze %parallel_loop3A_683 : memref<1x16512xf32, #tpu.memory_space<vmem>> -> memref<16512xf32, #tpu.memory_space<vmem>>
        %parallel_loop3A_685 = tpu.vector_load_idx %parallel_loop3A_684[%parallel_loop3A_669] : memref<16512xf32, #tpu.memory_space<vmem>>[vector<16xi32>], vector<16xf32>,
        %parallel_loop3A_686 = arith.addf %parallel_loop3A_635, %parallel_loop3A_673 : vector<16xf32>
        %parallel_loop3A_687 = arith.addf %parallel_loop3A_636, %parallel_loop3A_677 : vector<16xf32>
        %parallel_loop3A_688 = arith.addf %parallel_loop3A_637, %parallel_loop3A_681 : vector<16xf32>
        %parallel_loop3A_689 = arith.addf %parallel_loop3A_638, %parallel_loop3A_685 : vector<16xf32>
        %parallel_loop3A_690 = arith.constant 2 : i32
        %parallel_loop3A_691 = arith.divsi %parallel_loop3A_334, %parallel_loop3A_690 : i32
        %parallel_loop3A_692 = arith.constant 0 : i32
        %parallel_loop3A_693 = arith.cmpi sgt, %parallel_loop3A_334, %parallel_loop3A_692 : i32
        %parallel_loop3A_694 = arith.extui %parallel_loop3A_693 : i1 to i32
        %parallel_loop3A_695 = arith.constant 0 : i32
        %parallel_loop3A_696 = arith.cmpi slt, %parallel_loop3A_334, %parallel_loop3A_695 : i32
        %parallel_loop3A_697 = arith.extui %parallel_loop3A_696 : i1 to i32
        %parallel_loop3A_698 = arith.subi %parallel_loop3A_694, %parallel_loop3A_697 : i32
        %parallel_loop3A_699 = arith.constant 0 : i32
        %parallel_loop3A_700 = arith.cmpi sgt, %parallel_loop3A_690, %parallel_loop3A_699 : i32
        %parallel_loop3A_701 = arith.extui %parallel_loop3A_700 : i1 to i32
        %parallel_loop3A_702 = arith.constant 0 : i32
        %parallel_loop3A_703 = arith.cmpi slt, %parallel_loop3A_690, %parallel_loop3A_702 : i32
        %parallel_loop3A_704 = arith.extui %parallel_loop3A_703 : i1 to i32
        %parallel_loop3A_705 = arith.subi %parallel_loop3A_701, %parallel_loop3A_704 : i32
        %parallel_loop3A_706 = arith.cmpi ne, %parallel_loop3A_698, %parallel_loop3A_705 : i32
        %parallel_loop3A_707 = arith.remsi %parallel_loop3A_334, %parallel_loop3A_690 : i32
        %parallel_loop3A_708 = arith.constant 0 : i32
        %parallel_loop3A_709 = arith.cmpi ne, %parallel_loop3A_707, %parallel_loop3A_708 : i32
        %parallel_loop3A_710 = arith.andi %parallel_loop3A_706, %parallel_loop3A_709 : i1
        %parallel_loop3A_711 = arith.constant 1 : i32
        %parallel_loop3A_712 = arith.subi %parallel_loop3A_691, %parallel_loop3A_711 : i32
        %parallel_loop3A_713 = arith.select %parallel_loop3A_710, %parallel_loop3A_712, %parallel_loop3A_691 : i32
        %parallel_loop3A_714 = arith.constant 14336 : i32
        %parallel_loop3A_715 = arith.addi %parallel_loop3A_714, %parallel_loop3A_713 : i32
        %parallel_loop3A_716 = arith.index_cast %parallel_loop3A_715 : i32 to index
        %parallel_loop3A_717 = tpu.vector_load %arg6[%parallel_loop3A_716] {strides = array<i32>} : memref<18432xi32, #tpu.memory_space<vmem>>, vector<16xi32>,
        %parallel_loop3A_718 = vector.bitcast %parallel_loop3A_717 : vector<16xi32> to vector<32xi16>
        %parallel_loop3A_719 = tpu.unpack_subelements %parallel_loop3A_718, 0 {pack_format = #tpu.pack_format<interleaved>} : vector<32xi16> -> vector<16xi32>
        %parallel_loop3A_720 = tpu.unpack_subelements %parallel_loop3A_718, 1 {pack_format = #tpu.pack_format<interleaved>} : vector<32xi16> -> vector<16xi32>
        %parallel_loop3A_721 = arith.constant 0 : i32
        %parallel_loop3A_722 = tpu.memref_slice %arg9[%parallel_loop3A_264, %parallel_loop3A_721] : memref<1x16512xf32, #tpu.memory_space<vmem>> -> memref<1x16512xf32, #tpu.memory_space<vmem>>
        %parallel_loop3A_723 = tpu.memref_squeeze %parallel_loop3A_722 : memref<1x16512xf32, #tpu.memory_space<vmem>> -> memref<16512xf32, #tpu.memory_space<vmem>>
        %parallel_loop3A_724 = tpu.vector_load_idx %parallel_loop3A_723[%parallel_loop3A_719] : memref<16512xf32, #tpu.memory_space<vmem>>[vector<16xi32>], vector<16xf32>,
        %parallel_loop3A_725 = arith.constant 0 : i32
        %parallel_loop3A_726 = tpu.memref_slice %arg9[%parallel_loop3A_264, %parallel_loop3A_725] : memref<1x16512xf32, #tpu.memory_space<vmem>> -> memref<1x16512xf32, #tpu.memory_space<vmem>>
        %parallel_loop3A_727 = tpu.memref_squeeze %parallel_loop3A_726 : memref<1x16512xf32, #tpu.memory_space<vmem>> -> memref<16512xf32, #tpu.memory_space<vmem>>
        %parallel_loop3A_728 = tpu.vector_load_idx %parallel_loop3A_727[%parallel_loop3A_720] : memref<16512xf32, #tpu.memory_space<vmem>>[vector<16xi32>], vector<16xf32>,
        %parallel_loop3A_729 = arith.constant 0 : i32
        %parallel_loop3A_730 = tpu.memref_slice %arg10[%parallel_loop3A_265, %parallel_loop3A_729] : memref<1x16512xf32, #tpu.memory_space<vmem>> -> memref<1x16512xf32, #tpu.memory_space<vmem>>
        %parallel_loop3A_731 = tpu.memref_squeeze %parallel_loop3A_730 : memref<1x16512xf32, #tpu.memory_space<vmem>> -> memref<16512xf32, #tpu.memory_space<vmem>>
        %parallel_loop3A_732 = tpu.vector_load_idx %parallel_loop3A_731[%parallel_loop3A_719] : memref<16512xf32, #tpu.memory_space<vmem>>[vector<16xi32>], vector<16xf32>,
        %parallel_loop3A_733 = arith.constant 0 : i32
        %parallel_loop3A_734 = tpu.memref_slice %arg10[%parallel_loop3A_265, %parallel_loop3A_733] : memref<1x16512xf32, #tpu.memory_space<vmem>> -> memref<1x16512xf32, #tpu.memory_space<vmem>>
        %parallel_loop3A_735 = tpu.memref_squeeze %parallel_loop3A_734 : memref<1x16512xf32, #tpu.memory_space<vmem>> -> memref<16512xf32, #tpu.memory_space<vmem>>
        %parallel_loop3A_736 = tpu.vector_load_idx %parallel_loop3A_735[%parallel_loop3A_720] : memref<16512xf32, #tpu.memory_space<vmem>>[vector<16xi32>], vector<16xf32>,
        %parallel_loop3A_737 = arith.addf %parallel_loop3A_686, %parallel_loop3A_724 : vector<16xf32>
        %parallel_loop3A_738 = arith.addf %parallel_loop3A_687, %parallel_loop3A_728 : vector<16xf32>
        %parallel_loop3A_739 = arith.addf %parallel_loop3A_688, %parallel_loop3A_732 : vector<16xf32>
        %parallel_loop3A_740 = arith.addf %parallel_loop3A_689, %parallel_loop3A_736 : vector<16xf32>
        %parallel_loop3A_741 = arith.constant 2 : i32
        %parallel_loop3A_742 = arith.divsi %parallel_loop3A_334, %parallel_loop3A_741 : i32
        %parallel_loop3A_743 = arith.constant 0 : i32
        %parallel_loop3A_744 = arith.cmpi sgt, %parallel_loop3A_334, %parallel_loop3A_743 : i32
        %parallel_loop3A_745 = arith.extui %parallel_loop3A_744 : i1 to i32
        %parallel_loop3A_746 = arith.constant 0 : i32
        %parallel_loop3A_747 = arith.cmpi slt, %parallel_loop3A_334, %parallel_loop3A_746 : i32
        %parallel_loop3A_748 = arith.extui %parallel_loop3A_747 : i1 to i32
        %parallel_loop3A_749 = arith.subi %parallel_loop3A_745, %parallel_loop3A_748 : i32
        %parallel_loop3A_750 = arith.constant 0 : i32
        %parallel_loop3A_751 = arith.cmpi sgt, %parallel_loop3A_741, %parallel_loop3A_750 : i32
        %parallel_loop3A_752 = arith.extui %parallel_loop3A_751 : i1 to i32
        %parallel_loop3A_753 = arith.constant 0 : i32
        %parallel_loop3A_754 = arith.cmpi slt, %parallel_loop3A_741, %parallel_loop3A_753 : i32
        %parallel_loop3A_755 = arith.extui %parallel_loop3A_754 : i1 to i32
        %parallel_loop3A_756 = arith.subi %parallel_loop3A_752, %parallel_loop3A_755 : i32
        %parallel_loop3A_757 = arith.cmpi ne, %parallel_loop3A_749, %parallel_loop3A_756 : i32
        %parallel_loop3A_758 = arith.remsi %parallel_loop3A_334, %parallel_loop3A_741 : i32
        %parallel_loop3A_759 = arith.constant 0 : i32
        %parallel_loop3A_760 = arith.cmpi ne, %parallel_loop3A_758, %parallel_loop3A_759 : i32
        %parallel_loop3A_761 = arith.andi %parallel_loop3A_757, %parallel_loop3A_760 : i1
        %parallel_loop3A_762 = arith.constant 1 : i32
        %parallel_loop3A_763 = arith.subi %parallel_loop3A_742, %parallel_loop3A_762 : i32
        %parallel_loop3A_764 = arith.select %parallel_loop3A_761, %parallel_loop3A_763, %parallel_loop3A_742 : i32
        %parallel_loop3A_765 = arith.constant 16384 : i32
        %parallel_loop3A_766 = arith.addi %parallel_loop3A_765, %parallel_loop3A_764 : i32
        %parallel_loop3A_767 = arith.index_cast %parallel_loop3A_766 : i32 to index
        %parallel_loop3A_768 = tpu.vector_load %arg6[%parallel_loop3A_767] {strides = array<i32>} : memref<18432xi32, #tpu.memory_space<vmem>>, vector<16xi32>,
        %parallel_loop3A_769 = vector.bitcast %parallel_loop3A_768 : vector<16xi32> to vector<32xi16>
        %parallel_loop3A_770 = tpu.unpack_subelements %parallel_loop3A_769, 0 {pack_format = #tpu.pack_format<interleaved>} : vector<32xi16> -> vector<16xi32>
        %parallel_loop3A_771 = tpu.unpack_subelements %parallel_loop3A_769, 1 {pack_format = #tpu.pack_format<interleaved>} : vector<32xi16> -> vector<16xi32>
        %parallel_loop3A_772 = arith.constant 0 : i32
        %parallel_loop3A_773 = tpu.memref_slice %arg9[%parallel_loop3A_264, %parallel_loop3A_772] : memref<1x16512xf32, #tpu.memory_space<vmem>> -> memref<1x16512xf32, #tpu.memory_space<vmem>>
        %parallel_loop3A_774 = tpu.memref_squeeze %parallel_loop3A_773 : memref<1x16512xf32, #tpu.memory_space<vmem>> -> memref<16512xf32, #tpu.memory_space<vmem>>
        %parallel_loop3A_775 = tpu.vector_load_idx %parallel_loop3A_774[%parallel_loop3A_770] : memref<16512xf32, #tpu.memory_space<vmem>>[vector<16xi32>], vector<16xf32>,
        %parallel_loop3A_776 = arith.constant 0 : i32
        %parallel_loop3A_777 = tpu.memref_slice %arg9[%parallel_loop3A_264, %parallel_loop3A_776] : memref<1x16512xf32, #tpu.memory_space<vmem>> -> memref<1x16512xf32, #tpu.memory_space<vmem>>
        %parallel_loop3A_778 = tpu.memref_squeeze %parallel_loop3A_777 : memref<1x16512xf32, #tpu.memory_space<vmem>> -> memref<16512xf32, #tpu.memory_space<vmem>>
        %parallel_loop3A_779 = tpu.vector_load_idx %parallel_loop3A_778[%parallel_loop3A_771] : memref<16512xf32, #tpu.memory_space<vmem>>[vector<16xi32>], vector<16xf32>,
        %parallel_loop3A_780 = arith.constant 0 : i32
        %parallel_loop3A_781 = tpu.memref_slice %arg10[%parallel_loop3A_265, %parallel_loop3A_780] : memref<1x16512xf32, #tpu.memory_space<vmem>> -> memref<1x16512xf32, #tpu.memory_space<vmem>>
        %parallel_loop3A_782 = tpu.memref_squeeze %parallel_loop3A_781 : memref<1x16512xf32, #tpu.memory_space<vmem>> -> memref<16512xf32, #tpu.memory_space<vmem>>
        %parallel_loop3A_783 = tpu.vector_load_idx %parallel_loop3A_782[%parallel_loop3A_770] : memref<16512xf32, #tpu.memory_space<vmem>>[vector<16xi32>], vector<16xf32>,
        %parallel_loop3A_784 = arith.constant 0 : i32
        %parallel_loop3A_785 = tpu.memref_slice %arg10[%parallel_loop3A_265, %parallel_loop3A_784] : memref<1x16512xf32, #tpu.memory_space<vmem>> -> memref<1x16512xf32, #tpu.memory_space<vmem>>
        %parallel_loop3A_786 = tpu.memref_squeeze %parallel_loop3A_785 : memref<1x16512xf32, #tpu.memory_space<vmem>> -> memref<16512xf32, #tpu.memory_space<vmem>>
        %parallel_loop3A_787 = tpu.vector_load_idx %parallel_loop3A_786[%parallel_loop3A_771] : memref<16512xf32, #tpu.memory_space<vmem>>[vector<16xi32>], vector<16xf32>,
        %parallel_loop3A_788 = arith.addf %parallel_loop3A_737, %parallel_loop3A_775 : vector<16xf32>
        %parallel_loop3A_789 = arith.addf %parallel_loop3A_738, %parallel_loop3A_779 : vector<16xf32>
        %parallel_loop3A_790 = arith.addf %parallel_loop3A_739, %parallel_loop3A_783 : vector<16xf32>
        %parallel_loop3A_791 = arith.addf %parallel_loop3A_740, %parallel_loop3A_787 : vector<16xf32>
        %parallel_loop3A_792 = arith.constant 0.111111112 : f32
        %parallel_loop3A_793 = vector.broadcast %parallel_loop3A_792 : f32 to vector<16xf32>
        %parallel_loop3A_794 = arith.mulf %parallel_loop3A_788, %parallel_loop3A_793 : vector<16xf32>
        %parallel_loop3A_795 = arith.constant 0 : i32
        %parallel_loop3A_796 = arith.index_cast %parallel_loop3A_795 : i32 to index
        %parallel_loop3A_797 = arith.index_cast %parallel_loop3A_334 : i32 to index
        %parallel_loop3A_798 = tpu.vector_load %arg13[%parallel_loop3A_796, %parallel_loop3A_797] {strides = array<i32>} : memref<1x4096xf32, #tpu.memory_space<vmem>>, vector<16xf32>,
        tpu.vector_store %arg13[%parallel_loop3A_796, %parallel_loop3A_797], %parallel_loop3A_794 {strides = array<i32>} : memref<1x4096xf32, #tpu.memory_space<vmem>>, vector<16xf32>,
        %parallel_loop3A_799 = arith.constant 0.111111112 : f32
        %parallel_loop3A_800 = vector.broadcast %parallel_loop3A_799 : f32 to vector<16xf32>
        %parallel_loop3A_801 = arith.mulf %parallel_loop3A_789, %parallel_loop3A_800 : vector<16xf32>
        %parallel_loop3A_802 = arith.constant 0 : i32
        %parallel_loop3A_803 = arith.index_cast %parallel_loop3A_802 : i32 to index
        %parallel_loop3A_804 = arith.index_cast %parallel_loop3A_336 : i32 to index
        %parallel_loop3A_805 = tpu.vector_load %arg13[%parallel_loop3A_803, %parallel_loop3A_804] {strides = array<i32>} : memref<1x4096xf32, #tpu.memory_space<vmem>>, vector<16xf32>,
        tpu.vector_store %arg13[%parallel_loop3A_803, %parallel_loop3A_804], %parallel_loop3A_801 {strides = array<i32>} : memref<1x4096xf32, #tpu.memory_space<vmem>>, vector<16xf32>,
        %parallel_loop3A_806 = arith.constant 0.111111112 : f32
        %parallel_loop3A_807 = vector.broadcast %parallel_loop3A_806 : f32 to vector<16xf32>
        %parallel_loop3A_808 = arith.mulf %parallel_loop3A_790, %parallel_loop3A_807 : vector<16xf32>
        %parallel_loop3A_809 = arith.constant 0 : i32
        %parallel_loop3A_810 = arith.index_cast %parallel_loop3A_809 : i32 to index
        %parallel_loop3A_811 = arith.index_cast %parallel_loop3A_334 : i32 to index
        %parallel_loop3A_812 = tpu.vector_load %arg14[%parallel_loop3A_810, %parallel_loop3A_811] {strides = array<i32>} : memref<1x4096xf32, #tpu.memory_space<vmem>>, vector<16xf32>,
        tpu.vector_store %arg14[%parallel_loop3A_810, %parallel_loop3A_811], %parallel_loop3A_808 {strides = array<i32>} : memref<1x4096xf32, #tpu.memory_space<vmem>>, vector<16xf32>,
        %parallel_loop3A_813 = arith.constant 0.111111112 : f32
        %parallel_loop3A_814 = vector.broadcast %parallel_loop3A_813 : f32 to vector<16xf32>
        %parallel_loop3A_815 = arith.mulf %parallel_loop3A_791, %parallel_loop3A_814 : vector<16xf32>
        %parallel_loop3A_816 = arith.constant 0 : i32
        %parallel_loop3A_817 = arith.index_cast %parallel_loop3A_816 : i32 to index
        %parallel_loop3A_818 = arith.index_cast %parallel_loop3A_336 : i32 to index
        %parallel_loop3A_819 = tpu.vector_load %arg14[%parallel_loop3A_817, %parallel_loop3A_818] {strides = array<i32>} : memref<1x4096xf32, #tpu.memory_space<vmem>>, vector<16xf32>,
        tpu.vector_store %arg14[%parallel_loop3A_817, %parallel_loop3A_818], %parallel_loop3A_815 {strides = array<i32>} : memref<1x4096xf32, #tpu.memory_space<vmem>>, vector<16xf32>,
      } {sc.loop_unroll_factor = 1 : i64, sc.parallel_access}
      %dma_start3A_266 = arith.constant 0 : i32
      %dma_start3A_267 = tpu.memref_slice %arg5[%add3A_236, %dma_start3A_266] : memref<1536x4096xf32, #tpu.memory_space<hbm>> -> memref<1x4096xf32, #tpu.memory_space<hbm>>
      %dma_start3A_268 = arith.constant 0 : i32
      %dma_start3A_269 = tpu.memref_slice %arg5[%add3A_236, %dma_start3A_268] : memref<1536x4096xf32, #tpu.memory_space<hbm>> -> memref<1x4096xf32, #tpu.memory_space<hbm>>
      tpu.enqueue_dma source(%arg13 : memref<1x4096xf32, #tpu.memory_space<vmem>>) target(%dma_start3A_269 : memref<1x4096xf32, #tpu.memory_space<hbm>>) target_semaphore(%arg18 : memref<!tpu.dma_semaphore, #tpu.memory_space<semaphore_mem>>)
      %add3A_270 = arith.constant 1 : i32
      %add3A_271 = arith.addi %add3A_236, %add3A_270 : i32
      %dma_start3A_272 = arith.constant 0 : i32
      %dma_start3A_273 = tpu.memref_slice %arg5[%add3A_271, %dma_start3A_272] : memref<1536x4096xf32, #tpu.memory_space<hbm>> -> memref<1x4096xf32, #tpu.memory_space<hbm>>
      %dma_start3A_274 = arith.constant 0 : i32
      %dma_start3A_275 = tpu.memref_slice %arg5[%add3A_271, %dma_start3A_274] : memref<1536x4096xf32, #tpu.memory_space<hbm>> -> memref<1x4096xf32, #tpu.memory_space<hbm>>
      tpu.enqueue_dma source(%arg14 : memref<1x4096xf32, #tpu.memory_space<vmem>>) target(%dma_start3A_275 : memref<1x4096xf32, #tpu.memory_space<hbm>>) target_semaphore(%arg18 : memref<!tpu.dma_semaphore, #tpu.memory_space<semaphore_mem>>)
      %lt3A = arith.constant 22 : i32
      %lt3A_276 = arith.cmpi slt, %add3A_231, %lt3A : i32
      %convert_element_type3A_277 = arith.extui %lt3A_276 : i1 to i32
      %cond3A_278 = arith.constant 0 : i32
      %cond3A_279 = arith.cmpi ne, %convert_element_type3A_277, %cond3A_278 : i32
      scf.if %cond3A_279 {
        %add3A_332 = arith.constant 4 : i32
        %add3A_333 = arith.addi %add3A_236, %add3A_332 : i32
        %dma_start3A_334 = arith.constant 0 : i32
        %dma_start3A_335 = arith.constant 0 : i32
        %dma_start3A_336 = tpu.memref_slice %arg9[%dma_start3A_334, %dma_start3A_335] : memref<1x16512xf32, #tpu.memory_space<vmem>> -> memref<1x16384xf32, #tpu.memory_space<vmem>>
        %dma_start3A_337 = arith.constant 0 : i32
        %dma_start3A_338 = tpu.memref_slice %arg2[%add3A_333, %dma_start3A_337] : memref<1536x16384xf32, #tpu.memory_space<hbm>> -> memref<1x16384xf32, #tpu.memory_space<hbm>>
        %dma_start3A_339 = arith.constant 0 : i32
        %dma_start3A_340 = arith.constant 0 : i32
        %dma_start3A_341 = tpu.memref_slice %arg9[%dma_start3A_339, %dma_start3A_340] : memref<1x16512xf32, #tpu.memory_space<vmem>> -> memref<1x16384xf32, #tpu.memory_space<vmem>>
        %dma_start3A_342 = arith.constant 0 : i32
        %dma_start3A_343 = tpu.memref_slice %arg2[%add3A_333, %dma_start3A_342] : memref<1536x16384xf32, #tpu.memory_space<hbm>> -> memref<1x16384xf32, #tpu.memory_space<hbm>>
        tpu.enqueue_dma source(%dma_start3A_343 : memref<1x16384xf32, #tpu.memory_space<hbm>>) target(%dma_start3A_341 : memref<1x16384xf32, #tpu.memory_space<vmem>>) target_semaphore(%arg16 : memref<!tpu.dma_semaphore, #tpu.memory_space<semaphore_mem>>)
        %add3A_344 = arith.constant 1 : i32
        %add3A_345 = arith.addi %add3A_333, %add3A_344 : i32
        %dma_start3A_346 = arith.constant 0 : i32
        %dma_start3A_347 = arith.constant 0 : i32
        %dma_start3A_348 = tpu.memref_slice %arg10[%dma_start3A_346, %dma_start3A_347] : memref<1x16512xf32, #tpu.memory_space<vmem>> -> memref<1x16384xf32, #tpu.memory_space<vmem>>
        %dma_start3A_349 = arith.constant 0 : i32
        %dma_start3A_350 = tpu.memref_slice %arg2[%add3A_345, %dma_start3A_349] : memref<1536x16384xf32, #tpu.memory_space<hbm>> -> memref<1x16384xf32, #tpu.memory_space<hbm>>
        %dma_start3A_351 = arith.constant 0 : i32
        %dma_start3A_352 = arith.constant 0 : i32
        %dma_start3A_353 = tpu.memref_slice %arg10[%dma_start3A_351, %dma_start3A_352] : memref<1x16512xf32, #tpu.memory_space<vmem>> -> memref<1x16384xf32, #tpu.memory_space<vmem>>
        %dma_start3A_354 = arith.constant 0 : i32
        %dma_start3A_355 = tpu.memref_slice %arg2[%add3A_345, %dma_start3A_354] : memref<1536x16384xf32, #tpu.memory_space<hbm>> -> memref<1x16384xf32, #tpu.memory_space<hbm>>
        tpu.enqueue_dma source(%dma_start3A_355 : memref<1x16384xf32, #tpu.memory_space<hbm>>) target(%dma_start3A_353 : memref<1x16384xf32, #tpu.memory_space<vmem>>) target_semaphore(%arg16 : memref<!tpu.dma_semaphore, #tpu.memory_space<semaphore_mem>>)
      } else {
      }
      %add3A_280 = arith.constant 1 : i32
      %add3A_281 = arith.addi %add3A_231, %add3A_280 : i32
      %mul3A_282 = arith.constant 2 : i32
      %mul3A_283 = arith.muli %mul3A_282, %add3A_281 : i32
      %add3A_284 = arith.addi %mul3A_2, %mul3A_283 : i32
      %dma_wait3A_285 = arith.constant 0 : i32
      %dma_wait3A_286 = arith.constant 0 : i32
      %dma_wait3A_287 = tpu.memref_slice %arg7[%dma_wait3A_285, %dma_wait3A_286] : memref<1x16512xf32, #tpu.memory_space<vmem>> -> memref<1x16384xf32, #tpu.memory_space<vmem>>
      %dma_wait3A_288 = arith.constant 0 : i32
      %dma_wait3A_289 = tpu.memref_slice %arg2[%add3A_284, %dma_wait3A_288] : memref<1536x16384xf32, #tpu.memory_space<hbm>> -> memref<1x16384xf32, #tpu.memory_space<hbm>>
      %dma_wait3A_290 = arith.constant 0 : i32
      %dma_wait3A_291 = arith.constant 0 : i32
      %dma_wait3A_292 = tpu.memref_slice %arg7[%dma_wait3A_290, %dma_wait3A_291] : memref<1x16512xf32, #tpu.memory_space<vmem>> -> memref<1x16384xf32, #tpu.memory_space<vmem>>
      %dma_wait3A_293 = arith.constant 0 : i32
      %dma_wait3A_294 = tpu.memref_slice %arg2[%add3A_284, %dma_wait3A_293] : memref<1536x16384xf32, #tpu.memory_space<hbm>> -> memref<1x16384xf32, #tpu.memory_space<hbm>>
      tpu.wait_dma2 semaphore(%arg15 : memref<!tpu.dma_semaphore, #tpu.memory_space<semaphore_mem>>) src(%dma_wait3A_294 : memref<1x16384xf32, #tpu.memory_space<hbm>>) dst(%dma_wait3A_292 : memref<1x16384xf32, #tpu.memory_space<vmem>>)
      %add3A_295 = arith.constant 1 : i32
      %add3A_296 = arith.addi %add3A_284, %add3A_295 : i32
      %dma_wait3A_297 = arith.constant 0 : i32
      %dma_wait3A_298 = arith.constant 0 : i32
      %dma_wait3A_299 = tpu.memref_slice %arg8[%dma_wait3A_297, %dma_wait3A_298] : memref<1x16512xf32, #tpu.memory_space<vmem>> -> memref<1x16384xf32, #tpu.memory_space<vmem>>
      %dma_wait3A_300 = arith.constant 0 : i32
      %dma_wait3A_301 = tpu.memref_slice %arg2[%add3A_296, %dma_wait3A_300] : memref<1536x16384xf32, #tpu.memory_space<hbm>> -> memref<1x16384xf32, #tpu.memory_space<hbm>>
      %dma_wait3A_302 = arith.constant 0 : i32
      %dma_wait3A_303 = arith.constant 0 : i32
      %dma_wait3A_304 = tpu.memref_slice %arg8[%dma_wait3A_302, %dma_wait3A_303] : memref<1x16512xf32, #tpu.memory_space<vmem>> -> memref<1x16384xf32, #tpu.memory_space<vmem>>
      %dma_wait3A_305 = arith.constant 0 : i32
      %dma_wait3A_306 = tpu.memref_slice %arg2[%add3A_296, %dma_wait3A_305] : memref<1536x16384xf32, #tpu.memory_space<hbm>> -> memref<1x16384xf32, #tpu.memory_space<hbm>>
      tpu.wait_dma2 semaphore(%arg15 : memref<!tpu.dma_semaphore, #tpu.memory_space<semaphore_mem>>) src(%dma_wait3A_306 : memref<1x16384xf32, #tpu.memory_space<hbm>>) dst(%dma_wait3A_304 : memref<1x16384xf32, #tpu.memory_space<vmem>>)
      %ge3A_307 = arith.constant 2 : i32
      %ge3A_308 = arith.cmpi sge, %add3A_231, %ge3A_307 : i32
      %convert_element_type3A_309 = arith.extui %ge3A_308 : i1 to i32
      %cond3A_310 = arith.constant 0 : i32
      %cond3A_311 = arith.cmpi ne, %convert_element_type3A_309, %cond3A_310 : i32
      scf.if %cond3A_311 {
        %dma_wait3A_332 = arith.constant 0 : i32
        %dma_wait3A_333 = tpu.memref_slice %arg5[%add3A_284, %dma_wait3A_332] : memref<1536x4096xf32, #tpu.memory_space<hbm>> -> memref<1x4096xf32, #tpu.memory_space<hbm>>
        %dma_wait3A_334 = arith.constant 0 : i32
        %dma_wait3A_335 = tpu.memref_slice %arg5[%add3A_284, %dma_wait3A_334] : memref<1536x4096xf32, #tpu.memory_space<hbm>> -> memref<1x4096xf32, #tpu.memory_space<hbm>>
        tpu.wait_dma2 semaphore(%arg17 : memref<!tpu.dma_semaphore, #tpu.memory_space<semaphore_mem>>) src(%arg11 : memref<1x4096xf32, #tpu.memory_space<vmem>>) dst(%dma_wait3A_335 : memref<1x4096xf32, #tpu.memory_space<hbm>>)
        %dma_wait3A_336 = arith.constant 0 : i32
        %dma_wait3A_337 = tpu.memref_slice %arg5[%add3A_284, %dma_wait3A_336] : memref<1536x4096xf32, #tpu.memory_space<hbm>> -> memref<1x4096xf32, #tpu.memory_space<hbm>>
        %dma_wait3A_338 = arith.constant 0 : i32
        %dma_wait3A_339 = tpu.memref_slice %arg5[%add3A_284, %dma_wait3A_338] : memref<1536x4096xf32, #tpu.memory_space<hbm>> -> memref<1x4096xf32, #tpu.memory_space<hbm>>
        tpu.wait_dma2 semaphore(%arg17 : memref<!tpu.dma_semaphore, #tpu.memory_space<semaphore_mem>>) src(%arg12 : memref<1x4096xf32, #tpu.memory_space<vmem>>) dst(%dma_wait3A_339 : memref<1x4096xf32, #tpu.memory_space<hbm>>)
      } else {
      }
      %parallel_loop3A_312 = arith.constant 0 : i32
      %parallel_loop3A_313 = arith.constant 256 : i32
      %parallel_loop3A_314 = arith.constant 2 : i32
      %parallel_loop3A_315 = arith.constant 0 : i32
      %parallel_loop3A_316 = arith.constant 0 : i32
      scf.for %parallel_loop3A_332 = %parallel_loop3A_312 to %parallel_loop3A_313 step %parallel_loop3A_314  : i32 {
        %parallel_loop3A_333 = arith.constant 16 : i32
        %parallel_loop3A_334 = arith.muli %parallel_loop3A_332, %parallel_loop3A_333 : i32
        %parallel_loop3A_335 = arith.constant 16 : i32
        %parallel_loop3A_336 = arith.addi %parallel_loop3A_334, %parallel_loop3A_335 : i32
        %parallel_loop3A_337 = arith.constant 2 : i32
        %parallel_loop3A_338 = arith.divsi %parallel_loop3A_334, %parallel_loop3A_337 : i32
        %parallel_loop3A_339 = arith.constant 0 : i32
        %parallel_loop3A_340 = arith.cmpi sgt, %parallel_loop3A_334, %parallel_loop3A_339 : i32
        %parallel_loop3A_341 = arith.extui %parallel_loop3A_340 : i1 to i32
        %parallel_loop3A_342 = arith.constant 0 : i32
        %parallel_loop3A_343 = arith.cmpi slt, %parallel_loop3A_334, %parallel_loop3A_342 : i32
        %parallel_loop3A_344 = arith.extui %parallel_loop3A_343 : i1 to i32
        %parallel_loop3A_345 = arith.subi %parallel_loop3A_341, %parallel_loop3A_344 : i32
        %parallel_loop3A_346 = arith.constant 0 : i32
        %parallel_loop3A_347 = arith.cmpi sgt, %parallel_loop3A_337, %parallel_loop3A_346 : i32
        %parallel_loop3A_348 = arith.extui %parallel_loop3A_347 : i1 to i32
        %parallel_loop3A_349 = arith.constant 0 : i32
        %parallel_loop3A_350 = arith.cmpi slt, %parallel_loop3A_337, %parallel_loop3A_349 : i32
        %parallel_loop3A_351 = arith.extui %parallel_loop3A_350 : i1 to i32
        %parallel_loop3A_352 = arith.subi %parallel_loop3A_348, %parallel_loop3A_351 : i32
        %parallel_loop3A_353 = arith.cmpi ne, %parallel_loop3A_345, %parallel_loop3A_352 : i32
        %parallel_loop3A_354 = arith.remsi %parallel_loop3A_334, %parallel_loop3A_337 : i32
        %parallel_loop3A_355 = arith.constant 0 : i32
        %parallel_loop3A_356 = arith.cmpi ne, %parallel_loop3A_354, %parallel_loop3A_355 : i32
        %parallel_loop3A_357 = arith.andi %parallel_loop3A_353, %parallel_loop3A_356 : i1
        %parallel_loop3A_358 = arith.constant 1 : i32
        %parallel_loop3A_359 = arith.subi %parallel_loop3A_338, %parallel_loop3A_358 : i32
        %parallel_loop3A_360 = arith.select %parallel_loop3A_357, %parallel_loop3A_359, %parallel_loop3A_338 : i32
        %parallel_loop3A_361 = arith.constant 0 : i32
        %parallel_loop3A_362 = arith.addi %parallel_loop3A_361, %parallel_loop3A_360 : i32
        %parallel_loop3A_363 = arith.index_cast %parallel_loop3A_362 : i32 to index
        %parallel_loop3A_364 = tpu.vector_load %arg6[%parallel_loop3A_363] {strides = array<i32>} : memref<18432xi32, #tpu.memory_space<vmem>>, vector<16xi32>,
        %parallel_loop3A_365 = vector.bitcast %parallel_loop3A_364 : vector<16xi32> to vector<32xi16>
        %parallel_loop3A_366 = tpu.unpack_subelements %parallel_loop3A_365, 0 {pack_format = #tpu.pack_format<interleaved>} : vector<32xi16> -> vector<16xi32>
        %parallel_loop3A_367 = tpu.unpack_subelements %parallel_loop3A_365, 1 {pack_format = #tpu.pack_format<interleaved>} : vector<32xi16> -> vector<16xi32>
        %parallel_loop3A_368 = arith.constant 0 : i32
        %parallel_loop3A_369 = tpu.memref_slice %arg7[%parallel_loop3A_315, %parallel_loop3A_368] : memref<1x16512xf32, #tpu.memory_space<vmem>> -> memref<1x16512xf32, #tpu.memory_space<vmem>>
        %parallel_loop3A_370 = tpu.memref_squeeze %parallel_loop3A_369 : memref<1x16512xf32, #tpu.memory_space<vmem>> -> memref<16512xf32, #tpu.memory_space<vmem>>
        %parallel_loop3A_371 = tpu.vector_load_idx %parallel_loop3A_370[%parallel_loop3A_366] : memref<16512xf32, #tpu.memory_space<vmem>>[vector<16xi32>], vector<16xf32>,
        %parallel_loop3A_372 = arith.constant 0 : i32
        %parallel_loop3A_373 = tpu.memref_slice %arg7[%parallel_loop3A_315, %parallel_loop3A_372] : memref<1x16512xf32, #tpu.memory_space<vmem>> -> memref<1x16512xf32, #tpu.memory_space<vmem>>
        %parallel_loop3A_374 = tpu.memref_squeeze %parallel_loop3A_373 : memref<1x16512xf32, #tpu.memory_space<vmem>> -> memref<16512xf32, #tpu.memory_space<vmem>>
        %parallel_loop3A_375 = tpu.vector_load_idx %parallel_loop3A_374[%parallel_loop3A_367] : memref<16512xf32, #tpu.memory_space<vmem>>[vector<16xi32>], vector<16xf32>,
        %parallel_loop3A_376 = arith.constant 0 : i32
        %parallel_loop3A_377 = tpu.memref_slice %arg8[%parallel_loop3A_316, %parallel_loop3A_376] : memref<1x16512xf32, #tpu.memory_space<vmem>> -> memref<1x16512xf32, #tpu.memory_space<vmem>>
        %parallel_loop3A_378 = tpu.memref_squeeze %parallel_loop3A_377 : memref<1x16512xf32, #tpu.memory_space<vmem>> -> memref<16512xf32, #tpu.memory_space<vmem>>
        %parallel_loop3A_379 = tpu.vector_load_idx %parallel_loop3A_378[%parallel_loop3A_366] : memref<16512xf32, #tpu.memory_space<vmem>>[vector<16xi32>], vector<16xf32>,
        %parallel_loop3A_380 = arith.constant 0 : i32
        %parallel_loop3A_381 = tpu.memref_slice %arg8[%parallel_loop3A_316, %parallel_loop3A_380] : memref<1x16512xf32, #tpu.memory_space<vmem>> -> memref<1x16512xf32, #tpu.memory_space<vmem>>
        %parallel_loop3A_382 = tpu.memref_squeeze %parallel_loop3A_381 : memref<1x16512xf32, #tpu.memory_space<vmem>> -> memref<16512xf32, #tpu.memory_space<vmem>>
        %parallel_loop3A_383 = tpu.vector_load_idx %parallel_loop3A_382[%parallel_loop3A_367] : memref<16512xf32, #tpu.memory_space<vmem>>[vector<16xi32>], vector<16xf32>,
        %parallel_loop3A_384 = arith.constant 2 : i32
        %parallel_loop3A_385 = arith.divsi %parallel_loop3A_334, %parallel_loop3A_384 : i32
        %parallel_loop3A_386 = arith.constant 0 : i32
        %parallel_loop3A_387 = arith.cmpi sgt, %parallel_loop3A_334, %parallel_loop3A_386 : i32
        %parallel_loop3A_388 = arith.extui %parallel_loop3A_387 : i1 to i32
        %parallel_loop3A_389 = arith.constant 0 : i32
        %parallel_loop3A_390 = arith.cmpi slt, %parallel_loop3A_334, %parallel_loop3A_389 : i32
        %parallel_loop3A_391 = arith.extui %parallel_loop3A_390 : i1 to i32
        %parallel_loop3A_392 = arith.subi %parallel_loop3A_388, %parallel_loop3A_391 : i32
        %parallel_loop3A_393 = arith.constant 0 : i32
        %parallel_loop3A_394 = arith.cmpi sgt, %parallel_loop3A_384, %parallel_loop3A_393 : i32
        %parallel_loop3A_395 = arith.extui %parallel_loop3A_394 : i1 to i32
        %parallel_loop3A_396 = arith.constant 0 : i32
        %parallel_loop3A_397 = arith.cmpi slt, %parallel_loop3A_384, %parallel_loop3A_396 : i32
        %parallel_loop3A_398 = arith.extui %parallel_loop3A_397 : i1 to i32
        %parallel_loop3A_399 = arith.subi %parallel_loop3A_395, %parallel_loop3A_398 : i32
        %parallel_loop3A_400 = arith.cmpi ne, %parallel_loop3A_392, %parallel_loop3A_399 : i32
        %parallel_loop3A_401 = arith.remsi %parallel_loop3A_334, %parallel_loop3A_384 : i32
        %parallel_loop3A_402 = arith.constant 0 : i32
        %parallel_loop3A_403 = arith.cmpi ne, %parallel_loop3A_401, %parallel_loop3A_402 : i32
        %parallel_loop3A_404 = arith.andi %parallel_loop3A_400, %parallel_loop3A_403 : i1
        %parallel_loop3A_405 = arith.constant 1 : i32
        %parallel_loop3A_406 = arith.subi %parallel_loop3A_385, %parallel_loop3A_405 : i32
        %parallel_loop3A_407 = arith.select %parallel_loop3A_404, %parallel_loop3A_406, %parallel_loop3A_385 : i32
        %parallel_loop3A_408 = arith.constant 2048 : i32
        %parallel_loop3A_409 = arith.addi %parallel_loop3A_408, %parallel_loop3A_407 : i32
        %parallel_loop3A_410 = arith.index_cast %parallel_loop3A_409 : i32 to index
        %parallel_loop3A_411 = tpu.vector_load %arg6[%parallel_loop3A_410] {strides = array<i32>} : memref<18432xi32, #tpu.memory_space<vmem>>, vector<16xi32>,
        %parallel_loop3A_412 = vector.bitcast %parallel_loop3A_411 : vector<16xi32> to vector<32xi16>
        %parallel_loop3A_413 = tpu.unpack_subelements %parallel_loop3A_412, 0 {pack_format = #tpu.pack_format<interleaved>} : vector<32xi16> -> vector<16xi32>
        %parallel_loop3A_414 = tpu.unpack_subelements %parallel_loop3A_412, 1 {pack_format = #tpu.pack_format<interleaved>} : vector<32xi16> -> vector<16xi32>
        %parallel_loop3A_415 = arith.constant 0 : i32
        %parallel_loop3A_416 = tpu.memref_slice %arg7[%parallel_loop3A_315, %parallel_loop3A_415] : memref<1x16512xf32, #tpu.memory_space<vmem>> -> memref<1x16512xf32, #tpu.memory_space<vmem>>
        %parallel_loop3A_417 = tpu.memref_squeeze %parallel_loop3A_416 : memref<1x16512xf32, #tpu.memory_space<vmem>> -> memref<16512xf32, #tpu.memory_space<vmem>>
        %parallel_loop3A_418 = tpu.vector_load_idx %parallel_loop3A_417[%parallel_loop3A_413] : memref<16512xf32, #tpu.memory_space<vmem>>[vector<16xi32>], vector<16xf32>,
        %parallel_loop3A_419 = arith.constant 0 : i32
        %parallel_loop3A_420 = tpu.memref_slice %arg7[%parallel_loop3A_315, %parallel_loop3A_419] : memref<1x16512xf32, #tpu.memory_space<vmem>> -> memref<1x16512xf32, #tpu.memory_space<vmem>>
        %parallel_loop3A_421 = tpu.memref_squeeze %parallel_loop3A_420 : memref<1x16512xf32, #tpu.memory_space<vmem>> -> memref<16512xf32, #tpu.memory_space<vmem>>
        %parallel_loop3A_422 = tpu.vector_load_idx %parallel_loop3A_421[%parallel_loop3A_414] : memref<16512xf32, #tpu.memory_space<vmem>>[vector<16xi32>], vector<16xf32>,
        %parallel_loop3A_423 = arith.constant 0 : i32
        %parallel_loop3A_424 = tpu.memref_slice %arg8[%parallel_loop3A_316, %parallel_loop3A_423] : memref<1x16512xf32, #tpu.memory_space<vmem>> -> memref<1x16512xf32, #tpu.memory_space<vmem>>
        %parallel_loop3A_425 = tpu.memref_squeeze %parallel_loop3A_424 : memref<1x16512xf32, #tpu.memory_space<vmem>> -> memref<16512xf32, #tpu.memory_space<vmem>>
        %parallel_loop3A_426 = tpu.vector_load_idx %parallel_loop3A_425[%parallel_loop3A_413] : memref<16512xf32, #tpu.memory_space<vmem>>[vector<16xi32>], vector<16xf32>,
        %parallel_loop3A_427 = arith.constant 0 : i32
        %parallel_loop3A_428 = tpu.memref_slice %arg8[%parallel_loop3A_316, %parallel_loop3A_427] : memref<1x16512xf32, #tpu.memory_space<vmem>> -> memref<1x16512xf32, #tpu.memory_space<vmem>>
        %parallel_loop3A_429 = tpu.memref_squeeze %parallel_loop3A_428 : memref<1x16512xf32, #tpu.memory_space<vmem>> -> memref<16512xf32, #tpu.memory_space<vmem>>
        %parallel_loop3A_430 = tpu.vector_load_idx %parallel_loop3A_429[%parallel_loop3A_414] : memref<16512xf32, #tpu.memory_space<vmem>>[vector<16xi32>], vector<16xf32>,
        %parallel_loop3A_431 = arith.addf %parallel_loop3A_371, %parallel_loop3A_418 : vector<16xf32>
        %parallel_loop3A_432 = arith.addf %parallel_loop3A_375, %parallel_loop3A_422 : vector<16xf32>
        %parallel_loop3A_433 = arith.addf %parallel_loop3A_379, %parallel_loop3A_426 : vector<16xf32>
        %parallel_loop3A_434 = arith.addf %parallel_loop3A_383, %parallel_loop3A_430 : vector<16xf32>
        %parallel_loop3A_435 = arith.constant 2 : i32
        %parallel_loop3A_436 = arith.divsi %parallel_loop3A_334, %parallel_loop3A_435 : i32
        %parallel_loop3A_437 = arith.constant 0 : i32
        %parallel_loop3A_438 = arith.cmpi sgt, %parallel_loop3A_334, %parallel_loop3A_437 : i32
        %parallel_loop3A_439 = arith.extui %parallel_loop3A_438 : i1 to i32
        %parallel_loop3A_440 = arith.constant 0 : i32
        %parallel_loop3A_441 = arith.cmpi slt, %parallel_loop3A_334, %parallel_loop3A_440 : i32
        %parallel_loop3A_442 = arith.extui %parallel_loop3A_441 : i1 to i32
        %parallel_loop3A_443 = arith.subi %parallel_loop3A_439, %parallel_loop3A_442 : i32
        %parallel_loop3A_444 = arith.constant 0 : i32
        %parallel_loop3A_445 = arith.cmpi sgt, %parallel_loop3A_435, %parallel_loop3A_444 : i32
        %parallel_loop3A_446 = arith.extui %parallel_loop3A_445 : i1 to i32
        %parallel_loop3A_447 = arith.constant 0 : i32
        %parallel_loop3A_448 = arith.cmpi slt, %parallel_loop3A_435, %parallel_loop3A_447 : i32
        %parallel_loop3A_449 = arith.extui %parallel_loop3A_448 : i1 to i32
        %parallel_loop3A_450 = arith.subi %parallel_loop3A_446, %parallel_loop3A_449 : i32
        %parallel_loop3A_451 = arith.cmpi ne, %parallel_loop3A_443, %parallel_loop3A_450 : i32
        %parallel_loop3A_452 = arith.remsi %parallel_loop3A_334, %parallel_loop3A_435 : i32
        %parallel_loop3A_453 = arith.constant 0 : i32
        %parallel_loop3A_454 = arith.cmpi ne, %parallel_loop3A_452, %parallel_loop3A_453 : i32
        %parallel_loop3A_455 = arith.andi %parallel_loop3A_451, %parallel_loop3A_454 : i1
        %parallel_loop3A_456 = arith.constant 1 : i32
        %parallel_loop3A_457 = arith.subi %parallel_loop3A_436, %parallel_loop3A_456 : i32
        %parallel_loop3A_458 = arith.select %parallel_loop3A_455, %parallel_loop3A_457, %parallel_loop3A_436 : i32
        %parallel_loop3A_459 = arith.constant 4096 : i32
        %parallel_loop3A_460 = arith.addi %parallel_loop3A_459, %parallel_loop3A_458 : i32
        %parallel_loop3A_461 = arith.index_cast %parallel_loop3A_460 : i32 to index
        %parallel_loop3A_462 = tpu.vector_load %arg6[%parallel_loop3A_461] {strides = array<i32>} : memref<18432xi32, #tpu.memory_space<vmem>>, vector<16xi32>,
        %parallel_loop3A_463 = vector.bitcast %parallel_loop3A_462 : vector<16xi32> to vector<32xi16>
        %parallel_loop3A_464 = tpu.unpack_subelements %parallel_loop3A_463, 0 {pack_format = #tpu.pack_format<interleaved>} : vector<32xi16> -> vector<16xi32>
        %parallel_loop3A_465 = tpu.unpack_subelements %parallel_loop3A_463, 1 {pack_format = #tpu.pack_format<interleaved>} : vector<32xi16> -> vector<16xi32>
        %parallel_loop3A_466 = arith.constant 0 : i32
        %parallel_loop3A_467 = tpu.memref_slice %arg7[%parallel_loop3A_315, %parallel_loop3A_466] : memref<1x16512xf32, #tpu.memory_space<vmem>> -> memref<1x16512xf32, #tpu.memory_space<vmem>>
        %parallel_loop3A_468 = tpu.memref_squeeze %parallel_loop3A_467 : memref<1x16512xf32, #tpu.memory_space<vmem>> -> memref<16512xf32, #tpu.memory_space<vmem>>
        %parallel_loop3A_469 = tpu.vector_load_idx %parallel_loop3A_468[%parallel_loop3A_464] : memref<16512xf32, #tpu.memory_space<vmem>>[vector<16xi32>], vector<16xf32>,
        %parallel_loop3A_470 = arith.constant 0 : i32
        %parallel_loop3A_471 = tpu.memref_slice %arg7[%parallel_loop3A_315, %parallel_loop3A_470] : memref<1x16512xf32, #tpu.memory_space<vmem>> -> memref<1x16512xf32, #tpu.memory_space<vmem>>
        %parallel_loop3A_472 = tpu.memref_squeeze %parallel_loop3A_471 : memref<1x16512xf32, #tpu.memory_space<vmem>> -> memref<16512xf32, #tpu.memory_space<vmem>>
        %parallel_loop3A_473 = tpu.vector_load_idx %parallel_loop3A_472[%parallel_loop3A_465] : memref<16512xf32, #tpu.memory_space<vmem>>[vector<16xi32>], vector<16xf32>,
        %parallel_loop3A_474 = arith.constant 0 : i32
        %parallel_loop3A_475 = tpu.memref_slice %arg8[%parallel_loop3A_316, %parallel_loop3A_474] : memref<1x16512xf32, #tpu.memory_space<vmem>> -> memref<1x16512xf32, #tpu.memory_space<vmem>>
        %parallel_loop3A_476 = tpu.memref_squeeze %parallel_loop3A_475 : memref<1x16512xf32, #tpu.memory_space<vmem>> -> memref<16512xf32, #tpu.memory_space<vmem>>
        %parallel_loop3A_477 = tpu.vector_load_idx %parallel_loop3A_476[%parallel_loop3A_464] : memref<16512xf32, #tpu.memory_space<vmem>>[vector<16xi32>], vector<16xf32>,
        %parallel_loop3A_478 = arith.constant 0 : i32
        %parallel_loop3A_479 = tpu.memref_slice %arg8[%parallel_loop3A_316, %parallel_loop3A_478] : memref<1x16512xf32, #tpu.memory_space<vmem>> -> memref<1x16512xf32, #tpu.memory_space<vmem>>
        %parallel_loop3A_480 = tpu.memref_squeeze %parallel_loop3A_479 : memref<1x16512xf32, #tpu.memory_space<vmem>> -> memref<16512xf32, #tpu.memory_space<vmem>>
        %parallel_loop3A_481 = tpu.vector_load_idx %parallel_loop3A_480[%parallel_loop3A_465] : memref<16512xf32, #tpu.memory_space<vmem>>[vector<16xi32>], vector<16xf32>,
        %parallel_loop3A_482 = arith.addf %parallel_loop3A_431, %parallel_loop3A_469 : vector<16xf32>
        %parallel_loop3A_483 = arith.addf %parallel_loop3A_432, %parallel_loop3A_473 : vector<16xf32>
        %parallel_loop3A_484 = arith.addf %parallel_loop3A_433, %parallel_loop3A_477 : vector<16xf32>
        %parallel_loop3A_485 = arith.addf %parallel_loop3A_434, %parallel_loop3A_481 : vector<16xf32>
        %parallel_loop3A_486 = arith.constant 2 : i32
        %parallel_loop3A_487 = arith.divsi %parallel_loop3A_334, %parallel_loop3A_486 : i32
        %parallel_loop3A_488 = arith.constant 0 : i32
        %parallel_loop3A_489 = arith.cmpi sgt, %parallel_loop3A_334, %parallel_loop3A_488 : i32
        %parallel_loop3A_490 = arith.extui %parallel_loop3A_489 : i1 to i32
        %parallel_loop3A_491 = arith.constant 0 : i32
        %parallel_loop3A_492 = arith.cmpi slt, %parallel_loop3A_334, %parallel_loop3A_491 : i32
        %parallel_loop3A_493 = arith.extui %parallel_loop3A_492 : i1 to i32
        %parallel_loop3A_494 = arith.subi %parallel_loop3A_490, %parallel_loop3A_493 : i32
        %parallel_loop3A_495 = arith.constant 0 : i32
        %parallel_loop3A_496 = arith.cmpi sgt, %parallel_loop3A_486, %parallel_loop3A_495 : i32
        %parallel_loop3A_497 = arith.extui %parallel_loop3A_496 : i1 to i32
        %parallel_loop3A_498 = arith.constant 0 : i32
        %parallel_loop3A_499 = arith.cmpi slt, %parallel_loop3A_486, %parallel_loop3A_498 : i32
        %parallel_loop3A_500 = arith.extui %parallel_loop3A_499 : i1 to i32
        %parallel_loop3A_501 = arith.subi %parallel_loop3A_497, %parallel_loop3A_500 : i32
        %parallel_loop3A_502 = arith.cmpi ne, %parallel_loop3A_494, %parallel_loop3A_501 : i32
        %parallel_loop3A_503 = arith.remsi %parallel_loop3A_334, %parallel_loop3A_486 : i32
        %parallel_loop3A_504 = arith.constant 0 : i32
        %parallel_loop3A_505 = arith.cmpi ne, %parallel_loop3A_503, %parallel_loop3A_504 : i32
        %parallel_loop3A_506 = arith.andi %parallel_loop3A_502, %parallel_loop3A_505 : i1
        %parallel_loop3A_507 = arith.constant 1 : i32
        %parallel_loop3A_508 = arith.subi %parallel_loop3A_487, %parallel_loop3A_507 : i32
        %parallel_loop3A_509 = arith.select %parallel_loop3A_506, %parallel_loop3A_508, %parallel_loop3A_487 : i32
        %parallel_loop3A_510 = arith.constant 6144 : i32
        %parallel_loop3A_511 = arith.addi %parallel_loop3A_510, %parallel_loop3A_509 : i32
        %parallel_loop3A_512 = arith.index_cast %parallel_loop3A_511 : i32 to index
        %parallel_loop3A_513 = tpu.vector_load %arg6[%parallel_loop3A_512] {strides = array<i32>} : memref<18432xi32, #tpu.memory_space<vmem>>, vector<16xi32>,
        %parallel_loop3A_514 = vector.bitcast %parallel_loop3A_513 : vector<16xi32> to vector<32xi16>
        %parallel_loop3A_515 = tpu.unpack_subelements %parallel_loop3A_514, 0 {pack_format = #tpu.pack_format<interleaved>} : vector<32xi16> -> vector<16xi32>
        %parallel_loop3A_516 = tpu.unpack_subelements %parallel_loop3A_514, 1 {pack_format = #tpu.pack_format<interleaved>} : vector<32xi16> -> vector<16xi32>
        %parallel_loop3A_517 = arith.constant 0 : i32
        %parallel_loop3A_518 = tpu.memref_slice %arg7[%parallel_loop3A_315, %parallel_loop3A_517] : memref<1x16512xf32, #tpu.memory_space<vmem>> -> memref<1x16512xf32, #tpu.memory_space<vmem>>
        %parallel_loop3A_519 = tpu.memref_squeeze %parallel_loop3A_518 : memref<1x16512xf32, #tpu.memory_space<vmem>> -> memref<16512xf32, #tpu.memory_space<vmem>>
        %parallel_loop3A_520 = tpu.vector_load_idx %parallel_loop3A_519[%parallel_loop3A_515] : memref<16512xf32, #tpu.memory_space<vmem>>[vector<16xi32>], vector<16xf32>,
        %parallel_loop3A_521 = arith.constant 0 : i32
        %parallel_loop3A_522 = tpu.memref_slice %arg7[%parallel_loop3A_315, %parallel_loop3A_521] : memref<1x16512xf32, #tpu.memory_space<vmem>> -> memref<1x16512xf32, #tpu.memory_space<vmem>>
        %parallel_loop3A_523 = tpu.memref_squeeze %parallel_loop3A_522 : memref<1x16512xf32, #tpu.memory_space<vmem>> -> memref<16512xf32, #tpu.memory_space<vmem>>
        %parallel_loop3A_524 = tpu.vector_load_idx %parallel_loop3A_523[%parallel_loop3A_516] : memref<16512xf32, #tpu.memory_space<vmem>>[vector<16xi32>], vector<16xf32>,
        %parallel_loop3A_525 = arith.constant 0 : i32
        %parallel_loop3A_526 = tpu.memref_slice %arg8[%parallel_loop3A_316, %parallel_loop3A_525] : memref<1x16512xf32, #tpu.memory_space<vmem>> -> memref<1x16512xf32, #tpu.memory_space<vmem>>
        %parallel_loop3A_527 = tpu.memref_squeeze %parallel_loop3A_526 : memref<1x16512xf32, #tpu.memory_space<vmem>> -> memref<16512xf32, #tpu.memory_space<vmem>>
        %parallel_loop3A_528 = tpu.vector_load_idx %parallel_loop3A_527[%parallel_loop3A_515] : memref<16512xf32, #tpu.memory_space<vmem>>[vector<16xi32>], vector<16xf32>,
        %parallel_loop3A_529 = arith.constant 0 : i32
        %parallel_loop3A_530 = tpu.memref_slice %arg8[%parallel_loop3A_316, %parallel_loop3A_529] : memref<1x16512xf32, #tpu.memory_space<vmem>> -> memref<1x16512xf32, #tpu.memory_space<vmem>>
        %parallel_loop3A_531 = tpu.memref_squeeze %parallel_loop3A_530 : memref<1x16512xf32, #tpu.memory_space<vmem>> -> memref<16512xf32, #tpu.memory_space<vmem>>
        %parallel_loop3A_532 = tpu.vector_load_idx %parallel_loop3A_531[%parallel_loop3A_516] : memref<16512xf32, #tpu.memory_space<vmem>>[vector<16xi32>], vector<16xf32>,
        %parallel_loop3A_533 = arith.addf %parallel_loop3A_482, %parallel_loop3A_520 : vector<16xf32>
        %parallel_loop3A_534 = arith.addf %parallel_loop3A_483, %parallel_loop3A_524 : vector<16xf32>
        %parallel_loop3A_535 = arith.addf %parallel_loop3A_484, %parallel_loop3A_528 : vector<16xf32>
        %parallel_loop3A_536 = arith.addf %parallel_loop3A_485, %parallel_loop3A_532 : vector<16xf32>
        %parallel_loop3A_537 = arith.constant 2 : i32
        %parallel_loop3A_538 = arith.divsi %parallel_loop3A_334, %parallel_loop3A_537 : i32
        %parallel_loop3A_539 = arith.constant 0 : i32
        %parallel_loop3A_540 = arith.cmpi sgt, %parallel_loop3A_334, %parallel_loop3A_539 : i32
        %parallel_loop3A_541 = arith.extui %parallel_loop3A_540 : i1 to i32
        %parallel_loop3A_542 = arith.constant 0 : i32
        %parallel_loop3A_543 = arith.cmpi slt, %parallel_loop3A_334, %parallel_loop3A_542 : i32
        %parallel_loop3A_544 = arith.extui %parallel_loop3A_543 : i1 to i32
        %parallel_loop3A_545 = arith.subi %parallel_loop3A_541, %parallel_loop3A_544 : i32
        %parallel_loop3A_546 = arith.constant 0 : i32
        %parallel_loop3A_547 = arith.cmpi sgt, %parallel_loop3A_537, %parallel_loop3A_546 : i32
        %parallel_loop3A_548 = arith.extui %parallel_loop3A_547 : i1 to i32
        %parallel_loop3A_549 = arith.constant 0 : i32
        %parallel_loop3A_550 = arith.cmpi slt, %parallel_loop3A_537, %parallel_loop3A_549 : i32
        %parallel_loop3A_551 = arith.extui %parallel_loop3A_550 : i1 to i32
        %parallel_loop3A_552 = arith.subi %parallel_loop3A_548, %parallel_loop3A_551 : i32
        %parallel_loop3A_553 = arith.cmpi ne, %parallel_loop3A_545, %parallel_loop3A_552 : i32
        %parallel_loop3A_554 = arith.remsi %parallel_loop3A_334, %parallel_loop3A_537 : i32
        %parallel_loop3A_555 = arith.constant 0 : i32
        %parallel_loop3A_556 = arith.cmpi ne, %parallel_loop3A_554, %parallel_loop3A_555 : i32
        %parallel_loop3A_557 = arith.andi %parallel_loop3A_553, %parallel_loop3A_556 : i1
        %parallel_loop3A_558 = arith.constant 1 : i32
        %parallel_loop3A_559 = arith.subi %parallel_loop3A_538, %parallel_loop3A_558 : i32
        %parallel_loop3A_560 = arith.select %parallel_loop3A_557, %parallel_loop3A_559, %parallel_loop3A_538 : i32
        %parallel_loop3A_561 = arith.constant 8192 : i32
        %parallel_loop3A_562 = arith.addi %parallel_loop3A_561, %parallel_loop3A_560 : i32
        %parallel_loop3A_563 = arith.index_cast %parallel_loop3A_562 : i32 to index
        %parallel_loop3A_564 = tpu.vector_load %arg6[%parallel_loop3A_563] {strides = array<i32>} : memref<18432xi32, #tpu.memory_space<vmem>>, vector<16xi32>,
        %parallel_loop3A_565 = vector.bitcast %parallel_loop3A_564 : vector<16xi32> to vector<32xi16>
        %parallel_loop3A_566 = tpu.unpack_subelements %parallel_loop3A_565, 0 {pack_format = #tpu.pack_format<interleaved>} : vector<32xi16> -> vector<16xi32>
        %parallel_loop3A_567 = tpu.unpack_subelements %parallel_loop3A_565, 1 {pack_format = #tpu.pack_format<interleaved>} : vector<32xi16> -> vector<16xi32>
        %parallel_loop3A_568 = arith.constant 0 : i32
        %parallel_loop3A_569 = tpu.memref_slice %arg7[%parallel_loop3A_315, %parallel_loop3A_568] : memref<1x16512xf32, #tpu.memory_space<vmem>> -> memref<1x16512xf32, #tpu.memory_space<vmem>>
        %parallel_loop3A_570 = tpu.memref_squeeze %parallel_loop3A_569 : memref<1x16512xf32, #tpu.memory_space<vmem>> -> memref<16512xf32, #tpu.memory_space<vmem>>
        %parallel_loop3A_571 = tpu.vector_load_idx %parallel_loop3A_570[%parallel_loop3A_566] : memref<16512xf32, #tpu.memory_space<vmem>>[vector<16xi32>], vector<16xf32>,
        %parallel_loop3A_572 = arith.constant 0 : i32
        %parallel_loop3A_573 = tpu.memref_slice %arg7[%parallel_loop3A_315, %parallel_loop3A_572] : memref<1x16512xf32, #tpu.memory_space<vmem>> -> memref<1x16512xf32, #tpu.memory_space<vmem>>
        %parallel_loop3A_574 = tpu.memref_squeeze %parallel_loop3A_573 : memref<1x16512xf32, #tpu.memory_space<vmem>> -> memref<16512xf32, #tpu.memory_space<vmem>>
        %parallel_loop3A_575 = tpu.vector_load_idx %parallel_loop3A_574[%parallel_loop3A_567] : memref<16512xf32, #tpu.memory_space<vmem>>[vector<16xi32>], vector<16xf32>,
        %parallel_loop3A_576 = arith.constant 0 : i32
        %parallel_loop3A_577 = tpu.memref_slice %arg8[%parallel_loop3A_316, %parallel_loop3A_576] : memref<1x16512xf32, #tpu.memory_space<vmem>> -> memref<1x16512xf32, #tpu.memory_space<vmem>>
        %parallel_loop3A_578 = tpu.memref_squeeze %parallel_loop3A_577 : memref<1x16512xf32, #tpu.memory_space<vmem>> -> memref<16512xf32, #tpu.memory_space<vmem>>
        %parallel_loop3A_579 = tpu.vector_load_idx %parallel_loop3A_578[%parallel_loop3A_566] : memref<16512xf32, #tpu.memory_space<vmem>>[vector<16xi32>], vector<16xf32>,
        %parallel_loop3A_580 = arith.constant 0 : i32
        %parallel_loop3A_581 = tpu.memref_slice %arg8[%parallel_loop3A_316, %parallel_loop3A_580] : memref<1x16512xf32, #tpu.memory_space<vmem>> -> memref<1x16512xf32, #tpu.memory_space<vmem>>
        %parallel_loop3A_582 = tpu.memref_squeeze %parallel_loop3A_581 : memref<1x16512xf32, #tpu.memory_space<vmem>> -> memref<16512xf32, #tpu.memory_space<vmem>>
        %parallel_loop3A_583 = tpu.vector_load_idx %parallel_loop3A_582[%parallel_loop3A_567] : memref<16512xf32, #tpu.memory_space<vmem>>[vector<16xi32>], vector<16xf32>,
        %parallel_loop3A_584 = arith.addf %parallel_loop3A_533, %parallel_loop3A_571 : vector<16xf32>
        %parallel_loop3A_585 = arith.addf %parallel_loop3A_534, %parallel_loop3A_575 : vector<16xf32>
        %parallel_loop3A_586 = arith.addf %parallel_loop3A_535, %parallel_loop3A_579 : vector<16xf32>
        %parallel_loop3A_587 = arith.addf %parallel_loop3A_536, %parallel_loop3A_583 : vector<16xf32>
        %parallel_loop3A_588 = arith.constant 2 : i32
        %parallel_loop3A_589 = arith.divsi %parallel_loop3A_334, %parallel_loop3A_588 : i32
        %parallel_loop3A_590 = arith.constant 0 : i32
        %parallel_loop3A_591 = arith.cmpi sgt, %parallel_loop3A_334, %parallel_loop3A_590 : i32
        %parallel_loop3A_592 = arith.extui %parallel_loop3A_591 : i1 to i32
        %parallel_loop3A_593 = arith.constant 0 : i32
        %parallel_loop3A_594 = arith.cmpi slt, %parallel_loop3A_334, %parallel_loop3A_593 : i32
        %parallel_loop3A_595 = arith.extui %parallel_loop3A_594 : i1 to i32
        %parallel_loop3A_596 = arith.subi %parallel_loop3A_592, %parallel_loop3A_595 : i32
        %parallel_loop3A_597 = arith.constant 0 : i32
        %parallel_loop3A_598 = arith.cmpi sgt, %parallel_loop3A_588, %parallel_loop3A_597 : i32
        %parallel_loop3A_599 = arith.extui %parallel_loop3A_598 : i1 to i32
        %parallel_loop3A_600 = arith.constant 0 : i32
        %parallel_loop3A_601 = arith.cmpi slt, %parallel_loop3A_588, %parallel_loop3A_600 : i32
        %parallel_loop3A_602 = arith.extui %parallel_loop3A_601 : i1 to i32
        %parallel_loop3A_603 = arith.subi %parallel_loop3A_599, %parallel_loop3A_602 : i32
        %parallel_loop3A_604 = arith.cmpi ne, %parallel_loop3A_596, %parallel_loop3A_603 : i32
        %parallel_loop3A_605 = arith.remsi %parallel_loop3A_334, %parallel_loop3A_588 : i32
        %parallel_loop3A_606 = arith.constant 0 : i32
        %parallel_loop3A_607 = arith.cmpi ne, %parallel_loop3A_605, %parallel_loop3A_606 : i32
        %parallel_loop3A_608 = arith.andi %parallel_loop3A_604, %parallel_loop3A_607 : i1
        %parallel_loop3A_609 = arith.constant 1 : i32
        %parallel_loop3A_610 = arith.subi %parallel_loop3A_589, %parallel_loop3A_609 : i32
        %parallel_loop3A_611 = arith.select %parallel_loop3A_608, %parallel_loop3A_610, %parallel_loop3A_589 : i32
        %parallel_loop3A_612 = arith.constant 10240 : i32
        %parallel_loop3A_613 = arith.addi %parallel_loop3A_612, %parallel_loop3A_611 : i32
        %parallel_loop3A_614 = arith.index_cast %parallel_loop3A_613 : i32 to index
        %parallel_loop3A_615 = tpu.vector_load %arg6[%parallel_loop3A_614] {strides = array<i32>} : memref<18432xi32, #tpu.memory_space<vmem>>, vector<16xi32>,
        %parallel_loop3A_616 = vector.bitcast %parallel_loop3A_615 : vector<16xi32> to vector<32xi16>
        %parallel_loop3A_617 = tpu.unpack_subelements %parallel_loop3A_616, 0 {pack_format = #tpu.pack_format<interleaved>} : vector<32xi16> -> vector<16xi32>
        %parallel_loop3A_618 = tpu.unpack_subelements %parallel_loop3A_616, 1 {pack_format = #tpu.pack_format<interleaved>} : vector<32xi16> -> vector<16xi32>
        %parallel_loop3A_619 = arith.constant 0 : i32
        %parallel_loop3A_620 = tpu.memref_slice %arg7[%parallel_loop3A_315, %parallel_loop3A_619] : memref<1x16512xf32, #tpu.memory_space<vmem>> -> memref<1x16512xf32, #tpu.memory_space<vmem>>
        %parallel_loop3A_621 = tpu.memref_squeeze %parallel_loop3A_620 : memref<1x16512xf32, #tpu.memory_space<vmem>> -> memref<16512xf32, #tpu.memory_space<vmem>>
        %parallel_loop3A_622 = tpu.vector_load_idx %parallel_loop3A_621[%parallel_loop3A_617] : memref<16512xf32, #tpu.memory_space<vmem>>[vector<16xi32>], vector<16xf32>,
        %parallel_loop3A_623 = arith.constant 0 : i32
        %parallel_loop3A_624 = tpu.memref_slice %arg7[%parallel_loop3A_315, %parallel_loop3A_623] : memref<1x16512xf32, #tpu.memory_space<vmem>> -> memref<1x16512xf32, #tpu.memory_space<vmem>>
        %parallel_loop3A_625 = tpu.memref_squeeze %parallel_loop3A_624 : memref<1x16512xf32, #tpu.memory_space<vmem>> -> memref<16512xf32, #tpu.memory_space<vmem>>
        %parallel_loop3A_626 = tpu.vector_load_idx %parallel_loop3A_625[%parallel_loop3A_618] : memref<16512xf32, #tpu.memory_space<vmem>>[vector<16xi32>], vector<16xf32>,
        %parallel_loop3A_627 = arith.constant 0 : i32
        %parallel_loop3A_628 = tpu.memref_slice %arg8[%parallel_loop3A_316, %parallel_loop3A_627] : memref<1x16512xf32, #tpu.memory_space<vmem>> -> memref<1x16512xf32, #tpu.memory_space<vmem>>
        %parallel_loop3A_629 = tpu.memref_squeeze %parallel_loop3A_628 : memref<1x16512xf32, #tpu.memory_space<vmem>> -> memref<16512xf32, #tpu.memory_space<vmem>>
        %parallel_loop3A_630 = tpu.vector_load_idx %parallel_loop3A_629[%parallel_loop3A_617] : memref<16512xf32, #tpu.memory_space<vmem>>[vector<16xi32>], vector<16xf32>,
        %parallel_loop3A_631 = arith.constant 0 : i32
        %parallel_loop3A_632 = tpu.memref_slice %arg8[%parallel_loop3A_316, %parallel_loop3A_631] : memref<1x16512xf32, #tpu.memory_space<vmem>> -> memref<1x16512xf32, #tpu.memory_space<vmem>>
        %parallel_loop3A_633 = tpu.memref_squeeze %parallel_loop3A_632 : memref<1x16512xf32, #tpu.memory_space<vmem>> -> memref<16512xf32, #tpu.memory_space<vmem>>
        %parallel_loop3A_634 = tpu.vector_load_idx %parallel_loop3A_633[%parallel_loop3A_618] : memref<16512xf32, #tpu.memory_space<vmem>>[vector<16xi32>], vector<16xf32>,
        %parallel_loop3A_635 = arith.addf %parallel_loop3A_584, %parallel_loop3A_622 : vector<16xf32>
        %parallel_loop3A_636 = arith.addf %parallel_loop3A_585, %parallel_loop3A_626 : vector<16xf32>
        %parallel_loop3A_637 = arith.addf %parallel_loop3A_586, %parallel_loop3A_630 : vector<16xf32>
        %parallel_loop3A_638 = arith.addf %parallel_loop3A_587, %parallel_loop3A_634 : vector<16xf32>
        %parallel_loop3A_639 = arith.constant 2 : i32
        %parallel_loop3A_640 = arith.divsi %parallel_loop3A_334, %parallel_loop3A_639 : i32
        %parallel_loop3A_641 = arith.constant 0 : i32
        %parallel_loop3A_642 = arith.cmpi sgt, %parallel_loop3A_334, %parallel_loop3A_641 : i32
        %parallel_loop3A_643 = arith.extui %parallel_loop3A_642 : i1 to i32
        %parallel_loop3A_644 = arith.constant 0 : i32
        %parallel_loop3A_645 = arith.cmpi slt, %parallel_loop3A_334, %parallel_loop3A_644 : i32
        %parallel_loop3A_646 = arith.extui %parallel_loop3A_645 : i1 to i32
        %parallel_loop3A_647 = arith.subi %parallel_loop3A_643, %parallel_loop3A_646 : i32
        %parallel_loop3A_648 = arith.constant 0 : i32
        %parallel_loop3A_649 = arith.cmpi sgt, %parallel_loop3A_639, %parallel_loop3A_648 : i32
        %parallel_loop3A_650 = arith.extui %parallel_loop3A_649 : i1 to i32
        %parallel_loop3A_651 = arith.constant 0 : i32
        %parallel_loop3A_652 = arith.cmpi slt, %parallel_loop3A_639, %parallel_loop3A_651 : i32
        %parallel_loop3A_653 = arith.extui %parallel_loop3A_652 : i1 to i32
        %parallel_loop3A_654 = arith.subi %parallel_loop3A_650, %parallel_loop3A_653 : i32
        %parallel_loop3A_655 = arith.cmpi ne, %parallel_loop3A_647, %parallel_loop3A_654 : i32
        %parallel_loop3A_656 = arith.remsi %parallel_loop3A_334, %parallel_loop3A_639 : i32
        %parallel_loop3A_657 = arith.constant 0 : i32
        %parallel_loop3A_658 = arith.cmpi ne, %parallel_loop3A_656, %parallel_loop3A_657 : i32
        %parallel_loop3A_659 = arith.andi %parallel_loop3A_655, %parallel_loop3A_658 : i1
        %parallel_loop3A_660 = arith.constant 1 : i32
        %parallel_loop3A_661 = arith.subi %parallel_loop3A_640, %parallel_loop3A_660 : i32
        %parallel_loop3A_662 = arith.select %parallel_loop3A_659, %parallel_loop3A_661, %parallel_loop3A_640 : i32
        %parallel_loop3A_663 = arith.constant 12288 : i32
        %parallel_loop3A_664 = arith.addi %parallel_loop3A_663, %parallel_loop3A_662 : i32
        %parallel_loop3A_665 = arith.index_cast %parallel_loop3A_664 : i32 to index
        %parallel_loop3A_666 = tpu.vector_load %arg6[%parallel_loop3A_665] {strides = array<i32>} : memref<18432xi32, #tpu.memory_space<vmem>>, vector<16xi32>,
        %parallel_loop3A_667 = vector.bitcast %parallel_loop3A_666 : vector<16xi32> to vector<32xi16>
        %parallel_loop3A_668 = tpu.unpack_subelements %parallel_loop3A_667, 0 {pack_format = #tpu.pack_format<interleaved>} : vector<32xi16> -> vector<16xi32>
        %parallel_loop3A_669 = tpu.unpack_subelements %parallel_loop3A_667, 1 {pack_format = #tpu.pack_format<interleaved>} : vector<32xi16> -> vector<16xi32>
        %parallel_loop3A_670 = arith.constant 0 : i32
        %parallel_loop3A_671 = tpu.memref_slice %arg7[%parallel_loop3A_315, %parallel_loop3A_670] : memref<1x16512xf32, #tpu.memory_space<vmem>> -> memref<1x16512xf32, #tpu.memory_space<vmem>>
        %parallel_loop3A_672 = tpu.memref_squeeze %parallel_loop3A_671 : memref<1x16512xf32, #tpu.memory_space<vmem>> -> memref<16512xf32, #tpu.memory_space<vmem>>
        %parallel_loop3A_673 = tpu.vector_load_idx %parallel_loop3A_672[%parallel_loop3A_668] : memref<16512xf32, #tpu.memory_space<vmem>>[vector<16xi32>], vector<16xf32>,
        %parallel_loop3A_674 = arith.constant 0 : i32
        %parallel_loop3A_675 = tpu.memref_slice %arg7[%parallel_loop3A_315, %parallel_loop3A_674] : memref<1x16512xf32, #tpu.memory_space<vmem>> -> memref<1x16512xf32, #tpu.memory_space<vmem>>
        %parallel_loop3A_676 = tpu.memref_squeeze %parallel_loop3A_675 : memref<1x16512xf32, #tpu.memory_space<vmem>> -> memref<16512xf32, #tpu.memory_space<vmem>>
        %parallel_loop3A_677 = tpu.vector_load_idx %parallel_loop3A_676[%parallel_loop3A_669] : memref<16512xf32, #tpu.memory_space<vmem>>[vector<16xi32>], vector<16xf32>,
        %parallel_loop3A_678 = arith.constant 0 : i32
        %parallel_loop3A_679 = tpu.memref_slice %arg8[%parallel_loop3A_316, %parallel_loop3A_678] : memref<1x16512xf32, #tpu.memory_space<vmem>> -> memref<1x16512xf32, #tpu.memory_space<vmem>>
        %parallel_loop3A_680 = tpu.memref_squeeze %parallel_loop3A_679 : memref<1x16512xf32, #tpu.memory_space<vmem>> -> memref<16512xf32, #tpu.memory_space<vmem>>
        %parallel_loop3A_681 = tpu.vector_load_idx %parallel_loop3A_680[%parallel_loop3A_668] : memref<16512xf32, #tpu.memory_space<vmem>>[vector<16xi32>], vector<16xf32>,
        %parallel_loop3A_682 = arith.constant 0 : i32
        %parallel_loop3A_683 = tpu.memref_slice %arg8[%parallel_loop3A_316, %parallel_loop3A_682] : memref<1x16512xf32, #tpu.memory_space<vmem>> -> memref<1x16512xf32, #tpu.memory_space<vmem>>
        %parallel_loop3A_684 = tpu.memref_squeeze %parallel_loop3A_683 : memref<1x16512xf32, #tpu.memory_space<vmem>> -> memref<16512xf32, #tpu.memory_space<vmem>>
        %parallel_loop3A_685 = tpu.vector_load_idx %parallel_loop3A_684[%parallel_loop3A_669] : memref<16512xf32, #tpu.memory_space<vmem>>[vector<16xi32>], vector<16xf32>,
        %parallel_loop3A_686 = arith.addf %parallel_loop3A_635, %parallel_loop3A_673 : vector<16xf32>
        %parallel_loop3A_687 = arith.addf %parallel_loop3A_636, %parallel_loop3A_677 : vector<16xf32>
        %parallel_loop3A_688 = arith.addf %parallel_loop3A_637, %parallel_loop3A_681 : vector<16xf32>
        %parallel_loop3A_689 = arith.addf %parallel_loop3A_638, %parallel_loop3A_685 : vector<16xf32>
        %parallel_loop3A_690 = arith.constant 2 : i32
        %parallel_loop3A_691 = arith.divsi %parallel_loop3A_334, %parallel_loop3A_690 : i32
        %parallel_loop3A_692 = arith.constant 0 : i32
        %parallel_loop3A_693 = arith.cmpi sgt, %parallel_loop3A_334, %parallel_loop3A_692 : i32
        %parallel_loop3A_694 = arith.extui %parallel_loop3A_693 : i1 to i32
        %parallel_loop3A_695 = arith.constant 0 : i32
        %parallel_loop3A_696 = arith.cmpi slt, %parallel_loop3A_334, %parallel_loop3A_695 : i32
        %parallel_loop3A_697 = arith.extui %parallel_loop3A_696 : i1 to i32
        %parallel_loop3A_698 = arith.subi %parallel_loop3A_694, %parallel_loop3A_697 : i32
        %parallel_loop3A_699 = arith.constant 0 : i32
        %parallel_loop3A_700 = arith.cmpi sgt, %parallel_loop3A_690, %parallel_loop3A_699 : i32
        %parallel_loop3A_701 = arith.extui %parallel_loop3A_700 : i1 to i32
        %parallel_loop3A_702 = arith.constant 0 : i32
        %parallel_loop3A_703 = arith.cmpi slt, %parallel_loop3A_690, %parallel_loop3A_702 : i32
        %parallel_loop3A_704 = arith.extui %parallel_loop3A_703 : i1 to i32
        %parallel_loop3A_705 = arith.subi %parallel_loop3A_701, %parallel_loop3A_704 : i32
        %parallel_loop3A_706 = arith.cmpi ne, %parallel_loop3A_698, %parallel_loop3A_705 : i32
        %parallel_loop3A_707 = arith.remsi %parallel_loop3A_334, %parallel_loop3A_690 : i32
        %parallel_loop3A_708 = arith.constant 0 : i32
        %parallel_loop3A_709 = arith.cmpi ne, %parallel_loop3A_707, %parallel_loop3A_708 : i32
        %parallel_loop3A_710 = arith.andi %parallel_loop3A_706, %parallel_loop3A_709 : i1
        %parallel_loop3A_711 = arith.constant 1 : i32
        %parallel_loop3A_712 = arith.subi %parallel_loop3A_691, %parallel_loop3A_711 : i32
        %parallel_loop3A_713 = arith.select %parallel_loop3A_710, %parallel_loop3A_712, %parallel_loop3A_691 : i32
        %parallel_loop3A_714 = arith.constant 14336 : i32
        %parallel_loop3A_715 = arith.addi %parallel_loop3A_714, %parallel_loop3A_713 : i32
        %parallel_loop3A_716 = arith.index_cast %parallel_loop3A_715 : i32 to index
        %parallel_loop3A_717 = tpu.vector_load %arg6[%parallel_loop3A_716] {strides = array<i32>} : memref<18432xi32, #tpu.memory_space<vmem>>, vector<16xi32>,
        %parallel_loop3A_718 = vector.bitcast %parallel_loop3A_717 : vector<16xi32> to vector<32xi16>
        %parallel_loop3A_719 = tpu.unpack_subelements %parallel_loop3A_718, 0 {pack_format = #tpu.pack_format<interleaved>} : vector<32xi16> -> vector<16xi32>
        %parallel_loop3A_720 = tpu.unpack_subelements %parallel_loop3A_718, 1 {pack_format = #tpu.pack_format<interleaved>} : vector<32xi16> -> vector<16xi32>
        %parallel_loop3A_721 = arith.constant 0 : i32
        %parallel_loop3A_722 = tpu.memref_slice %arg7[%parallel_loop3A_315, %parallel_loop3A_721] : memref<1x16512xf32, #tpu.memory_space<vmem>> -> memref<1x16512xf32, #tpu.memory_space<vmem>>
        %parallel_loop3A_723 = tpu.memref_squeeze %parallel_loop3A_722 : memref<1x16512xf32, #tpu.memory_space<vmem>> -> memref<16512xf32, #tpu.memory_space<vmem>>
        %parallel_loop3A_724 = tpu.vector_load_idx %parallel_loop3A_723[%parallel_loop3A_719] : memref<16512xf32, #tpu.memory_space<vmem>>[vector<16xi32>], vector<16xf32>,
        %parallel_loop3A_725 = arith.constant 0 : i32
        %parallel_loop3A_726 = tpu.memref_slice %arg7[%parallel_loop3A_315, %parallel_loop3A_725] : memref<1x16512xf32, #tpu.memory_space<vmem>> -> memref<1x16512xf32, #tpu.memory_space<vmem>>
        %parallel_loop3A_727 = tpu.memref_squeeze %parallel_loop3A_726 : memref<1x16512xf32, #tpu.memory_space<vmem>> -> memref<16512xf32, #tpu.memory_space<vmem>>
        %parallel_loop3A_728 = tpu.vector_load_idx %parallel_loop3A_727[%parallel_loop3A_720] : memref<16512xf32, #tpu.memory_space<vmem>>[vector<16xi32>], vector<16xf32>,
        %parallel_loop3A_729 = arith.constant 0 : i32
        %parallel_loop3A_730 = tpu.memref_slice %arg8[%parallel_loop3A_316, %parallel_loop3A_729] : memref<1x16512xf32, #tpu.memory_space<vmem>> -> memref<1x16512xf32, #tpu.memory_space<vmem>>
        %parallel_loop3A_731 = tpu.memref_squeeze %parallel_loop3A_730 : memref<1x16512xf32, #tpu.memory_space<vmem>> -> memref<16512xf32, #tpu.memory_space<vmem>>
        %parallel_loop3A_732 = tpu.vector_load_idx %parallel_loop3A_731[%parallel_loop3A_719] : memref<16512xf32, #tpu.memory_space<vmem>>[vector<16xi32>], vector<16xf32>,
        %parallel_loop3A_733 = arith.constant 0 : i32
        %parallel_loop3A_734 = tpu.memref_slice %arg8[%parallel_loop3A_316, %parallel_loop3A_733] : memref<1x16512xf32, #tpu.memory_space<vmem>> -> memref<1x16512xf32, #tpu.memory_space<vmem>>
        %parallel_loop3A_735 = tpu.memref_squeeze %parallel_loop3A_734 : memref<1x16512xf32, #tpu.memory_space<vmem>> -> memref<16512xf32, #tpu.memory_space<vmem>>
        %parallel_loop3A_736 = tpu.vector_load_idx %parallel_loop3A_735[%parallel_loop3A_720] : memref<16512xf32, #tpu.memory_space<vmem>>[vector<16xi32>], vector<16xf32>,
        %parallel_loop3A_737 = arith.addf %parallel_loop3A_686, %parallel_loop3A_724 : vector<16xf32>
        %parallel_loop3A_738 = arith.addf %parallel_loop3A_687, %parallel_loop3A_728 : vector<16xf32>
        %parallel_loop3A_739 = arith.addf %parallel_loop3A_688, %parallel_loop3A_732 : vector<16xf32>
        %parallel_loop3A_740 = arith.addf %parallel_loop3A_689, %parallel_loop3A_736 : vector<16xf32>
        %parallel_loop3A_741 = arith.constant 2 : i32
        %parallel_loop3A_742 = arith.divsi %parallel_loop3A_334, %parallel_loop3A_741 : i32
        %parallel_loop3A_743 = arith.constant 0 : i32
        %parallel_loop3A_744 = arith.cmpi sgt, %parallel_loop3A_334, %parallel_loop3A_743 : i32
        %parallel_loop3A_745 = arith.extui %parallel_loop3A_744 : i1 to i32
        %parallel_loop3A_746 = arith.constant 0 : i32
        %parallel_loop3A_747 = arith.cmpi slt, %parallel_loop3A_334, %parallel_loop3A_746 : i32
        %parallel_loop3A_748 = arith.extui %parallel_loop3A_747 : i1 to i32
        %parallel_loop3A_749 = arith.subi %parallel_loop3A_745, %parallel_loop3A_748 : i32
        %parallel_loop3A_750 = arith.constant 0 : i32
        %parallel_loop3A_751 = arith.cmpi sgt, %parallel_loop3A_741, %parallel_loop3A_750 : i32
        %parallel_loop3A_752 = arith.extui %parallel_loop3A_751 : i1 to i32
        %parallel_loop3A_753 = arith.constant 0 : i32
        %parallel_loop3A_754 = arith.cmpi slt, %parallel_loop3A_741, %parallel_loop3A_753 : i32
        %parallel_loop3A_755 = arith.extui %parallel_loop3A_754 : i1 to i32
        %parallel_loop3A_756 = arith.subi %parallel_loop3A_752, %parallel_loop3A_755 : i32
        %parallel_loop3A_757 = arith.cmpi ne, %parallel_loop3A_749, %parallel_loop3A_756 : i32
        %parallel_loop3A_758 = arith.remsi %parallel_loop3A_334, %parallel_loop3A_741 : i32
        %parallel_loop3A_759 = arith.constant 0 : i32
        %parallel_loop3A_760 = arith.cmpi ne, %parallel_loop3A_758, %parallel_loop3A_759 : i32
        %parallel_loop3A_761 = arith.andi %parallel_loop3A_757, %parallel_loop3A_760 : i1
        %parallel_loop3A_762 = arith.constant 1 : i32
        %parallel_loop3A_763 = arith.subi %parallel_loop3A_742, %parallel_loop3A_762 : i32
        %parallel_loop3A_764 = arith.select %parallel_loop3A_761, %parallel_loop3A_763, %parallel_loop3A_742 : i32
        %parallel_loop3A_765 = arith.constant 16384 : i32
        %parallel_loop3A_766 = arith.addi %parallel_loop3A_765, %parallel_loop3A_764 : i32
        %parallel_loop3A_767 = arith.index_cast %parallel_loop3A_766 : i32 to index
        %parallel_loop3A_768 = tpu.vector_load %arg6[%parallel_loop3A_767] {strides = array<i32>} : memref<18432xi32, #tpu.memory_space<vmem>>, vector<16xi32>,
        %parallel_loop3A_769 = vector.bitcast %parallel_loop3A_768 : vector<16xi32> to vector<32xi16>
        %parallel_loop3A_770 = tpu.unpack_subelements %parallel_loop3A_769, 0 {pack_format = #tpu.pack_format<interleaved>} : vector<32xi16> -> vector<16xi32>
        %parallel_loop3A_771 = tpu.unpack_subelements %parallel_loop3A_769, 1 {pack_format = #tpu.pack_format<interleaved>} : vector<32xi16> -> vector<16xi32>
        %parallel_loop3A_772 = arith.constant 0 : i32
        %parallel_loop3A_773 = tpu.memref_slice %arg7[%parallel_loop3A_315, %parallel_loop3A_772] : memref<1x16512xf32, #tpu.memory_space<vmem>> -> memref<1x16512xf32, #tpu.memory_space<vmem>>
        %parallel_loop3A_774 = tpu.memref_squeeze %parallel_loop3A_773 : memref<1x16512xf32, #tpu.memory_space<vmem>> -> memref<16512xf32, #tpu.memory_space<vmem>>
        %parallel_loop3A_775 = tpu.vector_load_idx %parallel_loop3A_774[%parallel_loop3A_770] : memref<16512xf32, #tpu.memory_space<vmem>>[vector<16xi32>], vector<16xf32>,
        %parallel_loop3A_776 = arith.constant 0 : i32
        %parallel_loop3A_777 = tpu.memref_slice %arg7[%parallel_loop3A_315, %parallel_loop3A_776] : memref<1x16512xf32, #tpu.memory_space<vmem>> -> memref<1x16512xf32, #tpu.memory_space<vmem>>
        %parallel_loop3A_778 = tpu.memref_squeeze %parallel_loop3A_777 : memref<1x16512xf32, #tpu.memory_space<vmem>> -> memref<16512xf32, #tpu.memory_space<vmem>>
        %parallel_loop3A_779 = tpu.vector_load_idx %parallel_loop3A_778[%parallel_loop3A_771] : memref<16512xf32, #tpu.memory_space<vmem>>[vector<16xi32>], vector<16xf32>,
        %parallel_loop3A_780 = arith.constant 0 : i32
        %parallel_loop3A_781 = tpu.memref_slice %arg8[%parallel_loop3A_316, %parallel_loop3A_780] : memref<1x16512xf32, #tpu.memory_space<vmem>> -> memref<1x16512xf32, #tpu.memory_space<vmem>>
        %parallel_loop3A_782 = tpu.memref_squeeze %parallel_loop3A_781 : memref<1x16512xf32, #tpu.memory_space<vmem>> -> memref<16512xf32, #tpu.memory_space<vmem>>
        %parallel_loop3A_783 = tpu.vector_load_idx %parallel_loop3A_782[%parallel_loop3A_770] : memref<16512xf32, #tpu.memory_space<vmem>>[vector<16xi32>], vector<16xf32>,
        %parallel_loop3A_784 = arith.constant 0 : i32
        %parallel_loop3A_785 = tpu.memref_slice %arg8[%parallel_loop3A_316, %parallel_loop3A_784] : memref<1x16512xf32, #tpu.memory_space<vmem>> -> memref<1x16512xf32, #tpu.memory_space<vmem>>
        %parallel_loop3A_786 = tpu.memref_squeeze %parallel_loop3A_785 : memref<1x16512xf32, #tpu.memory_space<vmem>> -> memref<16512xf32, #tpu.memory_space<vmem>>
        %parallel_loop3A_787 = tpu.vector_load_idx %parallel_loop3A_786[%parallel_loop3A_771] : memref<16512xf32, #tpu.memory_space<vmem>>[vector<16xi32>], vector<16xf32>,
        %parallel_loop3A_788 = arith.addf %parallel_loop3A_737, %parallel_loop3A_775 : vector<16xf32>
        %parallel_loop3A_789 = arith.addf %parallel_loop3A_738, %parallel_loop3A_779 : vector<16xf32>
        %parallel_loop3A_790 = arith.addf %parallel_loop3A_739, %parallel_loop3A_783 : vector<16xf32>
        %parallel_loop3A_791 = arith.addf %parallel_loop3A_740, %parallel_loop3A_787 : vector<16xf32>
        %parallel_loop3A_792 = arith.constant 0.111111112 : f32
        %parallel_loop3A_793 = vector.broadcast %parallel_loop3A_792 : f32 to vector<16xf32>
        %parallel_loop3A_794 = arith.mulf %parallel_loop3A_788, %parallel_loop3A_793 : vector<16xf32>
        %parallel_loop3A_795 = arith.constant 0 : i32
        %parallel_loop3A_796 = arith.index_cast %parallel_loop3A_795 : i32 to index
        %parallel_loop3A_797 = arith.index_cast %parallel_loop3A_334 : i32 to index
        %parallel_loop3A_798 = tpu.vector_load %arg11[%parallel_loop3A_796, %parallel_loop3A_797] {strides = array<i32>} : memref<1x4096xf32, #tpu.memory_space<vmem>>, vector<16xf32>,
        tpu.vector_store %arg11[%parallel_loop3A_796, %parallel_loop3A_797], %parallel_loop3A_794 {strides = array<i32>} : memref<1x4096xf32, #tpu.memory_space<vmem>>, vector<16xf32>,
        %parallel_loop3A_799 = arith.constant 0.111111112 : f32
        %parallel_loop3A_800 = vector.broadcast %parallel_loop3A_799 : f32 to vector<16xf32>
        %parallel_loop3A_801 = arith.mulf %parallel_loop3A_789, %parallel_loop3A_800 : vector<16xf32>
        %parallel_loop3A_802 = arith.constant 0 : i32
        %parallel_loop3A_803 = arith.index_cast %parallel_loop3A_802 : i32 to index
        %parallel_loop3A_804 = arith.index_cast %parallel_loop3A_336 : i32 to index
        %parallel_loop3A_805 = tpu.vector_load %arg11[%parallel_loop3A_803, %parallel_loop3A_804] {strides = array<i32>} : memref<1x4096xf32, #tpu.memory_space<vmem>>, vector<16xf32>,
        tpu.vector_store %arg11[%parallel_loop3A_803, %parallel_loop3A_804], %parallel_loop3A_801 {strides = array<i32>} : memref<1x4096xf32, #tpu.memory_space<vmem>>, vector<16xf32>,
        %parallel_loop3A_806 = arith.constant 0.111111112 : f32
        %parallel_loop3A_807 = vector.broadcast %parallel_loop3A_806 : f32 to vector<16xf32>
        %parallel_loop3A_808 = arith.mulf %parallel_loop3A_790, %parallel_loop3A_807 : vector<16xf32>
        %parallel_loop3A_809 = arith.constant 0 : i32
        %parallel_loop3A_810 = arith.index_cast %parallel_loop3A_809 : i32 to index
        %parallel_loop3A_811 = arith.index_cast %parallel_loop3A_334 : i32 to index
        %parallel_loop3A_812 = tpu.vector_load %arg12[%parallel_loop3A_810, %parallel_loop3A_811] {strides = array<i32>} : memref<1x4096xf32, #tpu.memory_space<vmem>>, vector<16xf32>,
        tpu.vector_store %arg12[%parallel_loop3A_810, %parallel_loop3A_811], %parallel_loop3A_808 {strides = array<i32>} : memref<1x4096xf32, #tpu.memory_space<vmem>>, vector<16xf32>,
        %parallel_loop3A_813 = arith.constant 0.111111112 : f32
        %parallel_loop3A_814 = vector.broadcast %parallel_loop3A_813 : f32 to vector<16xf32>
        %parallel_loop3A_815 = arith.mulf %parallel_loop3A_791, %parallel_loop3A_814 : vector<16xf32>
        %parallel_loop3A_816 = arith.constant 0 : i32
        %parallel_loop3A_817 = arith.index_cast %parallel_loop3A_816 : i32 to index
        %parallel_loop3A_818 = arith.index_cast %parallel_loop3A_336 : i32 to index
        %parallel_loop3A_819 = tpu.vector_load %arg12[%parallel_loop3A_817, %parallel_loop3A_818] {strides = array<i32>} : memref<1x4096xf32, #tpu.memory_space<vmem>>, vector<16xf32>,
        tpu.vector_store %arg12[%parallel_loop3A_817, %parallel_loop3A_818], %parallel_loop3A_815 {strides = array<i32>} : memref<1x4096xf32, #tpu.memory_space<vmem>>, vector<16xf32>,
      } {sc.loop_unroll_factor = 1 : i64, sc.parallel_access}
      %dma_start3A_317 = arith.constant 0 : i32
      %dma_start3A_318 = tpu.memref_slice %arg5[%add3A_284, %dma_start3A_317] : memref<1536x4096xf32, #tpu.memory_space<hbm>> -> memref<1x4096xf32, #tpu.memory_space<hbm>>
      %dma_start3A_319 = arith.constant 0 : i32
      %dma_start3A_320 = tpu.memref_slice %arg5[%add3A_284, %dma_start3A_319] : memref<1536x4096xf32, #tpu.memory_space<hbm>> -> memref<1x4096xf32, #tpu.memory_space<hbm>>
      tpu.enqueue_dma source(%arg11 : memref<1x4096xf32, #tpu.memory_space<vmem>>) target(%dma_start3A_320 : memref<1x4096xf32, #tpu.memory_space<hbm>>) target_semaphore(%arg17 : memref<!tpu.dma_semaphore, #tpu.memory_space<semaphore_mem>>)
      %add3A_321 = arith.constant 1 : i32
      %add3A_322 = arith.addi %add3A_284, %add3A_321 : i32
      %dma_start3A_323 = arith.constant 0 : i32
      %dma_start3A_324 = tpu.memref_slice %arg5[%add3A_322, %dma_start3A_323] : memref<1536x4096xf32, #tpu.memory_space<hbm>> -> memref<1x4096xf32, #tpu.memory_space<hbm>>
      %dma_start3A_325 = arith.constant 0 : i32
      %dma_start3A_326 = tpu.memref_slice %arg5[%add3A_322, %dma_start3A_325] : memref<1536x4096xf32, #tpu.memory_space<hbm>> -> memref<1x4096xf32, #tpu.memory_space<hbm>>
      tpu.enqueue_dma source(%arg12 : memref<1x4096xf32, #tpu.memory_space<vmem>>) target(%dma_start3A_326 : memref<1x4096xf32, #tpu.memory_space<hbm>>) target_semaphore(%arg17 : memref<!tpu.dma_semaphore, #tpu.memory_space<semaphore_mem>>)
      %lt3A_327 = arith.constant 22 : i32
      %lt3A_328 = arith.cmpi slt, %add3A_231, %lt3A_327 : i32
      %convert_element_type3A_329 = arith.extui %lt3A_328 : i1 to i32
      %cond3A_330 = arith.constant 0 : i32
      %cond3A_331 = arith.cmpi ne, %convert_element_type3A_329, %cond3A_330 : i32
      scf.if %cond3A_331 {
        %add3A_332 = arith.constant 4 : i32
        %add3A_333 = arith.addi %add3A_284, %add3A_332 : i32
        %dma_start3A_334 = arith.constant 0 : i32
        %dma_start3A_335 = arith.constant 0 : i32
        %dma_start3A_336 = tpu.memref_slice %arg7[%dma_start3A_334, %dma_start3A_335] : memref<1x16512xf32, #tpu.memory_space<vmem>> -> memref<1x16384xf32, #tpu.memory_space<vmem>>
        %dma_start3A_337 = arith.constant 0 : i32
        %dma_start3A_338 = tpu.memref_slice %arg2[%add3A_333, %dma_start3A_337] : memref<1536x16384xf32, #tpu.memory_space<hbm>> -> memref<1x16384xf32, #tpu.memory_space<hbm>>
        %dma_start3A_339 = arith.constant 0 : i32
        %dma_start3A_340 = arith.constant 0 : i32
        %dma_start3A_341 = tpu.memref_slice %arg7[%dma_start3A_339, %dma_start3A_340] : memref<1x16512xf32, #tpu.memory_space<vmem>> -> memref<1x16384xf32, #tpu.memory_space<vmem>>
        %dma_start3A_342 = arith.constant 0 : i32
        %dma_start3A_343 = tpu.memref_slice %arg2[%add3A_333, %dma_start3A_342] : memref<1536x16384xf32, #tpu.memory_space<hbm>> -> memref<1x16384xf32, #tpu.memory_space<hbm>>
        tpu.enqueue_dma source(%dma_start3A_343 : memref<1x16384xf32, #tpu.memory_space<hbm>>) target(%dma_start3A_341 : memref<1x16384xf32, #tpu.memory_space<vmem>>) target_semaphore(%arg15 : memref<!tpu.dma_semaphore, #tpu.memory_space<semaphore_mem>>)
        %add3A_344 = arith.constant 1 : i32
        %add3A_345 = arith.addi %add3A_333, %add3A_344 : i32
        %dma_start3A_346 = arith.constant 0 : i32
        %dma_start3A_347 = arith.constant 0 : i32
        %dma_start3A_348 = tpu.memref_slice %arg8[%dma_start3A_346, %dma_start3A_347] : memref<1x16512xf32, #tpu.memory_space<vmem>> -> memref<1x16384xf32, #tpu.memory_space<vmem>>
        %dma_start3A_349 = arith.constant 0 : i32
        %dma_start3A_350 = tpu.memref_slice %arg2[%add3A_345, %dma_start3A_349] : memref<1536x16384xf32, #tpu.memory_space<hbm>> -> memref<1x16384xf32, #tpu.memory_space<hbm>>
        %dma_start3A_351 = arith.constant 0 : i32
        %dma_start3A_352 = arith.constant 0 : i32
        %dma_start3A_353 = tpu.memref_slice %arg8[%dma_start3A_351, %dma_start3A_352] : memref<1x16512xf32, #tpu.memory_space<vmem>> -> memref<1x16384xf32, #tpu.memory_space<vmem>>
        %dma_start3A_354 = arith.constant 0 : i32
        %dma_start3A_355 = tpu.memref_slice %arg2[%add3A_345, %dma_start3A_354] : memref<1536x16384xf32, #tpu.memory_space<hbm>> -> memref<1x16384xf32, #tpu.memory_space<hbm>>
        tpu.enqueue_dma source(%dma_start3A_355 : memref<1x16384xf32, #tpu.memory_space<hbm>>) target(%dma_start3A_353 : memref<1x16384xf32, #tpu.memory_space<vmem>>) target_semaphore(%arg15 : memref<!tpu.dma_semaphore, #tpu.memory_space<semaphore_mem>>)
      } else {
      }
    }
    %scan3A_210 = arith.constant 12 : i32
    %dma_wait3A_211 = arith.constant 0 : i32
    %dma_wait3A_212 = tpu.memref_slice %arg5[%mul3A_2, %dma_wait3A_211] : memref<1536x4096xf32, #tpu.memory_space<hbm>> -> memref<1x4096xf32, #tpu.memory_space<hbm>>
    %dma_wait3A_213 = arith.constant 0 : i32
    %dma_wait3A_214 = tpu.memref_slice %arg5[%mul3A_2, %dma_wait3A_213] : memref<1536x4096xf32, #tpu.memory_space<hbm>> -> memref<1x4096xf32, #tpu.memory_space<hbm>>
    tpu.wait_dma2 semaphore(%arg18 : memref<!tpu.dma_semaphore, #tpu.memory_space<semaphore_mem>>) src(%arg13 : memref<1x4096xf32, #tpu.memory_space<vmem>>) dst(%dma_wait3A_214 : memref<1x4096xf32, #tpu.memory_space<hbm>>)
    %dma_wait3A_215 = arith.constant 0 : i32
    %dma_wait3A_216 = tpu.memref_slice %arg5[%mul3A_2, %dma_wait3A_215] : memref<1536x4096xf32, #tpu.memory_space<hbm>> -> memref<1x4096xf32, #tpu.memory_space<hbm>>
    %dma_wait3A_217 = arith.constant 0 : i32
    %dma_wait3A_218 = tpu.memref_slice %arg5[%mul3A_2, %dma_wait3A_217] : memref<1536x4096xf32, #tpu.memory_space<hbm>> -> memref<1x4096xf32, #tpu.memory_space<hbm>>
    tpu.wait_dma2 semaphore(%arg18 : memref<!tpu.dma_semaphore, #tpu.memory_space<semaphore_mem>>) src(%arg14 : memref<1x4096xf32, #tpu.memory_space<vmem>>) dst(%dma_wait3A_218 : memref<1x4096xf32, #tpu.memory_space<hbm>>)
    %dma_wait3A_219 = arith.constant 0 : i32
    %dma_wait3A_220 = tpu.memref_slice %arg5[%mul3A_2, %dma_wait3A_219] : memref<1536x4096xf32, #tpu.memory_space<hbm>> -> memref<1x4096xf32, #tpu.memory_space<hbm>>
    %dma_wait3A_221 = arith.constant 0 : i32
    %dma_wait3A_222 = tpu.memref_slice %arg5[%mul3A_2, %dma_wait3A_221] : memref<1536x4096xf32, #tpu.memory_space<hbm>> -> memref<1x4096xf32, #tpu.memory_space<hbm>>
    tpu.wait_dma2 semaphore(%arg17 : memref<!tpu.dma_semaphore, #tpu.memory_space<semaphore_mem>>) src(%arg11 : memref<1x4096xf32, #tpu.memory_space<vmem>>) dst(%dma_wait3A_222 : memref<1x4096xf32, #tpu.memory_space<hbm>>)
    %dma_wait3A_223 = arith.constant 0 : i32
    %dma_wait3A_224 = tpu.memref_slice %arg5[%mul3A_2, %dma_wait3A_223] : memref<1536x4096xf32, #tpu.memory_space<hbm>> -> memref<1x4096xf32, #tpu.memory_space<hbm>>
    %dma_wait3A_225 = arith.constant 0 : i32
    %dma_wait3A_226 = tpu.memref_slice %arg5[%mul3A_2, %dma_wait3A_225] : memref<1536x4096xf32, #tpu.memory_space<hbm>> -> memref<1x4096xf32, #tpu.memory_space<hbm>>
    tpu.wait_dma2 semaphore(%arg17 : memref<!tpu.dma_semaphore, #tpu.memory_space<semaphore_mem>>) src(%arg12 : memref<1x4096xf32, #tpu.memory_space<vmem>>) dst(%dma_wait3A_226 : memref<1x4096xf32, #tpu.memory_space<hbm>>)
    return
  }
}

</mosaic_0001>

<sc_bundles>
// kernel: _pool.3.cloned.1.call-start
scs
__scs_entry_jumppad:
0x0: {  	(pc) =	sbr.rel $0x88, $3  }
0x1: {  	(tag) =	ssettag $0x0;
	lr =	simm.s32 $0x1  }
0x2: {  	[smem:$0x3F9E] =	sst lr;
	_ =	strace $0xD0000000  }
0x3: {  	_ = 	snop  }
0x4: {  	_ = 	snop  }
0x5: {  	_ = 	snop  }
0x6: {  	_ = 	snop  }
0x7: {  	_ = 	snop  }
__scs_overlays_trampoline_lowered:
0x8: {  	[smem:$0x3FAD] =	sst s0  }
0x9: {  	[smem:$0x3FAE] =	sst s1  }
0xa: {  	[smem:$0x3FAF] =	sst s2  }
0xb: {  	[smem:$0x3FB0] =	sst s3  }
0xc: {  	[smem:$0x3FB1] =	sst s4  }
0xd: {  	[smem:$0x3FB2] =	sst s5  }
0xe: {  	[smem:$0x3FB3] =	sst s6  }
0xf: {  	[smem:$0x3FB4] =	sst s7  }
0x10: {  	[smem:$0x3FB5] =	sst s8  }
0x11: {  	[smem:$0x3FB6] =	sst s9;
	s0 =	simm.s32 @!p0 $0x0  }
0x12: {  	s1 =	sld [smem:$0x3F9C];
	s0 =	simm.s32 @p0 $0x1  }
0x13: {  	[smem:$0x3FB7] =	sst s0;
	s0 =	simm.s32 @!p1 $0x0  }
0x14: {  	s2 =	sld [smem:$0x3F9B];
	s0 =	simm.s32 @p1 $0x1  }
0x15: {  	[smem:$0x3FB8] =	sst s0;
	s0 =	simm.s32 @!p2 $0x0  }
0x16: {  	s3 =	sld [smem:$0x3FDB];
	s0 =	simm.s32 @p2 $0x1  }
0x17: {  	s4 =	simm.s32 $0x1BF5;
	[smem:$0x3FBA] =	sst s0  }
0x18: {  	s0 =	sld [smem:$0x3F9D];
	_ =	swait.ge [sflag:s4], $0x0  }
0x19: {  	s7 =	sld [smem:$0x3F9E]  }
0x1a: {  	s8 =	sadd.s32 $0xFFFFE003, lr  }
0x1b: {  	s9 =	sadd.s32 $0xFFFFFEF7, lr;
	s5 =	simm.s32 $0xFFFFFFFF;
	p2 =	slt.u32 s8, $0xFFFFF086  }
0x1c: {  	p1 =	slt.u32 s9, $0xF7A;
	s5 =	simm.s32 @!p2 $0x0  }
0x1d: {  	s5 =	simm.s32 @p1 $0x1;
	p0 =	seq.s32 s7, s2  }
0x1e: {  	s7 =	smul.u32 @!p0 $0xF7A, s2;
	p2 =	seq.s32 @!p0 s5, $0x0  }
0x1f: {  	s9 =	smul.u32 $0xF7A, s1;
	s8 =	simm.s32 @!p0 $0x1BF5;
	p2 =	por !p2, p0  }
0x20: {  	[sflag:s8] =	ssyncset.s32 @!p0 $0xFFFFF086;
	s6 =	sadd.s32 @!p0 s3, s7;
	s7 =	simm.s32 @!p0 $0x108  }
0x21: {  	s3 =	sadd.s32 s3, s9;
	s6 =	sadd.s32 @!p0 $0x88, s6;
	s7 =	simm.s32 @p2 $0x1082  }
0x22: {  	[simem:s7], [sflag:s8] =	dma.local @!p0 [hbm:s6], $0xF7A  }
0x23: {  	s9 =	sor.u32 $0xD0000000, s2;
	s6 =	simm.s32 $0x108;
	_ =	swait.ge @!p0 [sflag:s8], $0x0  }
0x24: {  	s3 =	sadd.s32 $0x88, s3;
	s6 =	simm.s32 @!p1 $0x1082;
	[sflag:s4] =	ssyncset.s32 $0xFFFFF086  }
0x25: {  	[simem:s6], [sflag:s4] =	dma.local [hbm:s3], $0xF7A  }
0x26: {  	[smem:$0x3F9E] =	sst s1;
	(tag) =	ssettag s2;
	_ =	strace s9  }
0x27: {  	s1 =	sld [smem:$0x3FAE]  }
0x28: {  	s2 =	sld [smem:$0x3FAF]  }
0x29: {  	s4 =	sld [smem:$0x3FB1]  }
0x2a: {  	p0 =	seq.s32 s5, $0x0;
	s5 =	sld [smem:$0x3FB2]  }
0x2b: {  	s6 =	sld [smem:$0x3FB3]  }
0x2c: {  	s7 =	sld [smem:$0x3FB4]  }
0x2d: {  	s3 =	simm.s32 $0x108;
	s8 =	sld [smem:$0x3FB5]  }
0x2e: {  	s3 =	simm.s32 @!p0 $0x1082;
	s9 =	sld [smem:$0x3FB6]  }
0x2f: {  	lr =	sadd.s32 s0, s3;
	s0 =	sld [smem:$0x3FAD]  }
0x30: {  	s3 =	sld [smem:$0x3FB0]  }
0x31: {  	[smem:$0x3FB9] =	sst s10  }
0x32: {  	s10 =	sld [smem:$0x3FB7];
	_ =	sdelay $0x3  }
0x33: {  	p0 =	seq.s32 s10, $0x1;
	s10 =	sld [smem:$0x3FB9];
	_ =	sdelay $0x3  }
0x34: {  	[smem:$0x3FB9] =	sst s10  }
0x35: {  	s10 =	sld [smem:$0x3FB8];
	_ =	sdelay $0x3  }
0x36: {  	p1 =	seq.s32 s10, $0x1;
	s10 =	sld [smem:$0x3FB9];
	_ =	sdelay $0x3  }
0x37: {  	[smem:$0x3FB9] =	sst s10  }
0x38: {  	s10 =	sld [smem:$0x3FBA]  }
0x39: {  	_ = 	snop;
	(pc) =	sbr.ind lr, $3  }
0x3a: {  	_ = 	snop  }
0x3b: {  	_ = 	snop  }
0x3c: {  	p2 =	seq.s32 s10, $0x1;
	s10 =	sld [smem:$0x3FB9]  }
0x3d: {  	_ =	shalt  }
0x3e: {  	_ =	shalt  }
0x3f: {  	_ =	shalt  }
0x40: {  	_ =	shalt  }
0x41: {  	_ =	shalt  }
0x42: {  	_ =	shalt  }
0x43: {  	_ =	shalt  }
0x44: {  	_ =	shalt  }
0x45: {  	_ =	shalt  }
0x46: {  	_ =	shalt  }
0x47: {  	_ =	shalt  }
0x48: {  	_ =	shalt  }
0x49: {  	_ =	shalt  }
0x4a: {  	_ =	shalt  }
0x4b: {  	_ =	shalt  }
0x4c: {  	_ =	shalt  }
0x4d: {  	_ =	shalt  }
0x4e: {  	_ =	shalt  }
0x4f: {  	_ =	shalt  }
0x50: {  	_ =	shalt  }
0x51: {  	_ =	shalt  }
0x52: {  	_ =	shalt  }
0x53: {  	_ =	shalt  }
0x54: {  	_ =	shalt  }
0x55: {  	_ =	shalt  }
0x56: {  	_ =	shalt  }
0x57: {  	_ =	shalt  }
0x58: {  	_ =	shalt  }
0x59: {  	_ =	shalt  }
0x5a: {  	_ =	shalt  }
0x5b: {  	_ =	shalt  }
0x5c: {  	_ =	shalt  }
0x5d: {  	_ =	shalt  }
0x5e: {  	_ =	shalt  }
0x5f: {  	_ =	shalt  }
0x60: {  	_ =	shalt  }
0x61: {  	_ =	shalt  }
0x62: {  	_ =	shalt  }
0x63: {  	_ =	shalt  }
0x64: {  	_ =	shalt  }
0x65: {  	_ =	shalt  }
0x66: {  	_ =	shalt  }
0x67: {  	_ =	shalt  }
0x68: {  	_ =	shalt  }
0x69: {  	_ =	shalt  }
0x6a: {  	_ =	shalt  }
0x6b: {  	_ =	shalt  }
0x6c: {  	_ =	shalt  }
0x6d: {  	_ =	shalt  }
0x6e: {  	_ =	shalt  }
0x6f: {  	_ =	shalt  }
0x70: {  	_ =	shalt  }
0x71: {  	_ =	shalt  }
0x72: {  	_ =	shalt  }
0x73: {  	_ =	shalt  }
0x74: {  	_ =	shalt  }
0x75: {  	_ =	shalt  }
0x76: {  	_ =	shalt  }
0x77: {  	_ =	shalt  }
0x78: {  	_ =	shalt  }
0x79: {  	_ =	shalt  }
0x7a: {  	_ =	shalt  }
0x7b: {  	_ =	shalt  }
0x7c: {  	_ =	shalt  }
0x7d: {  	_ =	shalt  }
0x7e: {  	_ =	shalt  }
0x7f: {  	_ =	shalt  }
0x80: {  	_ =	shalt  }
0x81: {  	_ =	shalt  }
0x82: {  	_ =	shalt  }
0x83: {  	_ =	shalt  }
0x84: {  	_ =	shalt  }
0x85: {  	_ =	shalt  }
0x86: {  	_ =	shalt  }
0x87: {  	_ =	shalt  }
.Lfunc_end0:
.L_simem_size_0:
called_computation_lowered:
.L_overlay_start_0:
0x88: {  	s2 =	sld [smem:$0x3FD9]  }
0x89: {  	s3 =	sld [smem:$0x3FFE];
	_ =	sdelay $0x1  }
0x8a: {  	s1 =	srdreg.scid  }
0x8b: {  	s0 =	sand.u32 $0x1, s1  }
0x8c: {  	s18 =	sshll.u32 s0, $0xA;
	s2 =	sadd.s32 s3, s2  }
0x8d: {  	s2 =	sadd.s32 s2, s18  }
0x8e: {  	[smem:$0x3FC5] =	sst s2  }
0x8f: {  	_ = 	snop  }
0x90: {  	s2 =	sld [smem:$0x3FC9]  }
0x91: {  	s19 =	sld [smem:$0x3FC8]  }
0x92: {  	s4 =	sld [smem:$0x3FC7]  }
0x93: {  	s5 =	sld [smem:$0x3FD0];
	(tm) =	ssettm $0x1  }
0x94: {  	s6 =	sld [smem:$0x3FFB];
	_ =	sdelay $0x3  }
0x95: {  	_ =	strace s6  }
0x96: {  	s6 =	sld [smem:$0x3FFC];
	_ =	sdelay $0x3  }
0x97: {  	_ =	strace s6  }
0x98: {  	s6 =	sld [smem:$0x3FFD];
	_ =	sdelay $0x3  }
0x99: {  	_ =	strace s6  }
0x9a: {  	_ =	strace $0x8FFFFFFF  }
0x9b: {  	s20 =	sld [smem:$0x3FDB];
	_ =	sdelay $0x1  }
0x9c: {  	s7 =	simm.s32 $_scs_section_size  }
0x9d: {  	s8 =	simm.s32 $_size__tile_overlayer_lowered;
	s9 =	simm.s32 $_tile_overlayer_lowered  }
0x9e: {  	s23 =	simm.s32 $0x1BFF;
	s22 =	sshll.u32 s9, $0x1;
	s6 =	sadd.s32 s7, s20  }
0x9f: {  	s10 =	simm.s32 $0x0;
	s21 =	sshll.u32 s8, $0x1;
	s8 =	sadd.s32 s22, s6  }
0xa0: {  	[timem:s10], [sflag:s23] =	dma.local [hbm:s8], s21  }
0xa1: {  	_ =	swait.ge [sflag:s23], s21  }
0xa2: {  	s7 =	ssub.s32 $0x0, s21;
	[sflag:s23] =	ssyncset.done $0x0  }
0xa3: {  	[sflag:s23] =	ssyncadd.s32 s7;
	_ =	sdelay $0x1  }
0xa4: {  	s24 =	simm.s32 $0x1B8B  }
0xa5: {  	_ =	swait.ge [sflag:s24], $0x1  }
0xa6: {  	[sflag:s24] =	ssyncset.done $0x0  }
0xa7: {  	s25 =	simm.s32 $0x1B8E;
	[sflag:s24] =	ssyncadd.s32 $0xFFFFFFFF  }
0xa8: {  	s26 =	simm.s32 $execute0_lowered;
	[smem:$0x3FD2] =	sst s25  }
0xa9: {  	s7 =	sshll.u32 s26, $0x1;
	_ =	strace $0x80000046;
	[dreg:$0x1] =	wrdreg $0xFFFFFFFF  }
0xaa: {  	s28 =	simm.s32 $_size_execute0_lowered;
	s6 =	sadd.s32 s6, s7;
	[dreg:$0x0] =	wrdreg $0x0  }
0xab: {  	s7 =	sshll.u32 s28, $0x1;
	[dreg:$0x2] =	wrdreg s6  }
0xac: {  	[dreg:$0x3] =	wrdreg s7  }
0xad: {  	[dreg:$0x4] =	wrdreg $0xC0  }
0xae: {  	_ =	task [dreg:s10], $0x5FFFF  }
0xaf: {  	[dreg:$0x1] =	wrdreg $0xFFFFFFFF  }
0xb0: {  	[dreg:$0x0] =	wrdreg $0x60  }
0xb1: {  	[dreg:$0x2] =	wrdreg s2  }
0xb2: {  	[dreg:$0x3] =	wrdreg s19  }
0xb3: {  	[dreg:$0x4] =	wrdreg s4  }
0xb4: {  	[dreg:$0x5] =	wrdreg s5  }
0xb5: {  	[dreg:$0x6] =	wrdreg $0x9  }
0xb6: {  	_ =	task.clear_ibuf [dreg:s10], $0x7FFFF;
	_ =	strace $0x90000046  }
0xb7: {  	s29 =	simm.s32 $0x9;
	_ =	strace $0x80000048  }
0xb8: {  	_ =	swait.ge [sflag:s29], $0x1  }
0xb9: {  	[sflag:s29] =	ssyncadd.s32 $0xFFFFFFFF  }
0xba: {  	_ =	strace $0x90000048  }
0xbb: {  	_ =	sfence  }
0xbc: {  	s30 =	sld [smem:$0x0];
	_ =	sdelay $0x2  }
0xbd: {  	s31 =	sshll.u32 s1, $0xD;
	s1 =	sshrl.u32 s1, $0x2  }
0xbe: {  	s3 =	sand.u32 $0x4000, s31;
	s1 =	sadd.s32 s1, s30  }
0xbf: {  	s0 =	sor.u32 s3, s0;
	s1 =	sshll.u32 s1, $0x11  }
0xc0: {  	s0 =	sor.u32 s1, s0  }
0xc1: {  	s0 =	sadd.s32 $0x8F2B, s0  }
0xc2: {  	[sflag:s0] =	ssyncadd.remote.s32 $0x1  }
0xc3: {  	_ =	sfence.sel $0xFFFF  }
0xc4: {  	[dreg:$0x0] =	wrdreg $0xFFFFFFFF;
	(pc) =	sbr.abs _section_cstart, $3  }
0xc5: {  	[dreg:$0x1] =	wrdreg $0xFFFFFFFF  }
0xc6: {  	_ =	task.clear_ibuf [dreg:s10], $0x2FFFF;
	_ =	strace $0x9FFFFFFF  }
0xc7: {  	(tm) =	ssettm $0x7FFFFFFF  }
tec
execute0_lowered:
.L_overlay_start_1:
0x0: {  	(tag) =	ssettag $0x1  }
0x1: {  	s1 =	rddreg [dreg:$0x0]  }
0x2: {  	s6 =	rddreg [dreg:$0x1]  }
0x3: {  	s7 =	rddreg [dreg:$0x2]  }
0x4: {  	s0 =	srdreg.scid;
	s2 =	stileid.u32  }
0x5: {  	s5 =	rddreg [dreg:$0x3];
	s9 =	simm.s32 $0x0;
	s17 =	simm.s32 $0x80  }
0x6: {  	s18 =	simm.s32 $0x400;
	s19 =	simm.s32 $0xC900;
	s20 =	simm.s32 $0x10980  }
0x7: {  	s28 =	simm.s32 $0x14A00;
	s29 =	simm.s32 $0x15A00;
	s31 =	simm.s32 $0x3  }
0x8: {  	s0 =	sand.u32 $0x1, s0;
	[smem:$0x7FF] =	sst s9;
	s22 =	sadd.s32 $0x600, s6  }
0x9: {  	s23 =	sadd.s32 $0x600, s7;
	_ =	strace $0x80000047;
	[dreg:$0x7] =	wrdreg s22  }
0xa: {  	s2 =	sshll.u32 s2, $0x1;
	s24 =	sadd.s32 $0xC00, s6;
	[dreg:$0x8] =	wrdreg s23  }
0xb: {  	s25 =	sadd.s32 $0xC00, s7;
	s2 =	sor.u32 s0, s2;
	[dreg:$0x9] =	wrdreg s24  }
0xc: {  	s0 =	ssub.s32 $0x2, s0;
	[dreg:$0xa] =	wrdreg s25;
	s3 =	smul.u32 $0x18000, s2  }
0xd: {  	s22 =	simm.s32 $0x8880;
	s23 =	simm.s32 $0x1;
	s4 =	sshrl.u32 s0, $0x1  }
0xe: {  	s24 =	simm.s32 $0x2;
	s0 =	ssub.s32 s0, s4;
	s3 =	sadd.s32 s1, s3  }
.Ltmp0:
0xf: {  	s0 =	smax.u32 s0, $0x1;
	[dreg:$0x5] =	wrdreg s3;
	(pc) =	sbr.rel .LBB2_1-.Ltmp0, $4  }
0x10: {  	s25 =	simm.s32 $0x16A00;
	s21 =	sadd.s32 $0x10, s3;
	[dreg:$0xd] =	wrdreg s0  }
0x11: {  	s8 =	smul.u32 $0x30, s2;
	s26 =	sadd.s32 $0x20, s3;
	[dreg:$0x6] =	wrdreg s21  }
0x12: {  	s30 =	sadd.s32 $0x30, s3;
	s3 =	simm.s32 $0x0;
	[dreg:$0xb] =	wrdreg s26  }
0x13: {  	v0 =	vimm.f32 $0.0e+00;
	[dreg:$0xc] =	wrdreg s30;
	s21 =	simm.s32 $0x4800;
	s26 =	simm.s32 $0x17A00  }
.LBB2_14:
0x14: {  	s0 =	simm.s32 $0x4  }
0x15: {  	_ =	swait.ge [sflag:s0], $0x1000  }
0x16: {  	[sflag:s0] =	ssyncset.done $0x0  }
0x17: {  	[sflag:s0] =	ssyncadd.s32 $0xFFFFF000  }
0x18: {  	_ =	swait.ge [sflag:s0], $0x1000  }
0x19: {  	[sflag:s0] =	ssyncset.done $0x0  }
0x1a: {  	[sflag:s0] =	ssyncadd.s32 $0xFFFFF000  }
0x1b: {  	_ =	swait.ge [sflag:s31], $0x1000  }
0x1c: {  	[sflag:s31] =	ssyncset.done $0x0  }
0x1d: {  	[sflag:s31] =	ssyncadd.s32 $0xFFFFF000  }
0x1e: {  	_ =	swait.ge [sflag:s31], $0x1000  }
0x1f: {  	s3 =	sadd.s32 $0x1, s3;
	s30 =	rddreg [dreg:$0xd]  }
0x20: {  	p0 =	sne.s32 s3, s30  }
.Ltmp1:
0x21: {  	_ = 	snop;
	(pc) =	sbr.rel @!p0 .LBB2_15-.Ltmp1, $3  }
0x22: {  	_ =	sdelay $0x1  }
0x23: {  	[sflag:s31] =	ssyncset.done $0x0  }
0x24: {  	s9 =	simm.s32 $0x0;
	[sflag:s31] =	ssyncadd.s32 $0xFFFFF000  }
.LBB2_1:
0x25: {  	s0 =	rddreg [dreg:$0x5]  }
0x26: {  	[tilespmem:s19], [sflag:$0x2] =	stream.strided.gather [hbm4b:s0+s17], $0x4000, s18, s17, $0x38;
	[tilespmem:$0x18A00] =	vst v63  }
0x27: {  	s14 =	rddreg [dreg:$0x6]  }
0x28: {  	[tilespmem:s20], [sflag:$0x2] =	stream.strided.gather [hbm4b:s14+s17], $0x4000, s18, s17, $0x38;
	[tilespmem:$0x18A00] =	vst v63  }
0x29: {  	s15 =	rddreg [dreg:$0x1]  }
0x2a: {  	[tilespmem:s21], [sflag:$0x1] =	stream.linear.gather [hbm4b:s15+s9], $0x3000, $0x38;
	[tilespmem:$0x18A00] =	vst v63  }
0x2b: {  	s16 =	rddreg [dreg:$0x2]  }
0x2c: {  	[tilespmem:s22], [sflag:$0x1] =	stream.linear.gather [hbm4b:s16+s9], $0x3000, $0x38;
	[tilespmem:$0x18A00] =	vst v63  }
0x2d: {  	_ =	swait.ge [sflag:s23], $0x3000  }
0x2e: {  	[sflag:s23] =	ssyncset.done $0x0  }
0x2f: {  	[sflag:s23] =	ssyncadd.s32 $0xFFFFD000  }
0x30: {  	_ =	swait.ge [sflag:s23], $0x3000  }
0x31: {  	[sflag:s23] =	ssyncset.done $0x0  }
0x32: {  	s30 =	simm.s32 $0x4820;
	[sflag:s23] =	ssyncadd.s32 $0xFFFFD000  }
0x33: {  	s2 =	simm.s32 $0x88A0;
	v2 =	vld [tilespmem:s30+$0x0]  }
0x34: {  	v3 =	vld [tilespmem:s2+$0x0]  }
0x35: {  	v4 =	vld [tilespmem:s2+$0x10]  }
0x36: {  	v5 =	vld [tilespmem:s30+$0x10]  }
0x37: {  	v6 =	vld [tilespmem:s2+$0xFFFFFFE0]  }
0x38: {  	v7 =	vld [tilespmem:s2+$0xFFFFFFF0]  }
0x39: {  	v8 =	vld [tilespmem:s30+$0xFFFFFFF0]  }
0x3a: {  	s6 =	simm.s32 $0x4860;
	v9 =	vld [tilespmem:s30+$0xFFFFFFE0]  }
0x3b: {  	s0 =	simm.s32 $0x88E0;
	v1 =	vld [tilespmem:s6+$0x0]  }
0x3c: {  	v10 =	vld [tilespmem:s0+$0x0]  }
0x3d: {  	v11 =	vld [tilespmem:s0+$0x10];
	vm0 =	vgt.f32 v3, $0.0e+00  }
0x3e: {  	vm1 =	vgt.f32 v4, $0.0e+00;
	v3 =	vnsel vm0, $0x4000, v2;
	v2 =	vld [tilespmem:s6+$0x10]  }
0x3f: {  	v4 =	vld [tilespmem:s0+$0xFFFFFFE0];
	vm0 =	vgt.f32 v6, $0.0e+00;
	v5 =	vnsel vm1, $0x4000, v5;
	vm1 =	vgt.f32 v7, $0.0e+00  }
0x40: {  	s2 =	simm.s32 $0x10;
	v3 =	vpack.i.b32.b16 v5, v3;
	v6 =	vnsel vm1, $0x4000, v8;
	v7 =	vnsel vm0, $0x4000, v9;
	v5 =	vld [tilespmem:s0+$0xFFFFFFF0]  }
0x41: {  	[tilespmem:s2+$0x0] =	vst v3;
	v6 =	vpack.i.b32.b16 v6, v7;
	v3 =	vld [tilespmem:s6+$0xFFFFFFF0]  }
0x42: {  	s4 =	simm.s32 $0x2;
	vm1 =	vgt.f32 v10, $0.0e+00;
	vm0 =	vgt.f32 v11, $0.0e+00;
	[tilespmem:s2+$0xFFFFFFF0] =	vst v6;
	v6 =	vld [tilespmem:s6+$0xFFFFFFE0];
	s6 =	simm.s32 $0x48A0  }
.LBB2_2:
0x43: {  	v7 =	vnsel vm1, $0x4000, v1;
	v1 =	vld [tilespmem:s6+$0x0];
	v2 =	vnsel vm0, $0x4000, v2;
	s0 =	sadd.s32 $0x40, s0  }
0x44: {  	s2 =	sadd.s32 $0x20, s2;
	s4 =	sadd.s32 $0x2, s4;
	v8 =	vld [tilespmem:s0+$0x0];
	vm0 =	vgt.f32 v4, $0.0e+00;
	v2 =	vpack.i.b32.b16 v2, v7  }
0x45: {  	p0 =	slt.u32 s4, $0x17E;
	v7 =	vld [tilespmem:s0+$0x10];
	vm1 =	vgt.f32 v5, $0.0e+00;
	[tilespmem:s2+$0x0] =	vst v2  }
.Ltmp2:
0x46: {  	v2 =	vld [tilespmem:s6+$0x10];
	v3 =	vnsel vm1, $0x4000, v3;
	(pc) =	sbr.rel @p0 .LBB2_2-.Ltmp2, $4  }
0x47: {  	v4 =	vld [tilespmem:s0+$0xFFFFFFE0];
	v6 =	vnsel vm0, $0x4000, v6  }
0x48: {  	v5 =	vld [tilespmem:s0+$0xFFFFFFF0];
	v6 =	vpack.i.b32.b16 v3, v6  }
0x49: {  	v3 =	vld [tilespmem:s6+$0xFFFFFFF0];
	[tilespmem:s2+$0xFFFFFFF0] =	vst v6  }
0x4a: {  	vm1 =	vgt.f32 v8, $0.0e+00;
	v6 =	vld [tilespmem:s6+$0xFFFFFFE0];
	vm0 =	vgt.f32 v7, $0.0e+00;
	s6 =	sadd.s32 $0x40, s6  }
0x4b: {  	_ =	sdelay $0x1  }
0x4c: {  	v1 =	vnsel vm1, $0x4000, v1  }
0x4d: {  	v2 =	vnsel vm0, $0x4000, v2;
	vm0 =	vgt.f32 v4, $0.0e+00;
	vm1 =	vgt.f32 v5, $0.0e+00  }
0x4e: {  	s0 =	sadd.s32 $0x20, s2;
	v1 =	vpack.i.b32.b16 v2, v1;
	v2 =	vnsel vm1, $0x4000, v3;
	v3 =	vnsel vm0, $0x4000, v6  }
0x4f: {  	[tilespmem:s0+$0x0] =	vst v1;
	v1 =	vpack.i.b32.b16 v2, v3  }
0x50: {  	[tilespmem:s0+$0xFFFFFFF0] =	vst v1  }
0x51: {  	s0 =	rddreg [dreg:$0x7]  }
0x52: {  	[tilespmem:s21], [sflag:$0x1] =	stream.linear.gather [hbm4b:s0+s9], $0x3000, $0x38;
	[tilespmem:$0x18A00] =	vst v63  }
0x53: {  	s15 =	rddreg [dreg:$0x8]  }
0x54: {  	[tilespmem:s22], [sflag:$0x1] =	stream.linear.gather [hbm4b:s15+s9], $0x3000, $0x38;
	[tilespmem:$0x18A00] =	vst v63  }
0x55: {  	_ =	swait.ge [sflag:s23], $0x3000  }
0x56: {  	[sflag:s23] =	ssyncset.done $0x0  }
0x57: {  	[sflag:s23] =	ssyncadd.s32 $0xFFFFD000  }
0x58: {  	_ =	swait.ge [sflag:s23], $0x3000  }
0x59: {  	[sflag:s23] =	ssyncset.done $0x0  }
0x5a: {  	s16 =	simm.s32 $0x4820;
	[sflag:s23] =	ssyncadd.s32 $0xFFFFD000  }
0x5b: {  	s30 =	simm.s32 $0x88A0;
	v2 =	vld [tilespmem:s16+$0x0]  }
0x5c: {  	v3 =	vld [tilespmem:s30+$0x0]  }
0x5d: {  	v4 =	vld [tilespmem:s30+$0x10]  }
0x5e: {  	v5 =	vld [tilespmem:s16+$0x10]  }
0x5f: {  	v6 =	vld [tilespmem:s30+$0xFFFFFFE0]  }
0x60: {  	v7 =	vld [tilespmem:s30+$0xFFFFFFF0]  }
0x61: {  	v8 =	vld [tilespmem:s16+$0xFFFFFFF0]  }
0x62: {  	s6 =	simm.s32 $0x4860;
	v9 =	vld [tilespmem:s16+$0xFFFFFFE0]  }
0x63: {  	s0 =	simm.s32 $0x88E0;
	v1 =	vld [tilespmem:s6+$0x0]  }
0x64: {  	v10 =	vld [tilespmem:s0+$0x0]  }
0x65: {  	v11 =	vld [tilespmem:s0+$0x10];
	vm0 =	vgt.f32 v3, $0.0e+00  }
0x66: {  	vm1 =	vgt.f32 v4, $0.0e+00;
	v3 =	vnsel vm0, $0x4000, v2;
	v2 =	vld [tilespmem:s6+$0x10]  }
0x67: {  	v4 =	vld [tilespmem:s0+$0xFFFFFFE0];
	vm0 =	vgt.f32 v6, $0.0e+00;
	v5 =	vnsel vm1, $0x4000, v5;
	vm1 =	vgt.f32 v7, $0.0e+00  }
0x68: {  	s2 =	simm.s32 $0x1810;
	v3 =	vpack.i.b32.b16 v5, v3;
	v6 =	vnsel vm1, $0x4000, v8;
	v7 =	vnsel vm0, $0x4000, v9;
	v5 =	vld [tilespmem:s0+$0xFFFFFFF0]  }
0x69: {  	[tilespmem:s2+$0x0] =	vst v3;
	v6 =	vpack.i.b32.b16 v6, v7;
	v3 =	vld [tilespmem:s6+$0xFFFFFFF0]  }
0x6a: {  	s4 =	simm.s32 $0x2;
	vm1 =	vgt.f32 v10, $0.0e+00;
	vm0 =	vgt.f32 v11, $0.0e+00;
	[tilespmem:s2+$0xFFFFFFF0] =	vst v6;
	v6 =	vld [tilespmem:s6+$0xFFFFFFE0];
	s6 =	simm.s32 $0x48A0  }
.LBB2_4:
0x6b: {  	v7 =	vnsel vm1, $0x4000, v1;
	v1 =	vld [tilespmem:s6+$0x0];
	v2 =	vnsel vm0, $0x4000, v2;
	s0 =	sadd.s32 $0x40, s0  }
0x6c: {  	s2 =	sadd.s32 $0x20, s2;
	s4 =	sadd.s32 $0x2, s4;
	v8 =	vld [tilespmem:s0+$0x0];
	vm0 =	vgt.f32 v4, $0.0e+00;
	v2 =	vpack.i.b32.b16 v2, v7  }
0x6d: {  	p0 =	slt.u32 s4, $0x17E;
	v7 =	vld [tilespmem:s0+$0x10];
	vm1 =	vgt.f32 v5, $0.0e+00;
	[tilespmem:s2+$0x0] =	vst v2  }
.Ltmp3:
0x6e: {  	v2 =	vld [tilespmem:s6+$0x10];
	v3 =	vnsel vm1, $0x4000, v3;
	(pc) =	sbr.rel @p0 .LBB2_4-.Ltmp3, $4  }
0x6f: {  	v4 =	vld [tilespmem:s0+$0xFFFFFFE0];
	v6 =	vnsel vm0, $0x4000, v6  }
0x70: {  	v5 =	vld [tilespmem:s0+$0xFFFFFFF0];
	v6 =	vpack.i.b32.b16 v3, v6  }
0x71: {  	v3 =	vld [tilespmem:s6+$0xFFFFFFF0];
	[tilespmem:s2+$0xFFFFFFF0] =	vst v6  }
0x72: {  	vm1 =	vgt.f32 v8, $0.0e+00;
	v6 =	vld [tilespmem:s6+$0xFFFFFFE0];
	vm0 =	vgt.f32 v7, $0.0e+00;
	s6 =	sadd.s32 $0x40, s6  }
0x73: {  	_ =	sdelay $0x1  }
0x74: {  	v1 =	vnsel vm1, $0x4000, v1  }
0x75: {  	v2 =	vnsel vm0, $0x4000, v2;
	vm0 =	vgt.f32 v4, $0.0e+00;
	vm1 =	vgt.f32 v5, $0.0e+00  }
0x76: {  	s0 =	sadd.s32 $0x20, s2;
	v1 =	vpack.i.b32.b16 v2, v1;
	v2 =	vnsel vm1, $0x4000, v3;
	v3 =	vnsel vm0, $0x4000, v6  }
0x77: {  	[tilespmem:s0+$0x0] =	vst v1;
	v1 =	vpack.i.b32.b16 v2, v3  }
0x78: {  	[tilespmem:s0+$0xFFFFFFF0] =	vst v1  }
0x79: {  	s0 =	rddreg [dreg:$0x9]  }
0x7a: {  	[tilespmem:s21], [sflag:$0x1] =	stream.linear.gather [hbm4b:s0+s9], $0x3000, $0x38;
	[tilespmem:$0x18A00] =	vst v63  }
0x7b: {  	s15 =	rddreg [dreg:$0xa]  }
0x7c: {  	[tilespmem:s22], [sflag:$0x1] =	stream.linear.gather [hbm4b:s15+s9], $0x3000, $0x38;
	[tilespmem:$0x18A00] =	vst v63  }
0x7d: {  	_ =	swait.ge [sflag:s23], $0x3000  }
0x7e: {  	[sflag:s23] =	ssyncset.done $0x0  }
0x7f: {  	[sflag:s23] =	ssyncadd.s32 $0xFFFFD000  }
0x80: {  	_ =	swait.ge [sflag:s23], $0x3000  }
0x81: {  	[sflag:s23] =	ssyncset.done $0x0  }
0x82: {  	s16 =	simm.s32 $0x4820;
	[sflag:s23] =	ssyncadd.s32 $0xFFFFD000  }
0x83: {  	s30 =	simm.s32 $0x88A0;
	v2 =	vld [tilespmem:s16+$0x0]  }
0x84: {  	v3 =	vld [tilespmem:s30+$0x0]  }
0x85: {  	v4 =	vld [tilespmem:s30+$0x10]  }
0x86: {  	v5 =	vld [tilespmem:s16+$0x10]  }
0x87: {  	v6 =	vld [tilespmem:s30+$0xFFFFFFE0]  }
0x88: {  	v7 =	vld [tilespmem:s30+$0xFFFFFFF0]  }
0x89: {  	v8 =	vld [tilespmem:s16+$0xFFFFFFF0]  }
0x8a: {  	s6 =	simm.s32 $0x4860;
	v9 =	vld [tilespmem:s16+$0xFFFFFFE0]  }
0x8b: {  	s0 =	simm.s32 $0x88E0;
	v1 =	vld [tilespmem:s6+$0x0]  }
0x8c: {  	v10 =	vld [tilespmem:s0+$0x0]  }
0x8d: {  	v11 =	vld [tilespmem:s0+$0x10];
	vm0 =	vgt.f32 v3, $0.0e+00  }
0x8e: {  	vm1 =	vgt.f32 v4, $0.0e+00;
	v3 =	vnsel vm0, $0x4000, v2;
	v2 =	vld [tilespmem:s6+$0x10]  }
0x8f: {  	v4 =	vld [tilespmem:s0+$0xFFFFFFE0];
	vm0 =	vgt.f32 v6, $0.0e+00;
	v5 =	vnsel vm1, $0x4000, v5;
	vm1 =	vgt.f32 v7, $0.0e+00  }
0x90: {  	s2 =	simm.s32 $0x3010;
	v3 =	vpack.i.b32.b16 v5, v3;
	v6 =	vnsel vm1, $0x4000, v8;
	v7 =	vnsel vm0, $0x4000, v9;
	v5 =	vld [tilespmem:s0+$0xFFFFFFF0]  }
0x91: {  	[tilespmem:s2+$0x0] =	vst v3;
	v6 =	vpack.i.b32.b16 v6, v7;
	v3 =	vld [tilespmem:s6+$0xFFFFFFF0]  }
0x92: {  	s4 =	simm.s32 $0x2;
	vm1 =	vgt.f32 v10, $0.0e+00;
	vm0 =	vgt.f32 v11, $0.0e+00;
	[tilespmem:s2+$0xFFFFFFF0] =	vst v6;
	v6 =	vld [tilespmem:s6+$0xFFFFFFE0];
	s6 =	simm.s32 $0x48A0  }
.LBB2_6:
0x93: {  	v7 =	vnsel vm1, $0x4000, v1;
	v1 =	vld [tilespmem:s6+$0x0];
	v2 =	vnsel vm0, $0x4000, v2;
	s0 =	sadd.s32 $0x40, s0  }
0x94: {  	s2 =	sadd.s32 $0x20, s2;
	s4 =	sadd.s32 $0x2, s4;
	v8 =	vld [tilespmem:s0+$0x0];
	vm0 =	vgt.f32 v4, $0.0e+00;
	v2 =	vpack.i.b32.b16 v2, v7  }
0x95: {  	p0 =	slt.u32 s4, $0x17E;
	v7 =	vld [tilespmem:s0+$0x10];
	vm1 =	vgt.f32 v5, $0.0e+00;
	[tilespmem:s2+$0x0] =	vst v2  }
.Ltmp4:
0x96: {  	v2 =	vld [tilespmem:s6+$0x10];
	v3 =	vnsel vm1, $0x4000, v3;
	(pc) =	sbr.rel @p0 .LBB2_6-.Ltmp4, $4  }
0x97: {  	v4 =	vld [tilespmem:s0+$0xFFFFFFE0];
	v6 =	vnsel vm0, $0x4000, v6  }
0x98: {  	v5 =	vld [tilespmem:s0+$0xFFFFFFF0];
	v6 =	vpack.i.b32.b16 v3, v6  }
0x99: {  	v3 =	vld [tilespmem:s6+$0xFFFFFFF0];
	[tilespmem:s2+$0xFFFFFFF0] =	vst v6  }
0x9a: {  	vm1 =	vgt.f32 v8, $0.0e+00;
	v6 =	vld [tilespmem:s6+$0xFFFFFFE0];
	vm0 =	vgt.f32 v7, $0.0e+00;
	s6 =	sadd.s32 $0x40, s6  }
0x9b: {  	_ =	sdelay $0x1  }
0x9c: {  	v1 =	vnsel vm1, $0x4000, v1  }
0x9d: {  	v2 =	vnsel vm0, $0x4000, v2;
	vm14 =	vgt.f32 v4, $0.0e+00;
	vm15 =	vgt.f32 v5, $0.0e+00  }
0x9e: {  	s0 =	sadd.s32 $0x20, s2;
	v1 =	vpack.i.b32.b16 v2, v1;
	v2 =	vnsel vm15, $0x4000, v3;
	v3 =	vnsel vm14, $0x4000, v6  }
0x9f: {  	[tilespmem:s0+$0x0] =	vst v1;
	v1 =	vpack.i.b32.b16 v2, v3  }
0xa0: {  	[tilespmem:s0+$0xFFFFFFF0] =	vst v1  }
0xa1: {  	[tilespmem:$0x8800] =	vst v0  }
0xa2: {  	[tilespmem:$0xC880] =	vst v0  }
0xa3: {  	[tilespmem:$0x10900] =	vst v0  }
0xa4: {  	[tilespmem:$0x14980] =	vst v0;
	s0 =	rddreg [dreg:$0xb]  }
0xa5: {  	[tilespmem:s21], [sflag:$0x1] =	stream.strided.gather [hbm4b:s0+s17], $0x4000, s18, s17, $0x38;
	[tilespmem:$0x18A00] =	vst v63  }
0xa6: {  	s2 =	simm.s32 $0x0;
	s30 =	rddreg [dreg:$0xc];
	s0 =	simm.s32 $0x0  }
0xa7: {  	[tilespmem:s22], [sflag:$0x1] =	stream.strided.gather [hbm4b:s30+s17], $0x4000, s18, s17, $0x38;
	[tilespmem:$0x18A00] =	vst v63  }
.LBB2_8:
0xa8: {  	_ =	swait.ge [sflag:s24], $0x4000  }
0xa9: {  	[sflag:s24] =	ssyncset.done $0x0  }
0xaa: {  	[sflag:s24] =	ssyncadd.s32 $0xFFFFC000  }
0xab: {  	_ =	swait.ge [sflag:s24], $0x4000  }
0xac: {  	p0 =	seq.s32 s2, $0x0;
	[sflag:s24] =	ssyncset.done $0x0  }
0xad: {  	s4 =	simm.s32 @!p0 $0x4;
	[sflag:s24] =	ssyncadd.s32 $0xFFFFC000  }
0xae: {  	_ =	swait.ge @!p0 [sflag:s4], $0x1000  }
0xaf: {  	[sflag:s4] =	ssyncset.done @!p0 $0x0  }
0xb0: {  	[sflag:s4] =	ssyncadd.s32 @!p0 $0xFFFFF000  }
0xb1: {  	_ =	swait.ge @!p0 [sflag:s4], $0x1000  }
0xb2: {  	[sflag:s4] =	ssyncset.done @!p0 $0x0  }
0xb3: {  	s16 =	sand.u32 $0x7F0, s0;
	[sflag:s4] =	ssyncadd.s32 @!p0 $0xFFFFF000  }
0xb4: {  	v1 =	vld [tilespmem:s16+$0x800];
	_ =	sdelay $0x1  }
0xb5: {  	v4 =	vld [tilespmem:s16+$0x1000]  }
0xb6: {  	v11 =	vld [tilespmem:s16+$0x4000]  }
0xb7: {  	v14 =	vld [tilespmem:s16+$0x3800]  }
0xb8: {  	v6 =	vld [tilespmem:s16+$0x3000];
	v3 =	vunpack.i.l.s16.s32 v1  }
0xb9: {  	v9 =	vld [tilespmem:s16+$0x2800]  }
0xba: {  	v12 =	vld [tilespmem:s16+$0x1800];
	v7 =	vunpack.i.l.s16.s32 v4  }
0xbb: {  	v8 =	vld [tilespmem:s16+$0x2000];
	v2 =	vunpack.i.l.s16.s32 v11  }
0xbc: {  	v13 =	vld [tilespmem:s0+$0x0];
	v10 =	vunpack.i.u.s16.s32 v1  }
0xbd: {  	v15 =	vunpack.i.u.s16.s32 v6;
	v18 =	vld.idx.msk [tilespmem:v3+s19+$0x0], $0xffff  }
0xbe: {  	v16 =	vld.idx.msk [tilespmem:v3+s20+$0x0], $0xffff  }
0xbf: {  	v17 =	vunpack.i.l.s16.s32 v9;
	v5 =	vld.idx.msk [tilespmem:v7+s19+$0x0], $0xffff  }
0xc0: {  	v1 =	vld.idx.msk [tilespmem:v2+s20+$0x0], $0xffff  }
0xc1: {  	v19 =	vld.idx.msk [tilespmem:v10+s19+$0x0], $0xffff  }
0xc2: {  	v20 =	vunpack.i.l.s16.s32 v6;
	v3 =	vld.idx.msk [tilespmem:v15+s19+$0x0], $0xffff  }
0xc3: {  	v21 =	vunpack.i.u.s16.s32 v4;
	v22 =	vld.idx.msk [tilespmem:v7+s20+$0x0], $0xffff  }
0xc4: {  	v23 =	vunpack.i.u.s16.s32 v8;
	v4 =	vld.idx.msk [tilespmem:v17+s19+$0x0], $0xffff  }
0xc5: {  	v6 =	vld.idx.msk [tilespmem:v15+s20+$0x0], $0xffff  }
0xc6: {  	v15 =	vld.idx.msk [tilespmem:v10+s20+$0x0], $0xffff  }
0xc7: {  	v7 =	vld.idx.msk [tilespmem:v20+s20+$0x0], $0xffff  }
0xc8: {  	v24 =	vunpack.i.l.s16.s32 v13;
	v25 =	vld.idx.msk [tilespmem:v21+s20+$0x0], $0xffff  }
0xc9: {  	v13 =	vunpack.i.u.s16.s32 v13;
	v26 =	vld.idx.msk [tilespmem:v23+s20+$0x0], $0xffff  }
0xca: {  	v27 =	vunpack.i.u.s16.s32 v12;
	v21 =	vld.idx.msk [tilespmem:v21+s19+$0x0], $0xffff  }
0xcb: {  	v28 =	vunpack.i.l.s16.s32 v8;
	v8 =	vld.idx.msk [tilespmem:v17+s20+$0x0], $0xffff  }
0xcc: {  	v10 =	vld.idx.msk [tilespmem:v23+s19+$0x0], $0xffff  }
0xcd: {  	v23 =	vld.idx.msk [tilespmem:v24+s20+$0x0], $0xffff  }
0xce: {  	v12 =	vunpack.i.l.s16.s32 v12;
	v17 =	vld.idx.msk [tilespmem:v13+s20+$0x0], $0xffff  }
0xcf: {  	v30 =	vld.idx.msk [tilespmem:v27+s20+$0x0], $0xffff  }
0xd0: {  	v29 =	vunpack.i.u.s16.s32 v9;
	v9 =	vld.idx.msk [tilespmem:v28+s19+$0x0], $0xffff  }
0xd1: {  	v27 =	vld.idx.msk [tilespmem:v27+s19+$0x0], $0xffff  }
0xd2: {  	v31 =	vld.idx.msk [tilespmem:v13+s19+$0x0], $0xffff  }
0xd3: {  	v32 =	vld.idx.msk [tilespmem:v12+s20+$0x0], $0xffff  }
0xd4: {  	v34 =	vunpack.i.u.s16.s32 v14;
	v24 =	vld.idx.msk [tilespmem:v24+s19+$0x0], $0xffff  }
0xd5: {  	v33 =	vld.idx.msk [tilespmem:v29+s20+$0x0], $0xffff  }
0xd6: {  	v12 =	vld.idx.msk [tilespmem:v12+s19+$0x0], $0xffff;
	v15 =	vadd.f32 v15, v17  }
0xd7: {  	v13 =	vld.idx.msk [tilespmem:v29+s19+$0x0], $0xffff;
	v17 =	vunpack.i.u.s16.s32 v11  }
0xd8: {  	v62 =	vunpack.i.l.s16.s32 v14;
	v63 =	vld.idx.msk [tilespmem:v28+s20+$0x0], $0xffff;
	v11 =	vadd.f32 v16, v23;
	v14 =	vadd.f32 v25, v15  }
0xd9: {  	v16 =	vadd.f32 v19, v31;
	v23 =	vadd.f32 v18, v24;
	v18 =	vld.idx.msk [tilespmem:v34+s19+$0x0], $0xffff  }
0xda: {  	v15 =	vld.idx.msk [tilespmem:v34+s20+$0x0], $0xffff;
	v19 =	vadd.f32 v22, v11;
	v14 =	vadd.f32 v30, v14  }
0xdb: {  	s30 =	sshll.u32 s2, $0x6;
	s9 =	sshll.u32 s2, $0x2;
	s14 =	simm.s32 $0x17A10;
	v11 =	vld.idx.msk [tilespmem:v20+s19+$0x0], $0xffff;
	v20 =	vadd.f32 v21, v16  }
0xdc: {  	s12 =	simm.s32 $0x16A10;
	s15 =	simm.s32 $0x0;
	s7 =	simm.s32 $0x10;
	v19 =	vadd.f32 v32, v19;
	v16 =	vld.idx.msk [tilespmem:v17+s20+$0x0], $0xffff;
	v26 =	vadd.f32 v26, v14  }
0xdd: {  	s6 =	simm.s32 $0x10;
	s13 =	simm.s32 $0x17A10;
	s4 =	sand.u32 $0x40, s30;
	v22 =	vadd.f32 v27, v20;
	v14 =	vld.idx.msk [tilespmem:v62+s19+$0x0], $0xffff  }
0xde: {  	s10 =	sadd.s32 s8, s9;
	s11 =	sor.u32 $0x10, s4;
	s16 =	simm.s32 $0x16A30;
	v21 =	vadd.f32 v63, v19;
	v19 =	vld.idx.msk [tilespmem:v62+s20+$0x0], $0xffff;
	v20 =	vadd.f32 v33, v26  }
.LBB2_9:
0xdf: {  	s30 =	sand.u32 $0x7F0, s7;
	s15 =	sadd.s32 $0x2, s15;
	v5 =	vadd.f32 v5, v23;
	v10 =	vadd.f32 v10, v22;
	v17 =	vld.idx.msk [tilespmem:v17+s19+$0x0], $0xffff;
	s14 =	sadd.s32 $0x20, s14  }
0xe0: {  	v22 =	vld [tilespmem:s30+$0x800];
	p1 =	slt.u32 s15, $0xFE;
	v8 =	vadd.f32 v8, v21;
	v6 =	vadd.f32 v6, v20  }
0xe1: {  	v20 =	vld [tilespmem:s30+$0x1000];
	v5 =	vadd.f32 v12, v5;
	v10 =	vadd.f32 v13, v10  }
0xe2: {  	v7 =	vadd.f32 v7, v8;
	v6 =	vadd.f32 v15, v6;
	v8 =	vld.idx.msk [tilespmem:v2+s19+$0x0], $0xffff  }
0xe3: {  	v15 =	vld [tilespmem:s30+$0x4000];
	v2 =	vadd.f32 v9, v5;
	v3 =	vadd.f32 v3, v10  }
0xe4: {  	v21 =	vld [tilespmem:s30+$0x3800];
	v5 =	vadd.f32 v19, v7;
	v6 =	vadd.f32 v16, v6  }
0xe5: {  	v7 =	vunpack.i.l.s16.s32 v22;
	v9 =	vld [tilespmem:s30+$0x3000];
	v2 =	vadd.f32 v4, v2;
	v3 =	vadd.f32 v18, v3  }
0xe6: {  	v10 =	vunpack.i.u.s16.s32 v22;
	v12 =	vld [tilespmem:s30+$0x2800];
	v4 =	vadd.f32 v1, v5  }
0xe7: {  	v13 =	vunpack.i.l.s16.s32 v20;
	v16 =	vld [tilespmem:s30+$0x1800];
	v1 =	vadd.f32 v11, v2;
	v3 =	vadd.f32 v17, v3  }
0xe8: {  	v11 =	vld [tilespmem:s30+$0x2000];
	v2 =	vunpack.i.l.s16.s32 v15  }
0xe9: {  	v17 =	vld [tilespmem:s6+$0x0];
	v1 =	vadd.f32 v14, v1;
	v3 =	vmul.f32 $1.111111120e-01, v3  }
0xea: {  	v18 =	vld.idx.msk [tilespmem:v7+s19+$0x0], $0xffff;
	v14 =	vunpack.i.u.s16.s32 v9;
	v19 =	vunpack.i.l.s16.s32 v9  }
0xeb: {  	v9 =	vunpack.i.u.s16.s32 v20;
	v22 =	vld.idx.msk [tilespmem:v7+s20+$0x0], $0xffff;
	v20 =	vunpack.i.l.s16.s32 v12;
	v7 =	vadd.f32 v8, v1;
	[tilespmem:s12+$0x0] =	vst v3  }
0xec: {  	v5 =	vld.idx.msk [tilespmem:v13+s19+$0x0], $0xffff  }
0xed: {  	v4 =	vmul.f32 $1.111111120e-01, v4;
	v23 =	vunpack.i.u.s16.s32 v11;
	v1 =	vld.idx.msk [tilespmem:v2+s20+$0x0], $0xffff;
	v7 =	vmul.f32 $1.111111120e-01, v7  }
0xee: {  	v6 =	vmul.f32 $1.111111120e-01, v6;
	v24 =	vunpack.i.u.s16.s32 v17;
	v25 =	vunpack.i.l.s16.s32 v17;
	v26 =	vld.idx.msk [tilespmem:v10+s19+$0x0], $0xffff  }
0xef: {  	v3 =	vld.idx.msk [tilespmem:v14+s19+$0x0], $0xffff;
	[tilespmem:s12+$0xFFFFFFF0] =	vst v7;
	s12 =	smov.u32 s16  }
0xf0: {  	v27 =	vld.idx.msk [tilespmem:v13+s20+$0x0], $0xffff;
	[tilespmem:s13+$0xFFFFFFF0] =	vst v4  }
0xf1: {  	v4 =	vld.idx.msk [tilespmem:v20+s19+$0x0], $0xffff;
	[tilespmem:s13+$0x0] =	vst v6;
	s13 =	smov.u32 s14  }
0xf2: {  	v13 =	vunpack.i.u.s16.s32 v16;
	v6 =	vld.idx.msk [tilespmem:v14+s20+$0x0], $0xffff  }
0xf3: {  	v14 =	vld.idx.msk [tilespmem:v10+s20+$0x0], $0xffff  }
0xf4: {  	v16 =	vunpack.i.l.s16.s32 v16;
	v7 =	vld.idx.msk [tilespmem:v19+s20+$0x0], $0xffff  }
0xf5: {  	v17 =	vld.idx.msk [tilespmem:v9+s20+$0x0], $0xffff  }
0xf6: {  	v11 =	vunpack.i.l.s16.s32 v11;
	v28 =	vld.idx.msk [tilespmem:v23+s20+$0x0], $0xffff  }
0xf7: {  	v29 =	vld.idx.msk [tilespmem:v9+s19+$0x0], $0xffff  }
0xf8: {  	v8 =	vld.idx.msk [tilespmem:v20+s20+$0x0], $0xffff  }
0xf9: {  	v20 =	vunpack.i.u.s16.s32 v12;
	v10 =	vld.idx.msk [tilespmem:v23+s19+$0x0], $0xffff  }
0xfa: {  	v12 =	vld.idx.msk [tilespmem:v25+s20+$0x0], $0xffff  }
0xfb: {  	v23 =	vld.idx.msk [tilespmem:v24+s20+$0x0], $0xffff  }
0xfc: {  	v30 =	vld.idx.msk [tilespmem:v13+s20+$0x0], $0xffff  }
0xfd: {  	v9 =	vld.idx.msk [tilespmem:v11+s19+$0x0], $0xffff  }
0xfe: {  	v31 =	vld.idx.msk [tilespmem:v13+s19+$0x0], $0xffff  }
0xff: {  	v24 =	vld.idx.msk [tilespmem:v24+s19+$0x0], $0xffff  }
0x100: {  	v22 =	vadd.f32 v22, v12;
	v32 =	vld.idx.msk [tilespmem:v16+s20+$0x0], $0xffff  }
0x101: {  	v34 =	vunpack.i.u.s16.s32 v21;
	v13 =	vadd.f32 v14, v23;
	v33 =	vld.idx.msk [tilespmem:v20+s20+$0x0], $0xffff  }
0x102: {  	v12 =	vld.idx.msk [tilespmem:v16+s19+$0x0], $0xffff  }
0x103: {  	v14 =	vadd.f32 v17, v13;
	v17 =	vunpack.i.u.s16.s32 v15;
	v13 =	vld.idx.msk [tilespmem:v20+s19+$0x0], $0xffff  }
0x104: {  	v20 =	vld.idx.msk [tilespmem:v25+s19+$0x0], $0xffff;
	v25 =	vunpack.i.l.s16.s32 v21  }
0x105: {  	v16 =	vadd.f32 v26, v24;
	v14 =	vadd.f32 v30, v14;
	v21 =	vld.idx.msk [tilespmem:v11+s20+$0x0], $0xffff  }
0x106: {  	v15 =	vld.idx.msk [tilespmem:v34+s20+$0x0], $0xffff  }
.Ltmp5:
0x107: {  	v22 =	vadd.f32 v27, v22;
	v24 =	vadd.f32 v29, v16;
	v11 =	vld.idx.msk [tilespmem:v19+s19+$0x0], $0xffff;
	(pc) =	sbr.rel @p1 .LBB2_9-.Ltmp5, $4  }
0x108: {  	v19 =	vadd.f32 v28, v14;
	v16 =	vld.idx.msk [tilespmem:v17+s20+$0x0], $0xffff  }
0x109: {  	v26 =	vadd.f32 v32, v22;
	v14 =	vld.idx.msk [tilespmem:v25+s19+$0x0], $0xffff  }
0x10a: {  	v22 =	vadd.f32 v31, v24;
	v23 =	vadd.f32 v18, v20;
	v18 =	vld.idx.msk [tilespmem:v34+s19+$0x0], $0xffff  }
0x10b: {  	s7 =	sadd.s32 $0x10, s7;
	s6 =	sadd.s32 $0x10, s6;
	s16 =	sadd.s32 $0x20, s16;
	v20 =	vadd.f32 v33, v19;
	v21 =	vadd.f32 v21, v26;
	v19 =	vld.idx.msk [tilespmem:v25+s20+$0x0], $0xffff  }
0x10c: {  	v5 =	vadd.f32 v5, v23;
	_ =	sdelay $0x1  }
0x10d: {  	v5 =	vadd.f32 v12, v5  }
0x10e: {  	v10 =	vadd.f32 v10, v22  }
0x10f: {  	v5 =	vadd.f32 v9, v5  }
0x110: {  	v9 =	vadd.f32 v13, v10  }
0x111: {  	v10 =	vld.idx.msk [tilespmem:v17+s19+$0x0], $0xffff;
	v4 =	vadd.f32 v4, v5  }
0x112: {  	v2 =	vld.idx.msk [tilespmem:v2+s19+$0x0], $0xffff;
	v5 =	vadd.f32 v8, v21;
	v3 =	vadd.f32 v3, v9  }
0x113: {  	v4 =	vadd.f32 v11, v4  }
0x114: {  	v5 =	vadd.f32 v7, v5;
	v3 =	vadd.f32 v18, v3  }
0x115: {  	v6 =	vadd.f32 v6, v20;
	v4 =	vadd.f32 v14, v4  }
0x116: {  	v5 =	vadd.f32 v19, v5;
	v3 =	vadd.f32 v10, v3  }
0x117: {  	v6 =	vadd.f32 v15, v6;
	v2 =	vadd.f32 v2, v4  }
0x118: {  	v1 =	vadd.f32 v1, v5;
	v3 =	vmul.f32 $1.111111120e-01, v3  }
0x119: {  	v4 =	vadd.f32 v16, v6;
	v2 =	vmul.f32 $1.111111120e-01, v2  }
0x11a: {  	[tilespmem:s12+$0x0] =	vst v3;
	v1 =	vmul.f32 $1.111111120e-01, v1  }
0x11b: {  	s6 =	sshll.u32 s10, $0x9;
	v3 =	vmul.f32 $1.111111120e-01, v4;
	[tilespmem:s12+$0xFFFFFFF0] =	vst v2  }
0x11c: {  	s7 =	sadd.s32 s5, s4;
	s6 =	sand.u32 $0xFFFF000, s6;
	[tilespmem:s13+$0xFFFFFFF0] =	vst v1  }
0x11d: {  	s14 =	sadd.s32 s5, s11;
	s7 =	sadd.s32 s6, s7;
	[tilespmem:s13+$0x0] =	vst v3  }
0x11e: {  	[hbm4b:s7+s17] =	stream.strided.scatter [tilespmem:s25], [sflag:$0x4], $0x1000, s18, s17, $0x38;
	[tilespmem:$0x18A00] =	vst v63  }
0x11f: {  	p1 =	seq.s32 s2, $0xB;
	s6 =	sadd.s32 s6, s14  }
0x120: {  	[hbm4b:s6+s17] =	stream.strided.scatter [tilespmem:s26], [sflag:$0x4], $0x1000, s18, s17, $0x38;
	[tilespmem:$0x18A00] =	vst v63  }
0x121: {  	s6 =	sadd.s32 @!p1 $0x4, s10  }
0x122: {  	s7 =	sshll.u32 @!p1 s6, $0x4  }
0x123: {  	s6 =	sshll.u32 @!p1 s6, $0xB;
	s7 =	sand.u32 @!p1 $0x40, s7  }
0x124: {  	s11 =	simm.s32 @!p1 $0x400;
	s6 =	sand.u32 @!p1 $0xFFFC000, s6;
	s7 =	sadd.s32 @!p1 s1, s7  }
0x125: {  	s12 =	simm.s32 @!p1 $0xC900;
	s6 =	sadd.s32 @!p1 s6, s7;
	s7 =	simm.s32 @!p1 $0x80  }
0x126: {  	[tilespmem:s12], [sflag:$0x2] =	stream.strided.gather @!p1 [hbm4b:s6+s7], $0x4000, s11, s7, $0x38;
	[tilespmem:$0x18A00] =	vst v63  }
0x127: {  	s6 =	sadd.s32 @!p1 $0x5, s10  }
0x128: {  	s10 =	sshll.u32 @!p1 s6, $0x4  }
0x129: {  	s6 =	sshll.u32 @!p1 s6, $0xB;
	s10 =	sand.u32 @!p1 $0x50, s10  }
0x12a: {  	s6 =	sand.u32 @!p1 $0xFFFC000, s6;
	s10 =	sadd.s32 @!p1 s1, s10  }
0x12b: {  	s6 =	sadd.s32 @!p1 s6, s10;
	s10 =	simm.s32 @!p1 $0x10980  }
0x12c: {  	[tilespmem:s10], [sflag:$0x2] =	stream.strided.gather @!p1 [hbm4b:s6+s7], $0x4000, s11, s7, $0x38;
	[tilespmem:$0x18A00] =	vst v63  }
0x12d: {  	_ =	swait.ge [sflag:s23], $0x4000  }
0x12e: {  	[sflag:s23] =	ssyncset.done $0x0  }
0x12f: {  	[sflag:s23] =	ssyncadd.s32 $0xFFFFC000  }
0x130: {  	_ =	swait.ge [sflag:s23], $0x4000  }
0x131: {  	[sflag:s23] =	ssyncset.done $0x0  }
0x132: {  	s6 =	simm.s32 @!p0 $0x3;
	[sflag:s23] =	ssyncadd.s32 $0xFFFFC000  }
0x133: {  	_ =	swait.ge @!p0 [sflag:s6], $0x1000  }
0x134: {  	[sflag:s6] =	ssyncset.done @!p0 $0x0  }
0x135: {  	[sflag:s6] =	ssyncadd.s32 @!p0 $0xFFFFF000  }
0x136: {  	_ =	swait.ge @!p0 [sflag:s6], $0x1000  }
0x137: {  	s15 =	simm.s32 $0x0;
	[sflag:s6] =	ssyncset.done @!p0 $0x0  }
0x138: {  	s16 =	sand.u32 $0x7F0, s15;
	[sflag:s6] =	ssyncadd.s32 @!p0 $0xFFFFF000  }
0x139: {  	v1 =	vld [tilespmem:s16+$0x800];
	_ =	sdelay $0x1  }
0x13a: {  	v4 =	vld [tilespmem:s16+$0x1000]  }
0x13b: {  	v11 =	vld [tilespmem:s16+$0x4000]  }
0x13c: {  	v14 =	vld [tilespmem:s16+$0x3800]  }
0x13d: {  	v6 =	vld [tilespmem:s16+$0x3000];
	v3 =	vunpack.i.l.s16.s32 v1  }
0x13e: {  	v9 =	vld [tilespmem:s16+$0x2800]  }
0x13f: {  	v12 =	vld [tilespmem:s16+$0x1800];
	v7 =	vunpack.i.l.s16.s32 v4  }
0x140: {  	v8 =	vld [tilespmem:s16+$0x2000];
	v2 =	vunpack.i.l.s16.s32 v11  }
0x141: {  	v13 =	vld [tilespmem:s15+$0x0];
	v10 =	vunpack.i.u.s16.s32 v1  }
0x142: {  	v15 =	vunpack.i.u.s16.s32 v6;
	v18 =	vld.idx.msk [tilespmem:v3+s21+$0x0], $0xffff  }
0x143: {  	v16 =	vld.idx.msk [tilespmem:v3+s22+$0x0], $0xffff  }
0x144: {  	v17 =	vunpack.i.l.s16.s32 v9;
	v5 =	vld.idx.msk [tilespmem:v7+s21+$0x0], $0xffff  }
0x145: {  	v1 =	vld.idx.msk [tilespmem:v2+s22+$0x0], $0xffff  }
0x146: {  	v19 =	vld.idx.msk [tilespmem:v10+s21+$0x0], $0xffff  }
0x147: {  	v20 =	vunpack.i.l.s16.s32 v6;
	v3 =	vld.idx.msk [tilespmem:v15+s21+$0x0], $0xffff  }
0x148: {  	v21 =	vunpack.i.u.s16.s32 v4;
	v22 =	vld.idx.msk [tilespmem:v7+s22+$0x0], $0xffff  }
0x149: {  	v23 =	vunpack.i.u.s16.s32 v8;
	v4 =	vld.idx.msk [tilespmem:v17+s21+$0x0], $0xffff  }
0x14a: {  	v6 =	vld.idx.msk [tilespmem:v15+s22+$0x0], $0xffff  }
0x14b: {  	v15 =	vld.idx.msk [tilespmem:v10+s22+$0x0], $0xffff  }
0x14c: {  	v7 =	vld.idx.msk [tilespmem:v20+s22+$0x0], $0xffff  }
0x14d: {  	v24 =	vunpack.i.l.s16.s32 v13;
	v25 =	vld.idx.msk [tilespmem:v21+s22+$0x0], $0xffff  }
0x14e: {  	v13 =	vunpack.i.u.s16.s32 v13;
	v26 =	vld.idx.msk [tilespmem:v23+s22+$0x0], $0xffff  }
0x14f: {  	v27 =	vunpack.i.u.s16.s32 v12;
	v21 =	vld.idx.msk [tilespmem:v21+s21+$0x0], $0xffff  }
0x150: {  	v28 =	vunpack.i.l.s16.s32 v8;
	v8 =	vld.idx.msk [tilespmem:v17+s22+$0x0], $0xffff  }
0x151: {  	v10 =	vld.idx.msk [tilespmem:v23+s21+$0x0], $0xffff  }
0x152: {  	v23 =	vld.idx.msk [tilespmem:v24+s22+$0x0], $0xffff  }
0x153: {  	v12 =	vunpack.i.l.s16.s32 v12;
	v17 =	vld.idx.msk [tilespmem:v13+s22+$0x0], $0xffff  }
0x154: {  	v30 =	vld.idx.msk [tilespmem:v27+s22+$0x0], $0xffff  }
0x155: {  	v29 =	vunpack.i.u.s16.s32 v9;
	v9 =	vld.idx.msk [tilespmem:v28+s21+$0x0], $0xffff  }
0x156: {  	v27 =	vld.idx.msk [tilespmem:v27+s21+$0x0], $0xffff  }
0x157: {  	v31 =	vld.idx.msk [tilespmem:v13+s21+$0x0], $0xffff  }
0x158: {  	v32 =	vld.idx.msk [tilespmem:v12+s22+$0x0], $0xffff  }
0x159: {  	v34 =	vunpack.i.u.s16.s32 v14;
	v24 =	vld.idx.msk [tilespmem:v24+s21+$0x0], $0xffff  }
0x15a: {  	v33 =	vld.idx.msk [tilespmem:v29+s22+$0x0], $0xffff  }
0x15b: {  	v12 =	vld.idx.msk [tilespmem:v12+s21+$0x0], $0xffff;
	v15 =	vadd.f32 v15, v17  }
0x15c: {  	v13 =	vld.idx.msk [tilespmem:v29+s21+$0x0], $0xffff;
	v17 =	vunpack.i.u.s16.s32 v11  }
0x15d: {  	v62 =	vunpack.i.l.s16.s32 v14;
	v63 =	vld.idx.msk [tilespmem:v28+s22+$0x0], $0xffff;
	v11 =	vadd.f32 v16, v23;
	v14 =	vadd.f32 v25, v15  }
0x15e: {  	v16 =	vadd.f32 v19, v31;
	v23 =	vadd.f32 v18, v24;
	v18 =	vld.idx.msk [tilespmem:v34+s21+$0x0], $0xffff  }
0x15f: {  	s30 =	sor.u32 $0x2, s9;
	v15 =	vld.idx.msk [tilespmem:v34+s22+$0x0], $0xffff;
	v19 =	vadd.f32 v22, v11;
	v14 =	vadd.f32 v30, v14  }
0x160: {  	s4 =	sor.u32 $0x30, s4;
	s9 =	sadd.s32 s8, s30;
	v11 =	vld.idx.msk [tilespmem:v20+s21+$0x0], $0xffff;
	v20 =	vadd.f32 v21, v16  }
0x161: {  	s14 =	simm.s32 $0x0;
	s13 =	simm.s32 $0x15A10;
	s12 =	simm.s32 $0x15A10;
	v19 =	vadd.f32 v32, v19;
	v16 =	vld.idx.msk [tilespmem:v17+s22+$0x0], $0xffff;
	v26 =	vadd.f32 v26, v14  }
0x162: {  	s11 =	simm.s32 $0x14A10;
	s7 =	simm.s32 $0x10;
	s6 =	sshll.u32 s30, $0x4;
	v22 =	vadd.f32 v27, v20;
	v14 =	vld.idx.msk [tilespmem:v62+s21+$0x0], $0xffff  }
0x163: {  	s10 =	sand.u32 $0x60, s6;
	s15 =	simm.s32 $0x14A30;
	s6 =	simm.s32 $0x10;
	v21 =	vadd.f32 v63, v19;
	v19 =	vld.idx.msk [tilespmem:v62+s22+$0x0], $0xffff;
	v20 =	vadd.f32 v33, v26  }
.LBB2_11:
0x164: {  	s16 =	sand.u32 $0x7F0, s7;
	s14 =	sadd.s32 $0x2, s14;
	v5 =	vadd.f32 v5, v23;
	v10 =	vadd.f32 v10, v22;
	v17 =	vld.idx.msk [tilespmem:v17+s21+$0x0], $0xffff;
	s13 =	sadd.s32 $0x20, s13  }
0x165: {  	v22 =	vld [tilespmem:s16+$0x800];
	p0 =	slt.u32 s14, $0xFE;
	v8 =	vadd.f32 v8, v21;
	v6 =	vadd.f32 v6, v20  }
0x166: {  	v20 =	vld [tilespmem:s16+$0x1000];
	v5 =	vadd.f32 v12, v5;
	v10 =	vadd.f32 v13, v10  }
0x167: {  	v7 =	vadd.f32 v7, v8;
	v6 =	vadd.f32 v15, v6;
	v8 =	vld.idx.msk [tilespmem:v2+s21+$0x0], $0xffff  }
0x168: {  	v15 =	vld [tilespmem:s16+$0x4000];
	v2 =	vadd.f32 v9, v5;
	v3 =	vadd.f32 v3, v10  }
0x169: {  	v21 =	vld [tilespmem:s16+$0x3800];
	v5 =	vadd.f32 v19, v7;
	v6 =	vadd.f32 v16, v6  }
0x16a: {  	v7 =	vunpack.i.l.s16.s32 v22;
	v9 =	vld [tilespmem:s16+$0x3000];
	v2 =	vadd.f32 v4, v2;
	v3 =	vadd.f32 v18, v3  }
0x16b: {  	v10 =	vunpack.i.u.s16.s32 v22;
	v12 =	vld [tilespmem:s16+$0x2800];
	v4 =	vadd.f32 v1, v5  }
0x16c: {  	v13 =	vunpack.i.l.s16.s32 v20;
	v16 =	vld [tilespmem:s16+$0x1800];
	v1 =	vadd.f32 v11, v2;
	v3 =	vadd.f32 v17, v3  }
0x16d: {  	v11 =	vld [tilespmem:s16+$0x2000];
	v2 =	vunpack.i.l.s16.s32 v15  }
0x16e: {  	v17 =	vld [tilespmem:s6+$0x0];
	v1 =	vadd.f32 v14, v1;
	v3 =	vmul.f32 $1.111111120e-01, v3  }
0x16f: {  	v18 =	vld.idx.msk [tilespmem:v7+s21+$0x0], $0xffff;
	v14 =	vunpack.i.u.s16.s32 v9;
	v19 =	vunpack.i.l.s16.s32 v9  }
0x170: {  	v9 =	vunpack.i.u.s16.s32 v20;
	v22 =	vld.idx.msk [tilespmem:v7+s22+$0x0], $0xffff;
	v20 =	vunpack.i.l.s16.s32 v12;
	v7 =	vadd.f32 v8, v1;
	[tilespmem:s11+$0x0] =	vst v3  }
0x171: {  	v5 =	vld.idx.msk [tilespmem:v13+s21+$0x0], $0xffff  }
0x172: {  	v4 =	vmul.f32 $1.111111120e-01, v4;
	v23 =	vunpack.i.u.s16.s32 v11;
	v1 =	vld.idx.msk [tilespmem:v2+s22+$0x0], $0xffff;
	v7 =	vmul.f32 $1.111111120e-01, v7  }
0x173: {  	v6 =	vmul.f32 $1.111111120e-01, v6;
	v24 =	vunpack.i.u.s16.s32 v17;
	v25 =	vunpack.i.l.s16.s32 v17;
	v26 =	vld.idx.msk [tilespmem:v10+s21+$0x0], $0xffff  }
0x174: {  	v3 =	vld.idx.msk [tilespmem:v14+s21+$0x0], $0xffff;
	[tilespmem:s11+$0xFFFFFFF0] =	vst v7;
	s11 =	smov.u32 s15  }
0x175: {  	v27 =	vld.idx.msk [tilespmem:v13+s22+$0x0], $0xffff;
	[tilespmem:s12+$0xFFFFFFF0] =	vst v4  }
0x176: {  	v4 =	vld.idx.msk [tilespmem:v20+s21+$0x0], $0xffff;
	[tilespmem:s12+$0x0] =	vst v6;
	s12 =	smov.u32 s13  }
0x177: {  	v13 =	vunpack.i.u.s16.s32 v16;
	v6 =	vld.idx.msk [tilespmem:v14+s22+$0x0], $0xffff  }
0x178: {  	v14 =	vld.idx.msk [tilespmem:v10+s22+$0x0], $0xffff  }
0x179: {  	v16 =	vunpack.i.l.s16.s32 v16;
	v7 =	vld.idx.msk [tilespmem:v19+s22+$0x0], $0xffff  }
0x17a: {  	v17 =	vld.idx.msk [tilespmem:v9+s22+$0x0], $0xffff  }
0x17b: {  	v11 =	vunpack.i.l.s16.s32 v11;
	v28 =	vld.idx.msk [tilespmem:v23+s22+$0x0], $0xffff  }
0x17c: {  	v29 =	vld.idx.msk [tilespmem:v9+s21+$0x0], $0xffff  }
0x17d: {  	v8 =	vld.idx.msk [tilespmem:v20+s22+$0x0], $0xffff  }
0x17e: {  	v20 =	vunpack.i.u.s16.s32 v12;
	v10 =	vld.idx.msk [tilespmem:v23+s21+$0x0], $0xffff  }
0x17f: {  	v12 =	vld.idx.msk [tilespmem:v25+s22+$0x0], $0xffff  }
0x180: {  	v23 =	vld.idx.msk [tilespmem:v24+s22+$0x0], $0xffff  }
0x181: {  	v30 =	vld.idx.msk [tilespmem:v13+s22+$0x0], $0xffff  }
0x182: {  	v9 =	vld.idx.msk [tilespmem:v11+s21+$0x0], $0xffff  }
0x183: {  	v31 =	vld.idx.msk [tilespmem:v13+s21+$0x0], $0xffff  }
0x184: {  	v24 =	vld.idx.msk [tilespmem:v24+s21+$0x0], $0xffff  }
0x185: {  	v22 =	vadd.f32 v22, v12;
	v32 =	vld.idx.msk [tilespmem:v16+s22+$0x0], $0xffff  }
0x186: {  	v34 =	vunpack.i.u.s16.s32 v21;
	v13 =	vadd.f32 v14, v23;
	v33 =	vld.idx.msk [tilespmem:v20+s22+$0x0], $0xffff  }
0x187: {  	v12 =	vld.idx.msk [tilespmem:v16+s21+$0x0], $0xffff  }
0x188: {  	v14 =	vadd.f32 v17, v13;
	v17 =	vunpack.i.u.s16.s32 v15;
	v13 =	vld.idx.msk [tilespmem:v20+s21+$0x0], $0xffff  }
0x189: {  	v20 =	vld.idx.msk [tilespmem:v25+s21+$0x0], $0xffff;
	v25 =	vunpack.i.l.s16.s32 v21  }
0x18a: {  	v16 =	vadd.f32 v26, v24;
	v14 =	vadd.f32 v30, v14;
	v21 =	vld.idx.msk [tilespmem:v11+s22+$0x0], $0xffff  }
0x18b: {  	v15 =	vld.idx.msk [tilespmem:v34+s22+$0x0], $0xffff  }
.Ltmp6:
0x18c: {  	v22 =	vadd.f32 v27, v22;
	v24 =	vadd.f32 v29, v16;
	v11 =	vld.idx.msk [tilespmem:v19+s21+$0x0], $0xffff;
	(pc) =	sbr.rel @p0 .LBB2_11-.Ltmp6, $4  }
0x18d: {  	v19 =	vadd.f32 v28, v14;
	v16 =	vld.idx.msk [tilespmem:v17+s22+$0x0], $0xffff  }
0x18e: {  	v26 =	vadd.f32 v32, v22;
	v14 =	vld.idx.msk [tilespmem:v25+s21+$0x0], $0xffff  }
0x18f: {  	v22 =	vadd.f32 v31, v24;
	v23 =	vadd.f32 v18, v20;
	v18 =	vld.idx.msk [tilespmem:v34+s21+$0x0], $0xffff  }
0x190: {  	s7 =	sadd.s32 $0x10, s7;
	s6 =	sadd.s32 $0x10, s6;
	s15 =	sadd.s32 $0x20, s15;
	v20 =	vadd.f32 v33, v19;
	v21 =	vadd.f32 v21, v26;
	v19 =	vld.idx.msk [tilespmem:v25+s22+$0x0], $0xffff  }
0x191: {  	v5 =	vadd.f32 v5, v23;
	_ =	sdelay $0x1  }
0x192: {  	v5 =	vadd.f32 v12, v5  }
0x193: {  	v10 =	vadd.f32 v10, v22  }
0x194: {  	v5 =	vadd.f32 v9, v5  }
0x195: {  	v60 =	vadd.f32 v13, v10  }
0x196: {  	v61 =	vld.idx.msk [tilespmem:v17+s21+$0x0], $0xffff;
	v4 =	vadd.f32 v4, v5  }
0x197: {  	v2 =	vld.idx.msk [tilespmem:v2+s21+$0x0], $0xffff;
	v62 =	vadd.f32 v8, v21;
	v3 =	vadd.f32 v3, v60  }
0x198: {  	v4 =	vadd.f32 v11, v4  }
0x199: {  	v5 =	vadd.f32 v7, v62;
	v3 =	vadd.f32 v18, v3  }
0x19a: {  	v6 =	vadd.f32 v6, v20;
	v4 =	vadd.f32 v14, v4  }
0x19b: {  	v5 =	vadd.f32 v19, v5;
	v3 =	vadd.f32 v61, v3  }
0x19c: {  	v6 =	vadd.f32 v15, v6;
	v2 =	vadd.f32 v2, v4  }
0x19d: {  	v1 =	vadd.f32 v1, v5;
	v3 =	vmul.f32 $1.111111120e-01, v3  }
0x19e: {  	v63 =	vadd.f32 v16, v6;
	v2 =	vmul.f32 $1.111111120e-01, v2  }
0x19f: {  	[tilespmem:s11+$0x0] =	vst v3;
	v1 =	vmul.f32 $1.111111120e-01, v1  }
0x1a0: {  	s6 =	sshll.u32 s9, $0x9;
	v3 =	vmul.f32 $1.111111120e-01, v63;
	[tilespmem:s11+$0xFFFFFFF0] =	vst v2  }
.Ltmp7:
0x1a1: {  	s7 =	sadd.s32 s5, s10;
	s6 =	sand.u32 $0xFFFF000, s6;
	[tilespmem:s12+$0xFFFFFFF0] =	vst v1;
	(pc) =	sbr.rel @p1 .LBB2_14-.Ltmp7, $4  }
0x1a2: {  	s4 =	sadd.s32 s5, s4;
	s7 =	sadd.s32 s6, s7;
	[tilespmem:s12+$0x0] =	vst v3  }
0x1a3: {  	[hbm4b:s7+s17] =	stream.strided.scatter [tilespmem:s28], [sflag:$0x3], $0x1000, s18, s17, $0x38;
	[tilespmem:$0x18A00] =	vst v63  }
0x1a4: {  	s4 =	sadd.s32 s6, s4  }
0x1a5: {  	[hbm4b:s4+s17] =	stream.strided.scatter [tilespmem:s29], [sflag:$0x3], $0x1000, s18, s17, $0x38;
	[tilespmem:$0x18A00] =	vst v63  }
0x1a6: {  	s4 =	sadd.s32 $0x4, s9  }
0x1a7: {  	s6 =	sshll.u32 s4, $0x4  }
0x1a8: {  	s4 =	sshll.u32 s4, $0xB;
	s6 =	sand.u32 $0x60, s6  }
0x1a9: {  	s4 =	sand.u32 $0xFFFC000, s4;
	s6 =	sadd.s32 s1, s6  }
0x1aa: {  	s16 =	sadd.s32 $0x5, s9;
	s4 =	sadd.s32 s4, s6  }
0x1ab: {  	[tilespmem:s21], [sflag:$0x1] =	stream.strided.gather [hbm4b:s4+s17], $0x4000, s18, s17, $0x38;
	[tilespmem:$0x18A00] =	vst v63  }
.Ltmp8:
0x1ac: {  	s30 =	sshll.u32 s16, $0x4;
	(pc) =	sbr.rel .LBB2_8-.Ltmp8, $4  }
0x1ad: {  	s6 =	sand.u32 $0x70, s30;
	s4 =	sshll.u32 s16, $0xB  }
0x1ae: {  	s6 =	sadd.s32 s1, s6;
	s4 =	sand.u32 $0xFFFC000, s4  }
0x1af: {  	s2 =	sadd.s32 $0x1, s2;
	s4 =	sadd.s32 s4, s6  }
0x1b0: {  	[tilespmem:s22], [sflag:$0x1] =	stream.strided.gather [hbm4b:s4+s17], $0x4000, s18, s17, $0x38;
	[tilespmem:$0x18A00] =	vst v63  }
.LBB2_15:
0x1b1: {  	_ =	sfence.sel $0x180000  }
0x1b2: {  	[bflag:$0x0] =	sbarrier.arrive $0xFFFF  }
0x1b3: {  	_ =	strace $0x90000047  }
0x1b4: {  	s0 =	stileid.u32;
	[bflag:$0x2] =	sbarrier.arrive $0xFFFF  }
0x1b5: {  	p0 =	sne.s32 s0, $0x0;
	s0 =	rddreg [dreg:$0x4]  }
0x1b6: {  	s0 =	sadd.s32 @!p0 $0x100000, s0  }
0x1b7: {  	[sflag:s0] =	ssyncadd.tile.s32 @!p0 $0x1;
	_ =	shalt  }
.Lfunc_end2:
_tile_overlayer_lowered:
.L_overlay_start_2:
0x1b8: {  	(tag) =	ssettag $0x2  }
0x1b9: {  	s0 =	rddreg [dreg:$0x0];
	s2 =	stileid.u32  }
0x1ba: {  	s1 =	rddreg [dreg:$0x1];
	p0 =	sne.s32 s2, $0x0  }
0x1bb: {  	s3 =	rddreg [dreg:$0x2];
	[bflag:$0x3] =	sbarrier.arrive $0xFFFF;
	s2 =	simm.s32 @!p0 $0x1C05  }
0x1bc: {  	[timem:s3], [sflag:s2] =	dma.local @!p0 [hbm:s0], s1  }
0x1bd: {  	s0 =	simm.s32 @!p0 $0x5  }
0x1be: {  	_ =	swait.ge @!p0 [sflag:s0], s1  }
0x1bf: {  	s1 =	ssub.s32 @!p0 $0x0, s1;
	[sflag:s0] =	ssyncset.done @!p0 $0x0  }
0x1c0: {  	[sflag:s0] =	ssyncadd.s32 @!p0 s1  }
0x1c1: {  	[bflag:$0x3] =	sbarrier.arrive $0xFFFF  }
0x1c2: {  	_ =	shalt  }

</sc_bundles>
